<compile_context>
chip_gen: v7x
topology: tpu7x:2x2x1
jax: 0.10.2.dev20260603
libtpu: 0.0.44.dev20260713+nightly
codegen_flags: <defaults>
</compile_context>

<pallas_src>
import functools

import jax
import jax.numpy as jnp
from jax import lax
from jax.experimental import pallas as pl
from jax.experimental.pallas import tpu as pltpu
from jax.experimental.pallas import tpu_sc as plsc

_N = 10000
_D = 128
_H = _D // 2
_E = 320000
_NSUB = 16
_EPW = _E // _NSUB
_NCHUNK = 160
_K = _EPW // _NCHUNK
_NP = 10240
_RPS = _NP // _NSUB
_ZR = 128

_sc_mesh = plsc.VectorSubcoreMesh(core_axis_name="c", subcore_axis_name="s")


@functools.partial(
    pl.kernel,
    out_type=jax.ShapeDtypeStruct((2, _NP, _H), jnp.float32),
    mesh=_sc_mesh,
    scratch_types=[
        pltpu.VMEM((_NCHUNK, _K), jnp.int32),
        pltpu.VMEM((_NCHUNK, _K), jnp.int32),
        [pltpu.VMEM((_K, _H), jnp.float32)] * 3,
        pltpu.VMEM((_ZR, _H), jnp.float32),
        pltpu.VMEM_SHARED((_NP, _H), jnp.float32),
        [pltpu.SemaphoreType.DMA] * 3,
        pltpu.SemaphoreType.DMA,
    ],
    compiler_params=pltpu.CompilerParams(use_tc_tiling_on_sc=False),
)
def _segment_sum_sc(h2_hbm, eidx_hbm, out_hbm,
                    src_v, dst_v, rows, zero_v, agg_sh, gsem, ssem):
    cid = lax.axis_index("c")
    sid = lax.axis_index("s")

    def _zrow(r, carry):
        def _zcol(c, carry2):
            zero_v[r, pl.ds(c * 16, 16)] = jnp.zeros((16,), jnp.float32)
            return carry2
        return lax.fori_loop(0, _H // 16, _zcol, carry)
    lax.fori_loop(0, _ZR, _zrow, None)

    for t in range(_RPS // _ZR):
        pltpu.sync_copy(zero_v, agg_sh.at[pl.ds(sid * _RPS + t * _ZR, _ZR)])
    plsc.subcore_barrier()

    pltpu.sync_copy(eidx_hbm.at[0, sid], src_v)
    pltpu.sync_copy(eidx_hbm.at[1, sid], dst_v)

    pltpu.async_copy(h2_hbm.at[cid].at[src_v.at[0]], rows[0], gsem[0])
    pltpu.async_copy(h2_hbm.at[cid].at[src_v.at[1]], rows[1], gsem[1])

    def _chunk(t, carry):
        for b in range(3):
            j = 3 * t + b
            pltpu.make_async_copy(h2_hbm.at[cid].at[src_v.at[j]],
                                  rows[b], gsem[b]).wait()

            @pl.when(j >= 1)
            def _drain():
                bp = (b + 2) % 3
                pltpu.make_async_copy(
                    rows[bp], agg_sh.at[dst_v.at[j - 1]], ssem).wait()
            pltpu.async_copy(rows[b], agg_sh.at[dst_v.at[j]], ssem,
                             add=True)

            @pl.when(j + 2 < _NCHUNK)
            def _prefetch():
                bn = (b + 2) % 3
                pltpu.async_copy(h2_hbm.at[cid].at[src_v.at[j + 2]],
                                 rows[bn], gsem[bn])
        return carry
    lax.fori_loop(0, _NCHUNK // 3, _chunk, None)

    j_last = _NCHUNK - 1
    b_last = j_last % 3
    pltpu.make_async_copy(h2_hbm.at[cid].at[src_v.at[j_last]],
                          rows[b_last], gsem[b_last]).wait()
    pltpu.make_async_copy(rows[(b_last + 2) % 3],
                          agg_sh.at[dst_v.at[j_last - 1]], ssem).wait()
    pltpu.async_copy(rows[b_last], agg_sh.at[dst_v.at[j_last]], ssem,
                     add=True)
    pltpu.make_async_copy(rows[b_last], agg_sh.at[dst_v.at[j_last]],
                          ssem).wait()

    plsc.subcore_barrier()
    pltpu.sync_copy(agg_sh.at[pl.ds(sid * _RPS, _RPS)],
                    out_hbm.at[cid, pl.ds(sid * _RPS, _RPS)])


_RB = 1000


def _mlp_body(h_ref, a_ref, w1_ref, b1_ref, w2_ref, b2_ref,
              wm_ref, pin_ref, bm_ref, hout_ref, pout_ref, *,
              relu_out, last):
    z = jnp.concatenate([h_ref[0] + a_ref[0], h_ref[1] + a_ref[1]], axis=1)
    t = jnp.dot(z, w1_ref[...], preferred_element_type=jnp.float32)
    t = jnp.maximum(t + b1_ref[...], 0.0)
    u = jnp.dot(t, w2_ref[...], preferred_element_type=jnp.float32)
    u = u + b2_ref[...]
    if relu_out:
        u = jnp.maximum(u, 0.0)
    p = pin_ref[...] + jnp.sum(u * wm_ref[...], axis=1, keepdims=True)
    if last:
        p = jax.nn.sigmoid(p + bm_ref[...])
    else:
        hout_ref[0] = u[:, :_H]
        hout_ref[1] = u[:, _H:]
    pout_ref[...] = p


def _mid_body(h_ref, a_ref, w1_ref, b1_ref, w2_ref, b2_ref,
              wm_ref, pin_ref, bm_ref, hout_ref, pout_ref):
    _mlp_body(h_ref, a_ref, w1_ref, b1_ref, w2_ref, b2_ref, wm_ref,
              pin_ref, bm_ref, hout_ref, pout_ref, relu_out=True, last=False)


def _last_body(h_ref, a_ref, w1_ref, b1_ref, w2_ref, b2_ref,
               wm_ref, pin_ref, bm_ref, pout_ref):
    _mlp_body(h_ref, a_ref, w1_ref, b1_ref, w2_ref, b2_ref, wm_ref,
              pin_ref, bm_ref, None, pout_ref, relu_out=False, last=True)


def _mlp_call(body, last):
    half_spec = pl.BlockSpec((2, _RB, _H), lambda i: (0, i, 0))
    vec_spec = pl.BlockSpec((1, _D), lambda i: (0, 0))
    mat_spec = pl.BlockSpec((_D, _D), lambda i: (0, 0))
    p_spec = pl.BlockSpec((_RB, 1), lambda i: (i, 0))
    one_spec = pl.BlockSpec((1, 1), lambda i: (0, 0))
    if last:
        out_specs = [p_spec]
        out_shape = [jax.ShapeDtypeStruct((_N, 1), jnp.float32)]
    else:
        out_specs = [half_spec, p_spec]
        out_shape = [jax.ShapeDtypeStruct((2, _N, _H), jnp.float32),
                     jax.ShapeDtypeStruct((_N, 1), jnp.float32)]
    return pl.pallas_call(
        body,
        grid=(_N // _RB,),
        in_specs=[half_spec, half_spec, mat_spec, vec_spec,
                  mat_spec, vec_spec, vec_spec, p_spec, one_spec],
        out_specs=out_specs,
        out_shape=out_shape,
        compiler_params=pltpu.CompilerParams(
            dimension_semantics=("parallel",)),
    )


_mlp_mid = _mlp_call(_mid_body, last=False)
_mlp_last = _mlp_call(_last_body, last=True)


def kernel(x, edge_index, batch, W1_0, b1_0, W2_0, b2_0, W1_1, b1_1, W2_1,
           b2_1, W1_2, b1_2, W2_2, b2_2, Wm, bm):
    eidx = edge_index.astype(jnp.int32).reshape(2, _NSUB, _NCHUNK, _K)
    params = [(W1_0, b1_0, W2_0, b2_0), (W1_1, b1_1, W2_1, b2_1),
              (W1_2, b1_2, W2_2, b2_2)]
    wm = Wm.astype(jnp.float32).reshape(3, 1, _D)
    bm2 = bm.astype(jnp.float32).reshape(1, 1)

    h2 = x.reshape(_N, 2, _H).transpose(1, 0, 2)
    p = jnp.zeros((_N, 1), jnp.float32)
    for i in range(3):
        W1, b1, W2, b2 = params[i]
        agg2 = _segment_sum_sc(h2, eidx)
        if i < 2:
            h2, p = _mlp_mid(h2, agg2, W1, b1.reshape(1, _D),
                             W2, b2.reshape(1, _D), wm[i], p, bm2)
        else:
            (p,) = _mlp_last(h2, agg2, W1, b1.reshape(1, _D),
                             W2, b2.reshape(1, _D), wm[i], p, bm2)
    return p

# --- scband reference (transcript-rebuilt; emitter-appended) ---
"""Pipeline reference for scband-msib-extractor-gin-57724360458774 (READ-ONLY COPY).

The authoritative reference and input builder live on the scoring server;
editing this copy changes nothing except your own understanding.
"""

import jax, jax.numpy as jnp
import numpy as np

N = 10000
E = 320000
D = 128
L = 3

def setup_inputs(seed: int = 0):
    key = jax.random.key(seed)
    ks = jax.random.split(key, 16)
    inp = {}
    inp["x"] = jax.random.normal(ks[0], (N, D), dtype=jnp.float32)
    inp["edge_index"] = jax.random.randint(ks[1], (2, E), 0, N, dtype=jnp.int32).astype(jnp.int64)
    inp["batch"] = jnp.sort(jax.random.randint(ks[2], (N,), 0, 128, dtype=jnp.int32).astype(jnp.int64))
    s = 1.0 / np.sqrt(D)
    for i in range(L):
        inp["W1_%d" % i] = jax.random.normal(ks[3 + 4 * i], (D, D), dtype=jnp.float32) * s
        inp["b1_%d" % i] = jnp.zeros((D,), dtype=jnp.float32)
        inp["W2_%d" % i] = jax.random.normal(ks[4 + 4 * i], (D, D), dtype=jnp.float32) * s
        inp["b2_%d" % i] = jnp.zeros((D,), dtype=jnp.float32)
    inp["Wm"] = jax.random.normal(ks[15], (D * L, 1), dtype=jnp.float32) * (1.0 / np.sqrt(D * L))
    inp["bm"] = jnp.zeros((1,), dtype=jnp.float32)
    return inp

def _gin_forward(x, edge_index, params, Wm, bm):
    # GINConv with default eps=0: out = nn((1+eps)*x + sum_{j in N(i)} x_j)
    src = edge_index[0]
    dst = edge_index[1]
    xs = []
    h = x
    for i in range(L):
        W1, b1, W2, b2 = params[i]
        agg = jax.ops.segment_sum(h[src], dst, num_segments=N)
        z = h + agg
        z = jnp.maximum(z @ W1 + b1, 0.0)
        z = z @ W2 + b2
        if i != L - 1:
            z = jnp.maximum(z, 0.0)
        xs.append(z)
        h = z
    node_prob = jnp.concatenate(xs, axis=1)  # readout == 'concat'
    out = node_prob @ Wm + bm
    return jax.nn.sigmoid(out)

def reference(x, edge_index, batch, W1_0, b1_0, W2_0, b2_0, W1_1, b1_1, W2_1, b2_1, W1_2, b1_2, W2_2, b2_2, Wm, bm):
    params = [(W1_0, b1_0, W2_0, b2_0), (W1_1, b1_1, W2_1, b2_1), (W1_2, b1_2, W2_2, b2_2)]
    return _gin_forward(x, edge_index, params, Wm, bm)

if __name__ == "__main__":
    import jax
    _d = setup_inputs()
    print(jax.jit(kernel)(*tuple(_d.values())))

</pallas_src>

<mosaic_0001>
#map = affine_map<(d0, d1) -> (0, 0, 0)>
#map1 = affine_map<(d0, d1) -> (0, 0, 0, 0)>
module attributes {stable_mosaic.version = 14 : i64} {
  func.func @_segment_sum_sc(%arg0: i32, %arg1: i32, %arg2: memref<2x10000x64xf32, #tpu.memory_space<hbm>>, %arg3: memref<2x16x160x125xi32, #tpu.memory_space<hbm>>, %arg4: memref<2x10240x64xf32, #tpu.memory_space<hbm>>, %arg5: memref<160x125xi32, #tpu.memory_space<vmem>>, %arg6: memref<160x125xi32, #tpu.memory_space<vmem>>, %arg7: memref<125x64xf32, #tpu.memory_space<vmem>>, %arg8: memref<125x64xf32, #tpu.memory_space<vmem>>, %arg9: memref<125x64xf32, #tpu.memory_space<vmem>>, %arg10: memref<128x64xf32, #tpu.memory_space<vmem>>, %arg11: memref<10240x64xf32, #tpu.memory_space<vmem_shared>>, %arg12: memref<!tpu.dma_semaphore, #tpu.memory_space<semaphore_mem>>, %arg13: memref<!tpu.dma_semaphore, #tpu.memory_space<semaphore_mem>>, %arg14: memref<!tpu.dma_semaphore, #tpu.memory_space<semaphore_mem>>, %arg15: memref<!tpu.dma_semaphore, #tpu.memory_space<semaphore_mem>>) attributes {dimension_semantics = [#tpu.dimension_semantics<core_parallel>, #tpu.dimension_semantics<subcore_parallel>], iteration_bounds = array<i64: 2, 16>, scalar_prefetch = 0 : i64, scratch_operands = 11 : i64, tpu.core_type = #tpu.core_type<sc_vector_subcore>, window_params = [{transform_indices = #map}, {transform_indices = #map1}, {transform_indices = #map}]} {
    %scan3A = arith.constant 0 : i32
    %scan3A_0 = arith.constant 128 : i32
    %scan3A_1 = arith.addi %scan3A, %scan3A_0 : i32
    %scan3A_2 = arith.constant 1 : i32
    scf.for %scan3A_85 = %scan3A to %scan3A_1 step %scan3A_2  : i32 {
      %scan3A_86 = arith.constant 0 : i32
      %scan3A_87 = arith.constant 4 : i32
      %scan3A_88 = arith.addi %scan3A_86, %scan3A_87 : i32
      %scan3A_89 = arith.constant 1 : i32
      scf.for %scan3A_91 = %scan3A_86 to %scan3A_88 step %scan3A_89  : i32 {
        %broadcast_in_dim3A = arith.constant 0.000000e+00 : f32
        %broadcast_in_dim3A_92 = vector.broadcast %broadcast_in_dim3A : f32 to vector<16xf32>
        %mul3A_93 = arith.constant 16 : i32
        %mul3A_94 = arith.muli %scan3A_91, %mul3A_93 : i32
        %swap3A = arith.index_cast %scan3A_85 : i32 to index
        %swap3A_95 = arith.index_cast %mul3A_94 : i32 to index
        %swap3A_96 = tpu.vector_load %arg10[%swap3A, %swap3A_95] {strides = array<i32>} : memref<128x64xf32, #tpu.memory_space<vmem>>, vector<1x16xf32>,
        %swap3A_97 = vector.shape_cast %swap3A_96 : vector<1x16xf32> to vector<16xf32>
        %swap3A_98 = vector.shape_cast %broadcast_in_dim3A_92 : vector<16xf32> to vector<1x16xf32>
        tpu.vector_store %arg10[%swap3A, %swap3A_95], %swap3A_98 {strides = array<i32>} : memref<128x64xf32, #tpu.memory_space<vmem>>, vector<1x16xf32>,
      }
      %scan3A_90 = arith.constant 4 : i32
    }
    %scan3A_3 = arith.constant 128 : i32
    %mul3A = arith.constant 640 : i32
    %mul3A_4 = arith.muli %arg1, %mul3A : i32
    %add3A = arith.constant 0 : i32
    %add3A_5 = arith.addi %mul3A_4, %add3A : i32
    "tpu.region"() ({
      %run_scoped3A_85 = tpu.sem_alloc : memref<!tpu.dma_semaphore, #tpu.memory_space<semaphore_mem>>
      %dma_start3A_86 = arith.constant 0 : i32
      %dma_start3A_87 = tpu.memref_slice %arg11[%add3A_5, %dma_start3A_86] : memref<10240x64xf32, #tpu.memory_space<vmem_shared>> -> memref<128x64xf32, #tpu.memory_space<vmem_shared>>
      %dma_start3A_88 = arith.constant 0 : i32
      %dma_start3A_89 = tpu.memref_slice %arg11[%add3A_5, %dma_start3A_88] : memref<10240x64xf32, #tpu.memory_space<vmem_shared>> -> memref<128x64xf32, #tpu.memory_space<vmem_shared>>
      tpu.enqueue_dma source(%arg10 : memref<128x64xf32, #tpu.memory_space<vmem>>) target(%dma_start3A_89 : memref<128x64xf32, #tpu.memory_space<vmem_shared>>) target_semaphore(%run_scoped3A_85 : memref<!tpu.dma_semaphore, #tpu.memory_space<semaphore_mem>>)
      %dma_wait3A_90 = arith.constant 0 : i32
      %dma_wait3A_91 = tpu.memref_slice %arg11[%add3A_5, %dma_wait3A_90] : memref<10240x64xf32, #tpu.memory_space<vmem_shared>> -> memref<128x64xf32, #tpu.memory_space<vmem_shared>>
      %dma_wait3A_92 = arith.constant 0 : i32
      %dma_wait3A_93 = tpu.memref_slice %arg11[%add3A_5, %dma_wait3A_92] : memref<10240x64xf32, #tpu.memory_space<vmem_shared>> -> memref<128x64xf32, #tpu.memory_space<vmem_shared>>
      tpu.wait_dma2 semaphore(%run_scoped3A_85 : memref<!tpu.dma_semaphore, #tpu.memory_space<semaphore_mem>>) src(%arg10 : memref<128x64xf32, #tpu.memory_space<vmem>>) dst(%dma_wait3A_93 : memref<128x64xf32, #tpu.memory_space<vmem_shared>>)
      tpu.yield
    }) : () -> ()
    %mul3A_6 = arith.constant 640 : i32
    %mul3A_7 = arith.muli %arg1, %mul3A_6 : i32
    %add3A_8 = arith.constant 128 : i32
    %add3A_9 = arith.addi %mul3A_7, %add3A_8 : i32
    "tpu.region"() ({
      %run_scoped3A_85 = tpu.sem_alloc : memref<!tpu.dma_semaphore, #tpu.memory_space<semaphore_mem>>
      %dma_start3A_86 = arith.constant 0 : i32
      %dma_start3A_87 = tpu.memref_slice %arg11[%add3A_9, %dma_start3A_86] : memref<10240x64xf32, #tpu.memory_space<vmem_shared>> -> memref<128x64xf32, #tpu.memory_space<vmem_shared>>
      %dma_start3A_88 = arith.constant 0 : i32
      %dma_start3A_89 = tpu.memref_slice %arg11[%add3A_9, %dma_start3A_88] : memref<10240x64xf32, #tpu.memory_space<vmem_shared>> -> memref<128x64xf32, #tpu.memory_space<vmem_shared>>
      tpu.enqueue_dma source(%arg10 : memref<128x64xf32, #tpu.memory_space<vmem>>) target(%dma_start3A_89 : memref<128x64xf32, #tpu.memory_space<vmem_shared>>) target_semaphore(%run_scoped3A_85 : memref<!tpu.dma_semaphore, #tpu.memory_space<semaphore_mem>>)
      %dma_wait3A_90 = arith.constant 0 : i32
      %dma_wait3A_91 = tpu.memref_slice %arg11[%add3A_9, %dma_wait3A_90] : memref<10240x64xf32, #tpu.memory_space<vmem_shared>> -> memref<128x64xf32, #tpu.memory_space<vmem_shared>>
      %dma_wait3A_92 = arith.constant 0 : i32
      %dma_wait3A_93 = tpu.memref_slice %arg11[%add3A_9, %dma_wait3A_92] : memref<10240x64xf32, #tpu.memory_space<vmem_shared>> -> memref<128x64xf32, #tpu.memory_space<vmem_shared>>
      tpu.wait_dma2 semaphore(%run_scoped3A_85 : memref<!tpu.dma_semaphore, #tpu.memory_space<semaphore_mem>>) src(%arg10 : memref<128x64xf32, #tpu.memory_space<vmem>>) dst(%dma_wait3A_93 : memref<128x64xf32, #tpu.memory_space<vmem_shared>>)
      tpu.yield
    }) : () -> ()
    %mul3A_10 = arith.constant 640 : i32
    %mul3A_11 = arith.muli %arg1, %mul3A_10 : i32
    %add3A_12 = arith.constant 256 : i32
    %add3A_13 = arith.addi %mul3A_11, %add3A_12 : i32
    "tpu.region"() ({
      %run_scoped3A_85 = tpu.sem_alloc : memref<!tpu.dma_semaphore, #tpu.memory_space<semaphore_mem>>
      %dma_start3A_86 = arith.constant 0 : i32
      %dma_start3A_87 = tpu.memref_slice %arg11[%add3A_13, %dma_start3A_86] : memref<10240x64xf32, #tpu.memory_space<vmem_shared>> -> memref<128x64xf32, #tpu.memory_space<vmem_shared>>
      %dma_start3A_88 = arith.constant 0 : i32
      %dma_start3A_89 = tpu.memref_slice %arg11[%add3A_13, %dma_start3A_88] : memref<10240x64xf32, #tpu.memory_space<vmem_shared>> -> memref<128x64xf32, #tpu.memory_space<vmem_shared>>
      tpu.enqueue_dma source(%arg10 : memref<128x64xf32, #tpu.memory_space<vmem>>) target(%dma_start3A_89 : memref<128x64xf32, #tpu.memory_space<vmem_shared>>) target_semaphore(%run_scoped3A_85 : memref<!tpu.dma_semaphore, #tpu.memory_space<semaphore_mem>>)
      %dma_wait3A_90 = arith.constant 0 : i32
      %dma_wait3A_91 = tpu.memref_slice %arg11[%add3A_13, %dma_wait3A_90] : memref<10240x64xf32, #tpu.memory_space<vmem_shared>> -> memref<128x64xf32, #tpu.memory_space<vmem_shared>>
      %dma_wait3A_92 = arith.constant 0 : i32
      %dma_wait3A_93 = tpu.memref_slice %arg11[%add3A_13, %dma_wait3A_92] : memref<10240x64xf32, #tpu.memory_space<vmem_shared>> -> memref<128x64xf32, #tpu.memory_space<vmem_shared>>
      tpu.wait_dma2 semaphore(%run_scoped3A_85 : memref<!tpu.dma_semaphore, #tpu.memory_space<semaphore_mem>>) src(%arg10 : memref<128x64xf32, #tpu.memory_space<vmem>>) dst(%dma_wait3A_93 : memref<128x64xf32, #tpu.memory_space<vmem_shared>>)
      tpu.yield
    }) : () -> ()
    %mul3A_14 = arith.constant 640 : i32
    %mul3A_15 = arith.muli %arg1, %mul3A_14 : i32
    %add3A_16 = arith.constant 384 : i32
    %add3A_17 = arith.addi %mul3A_15, %add3A_16 : i32
    "tpu.region"() ({
      %run_scoped3A_85 = tpu.sem_alloc : memref<!tpu.dma_semaphore, #tpu.memory_space<semaphore_mem>>
      %dma_start3A_86 = arith.constant 0 : i32
      %dma_start3A_87 = tpu.memref_slice %arg11[%add3A_17, %dma_start3A_86] : memref<10240x64xf32, #tpu.memory_space<vmem_shared>> -> memref<128x64xf32, #tpu.memory_space<vmem_shared>>
      %dma_start3A_88 = arith.constant 0 : i32
      %dma_start3A_89 = tpu.memref_slice %arg11[%add3A_17, %dma_start3A_88] : memref<10240x64xf32, #tpu.memory_space<vmem_shared>> -> memref<128x64xf32, #tpu.memory_space<vmem_shared>>
      tpu.enqueue_dma source(%arg10 : memref<128x64xf32, #tpu.memory_space<vmem>>) target(%dma_start3A_89 : memref<128x64xf32, #tpu.memory_space<vmem_shared>>) target_semaphore(%run_scoped3A_85 : memref<!tpu.dma_semaphore, #tpu.memory_space<semaphore_mem>>)
      %dma_wait3A_90 = arith.constant 0 : i32
      %dma_wait3A_91 = tpu.memref_slice %arg11[%add3A_17, %dma_wait3A_90] : memref<10240x64xf32, #tpu.memory_space<vmem_shared>> -> memref<128x64xf32, #tpu.memory_space<vmem_shared>>
      %dma_wait3A_92 = arith.constant 0 : i32
      %dma_wait3A_93 = tpu.memref_slice %arg11[%add3A_17, %dma_wait3A_92] : memref<10240x64xf32, #tpu.memory_space<vmem_shared>> -> memref<128x64xf32, #tpu.memory_space<vmem_shared>>
      tpu.wait_dma2 semaphore(%run_scoped3A_85 : memref<!tpu.dma_semaphore, #tpu.memory_space<semaphore_mem>>) src(%arg10 : memref<128x64xf32, #tpu.memory_space<vmem>>) dst(%dma_wait3A_93 : memref<128x64xf32, #tpu.memory_space<vmem_shared>>)
      tpu.yield
    }) : () -> ()
    %mul3A_18 = arith.constant 640 : i32
    %mul3A_19 = arith.muli %arg1, %mul3A_18 : i32
    %add3A_20 = arith.constant 512 : i32
    %add3A_21 = arith.addi %mul3A_19, %add3A_20 : i32
    "tpu.region"() ({
      %run_scoped3A_85 = tpu.sem_alloc : memref<!tpu.dma_semaphore, #tpu.memory_space<semaphore_mem>>
      %dma_start3A_86 = arith.constant 0 : i32
      %dma_start3A_87 = tpu.memref_slice %arg11[%add3A_21, %dma_start3A_86] : memref<10240x64xf32, #tpu.memory_space<vmem_shared>> -> memref<128x64xf32, #tpu.memory_space<vmem_shared>>
      %dma_start3A_88 = arith.constant 0 : i32
      %dma_start3A_89 = tpu.memref_slice %arg11[%add3A_21, %dma_start3A_88] : memref<10240x64xf32, #tpu.memory_space<vmem_shared>> -> memref<128x64xf32, #tpu.memory_space<vmem_shared>>
      tpu.enqueue_dma source(%arg10 : memref<128x64xf32, #tpu.memory_space<vmem>>) target(%dma_start3A_89 : memref<128x64xf32, #tpu.memory_space<vmem_shared>>) target_semaphore(%run_scoped3A_85 : memref<!tpu.dma_semaphore, #tpu.memory_space<semaphore_mem>>)
      %dma_wait3A_90 = arith.constant 0 : i32
      %dma_wait3A_91 = tpu.memref_slice %arg11[%add3A_21, %dma_wait3A_90] : memref<10240x64xf32, #tpu.memory_space<vmem_shared>> -> memref<128x64xf32, #tpu.memory_space<vmem_shared>>
      %dma_wait3A_92 = arith.constant 0 : i32
      %dma_wait3A_93 = tpu.memref_slice %arg11[%add3A_21, %dma_wait3A_92] : memref<10240x64xf32, #tpu.memory_space<vmem_shared>> -> memref<128x64xf32, #tpu.memory_space<vmem_shared>>
      tpu.wait_dma2 semaphore(%run_scoped3A_85 : memref<!tpu.dma_semaphore, #tpu.memory_space<semaphore_mem>>) src(%arg10 : memref<128x64xf32, #tpu.memory_space<vmem>>) dst(%dma_wait3A_93 : memref<128x64xf32, #tpu.memory_space<vmem_shared>>)
      tpu.yield
    }) : () -> ()
    %barrier3A = arith.constant 0 : index
    tpu.barrier barrier_id(%barrier3A)
    %run_scoped3A = arith.constant 0 : i32
    "tpu.region"() ({
      %run_scoped3A_85 = tpu.sem_alloc : memref<!tpu.dma_semaphore, #tpu.memory_space<semaphore_mem>>
      %dma_start3A_86 = arith.constant 0 : i32
      %dma_start3A_87 = arith.constant 0 : i32
      %dma_start3A_88 = tpu.memref_slice %arg3[%run_scoped3A, %arg1, %dma_start3A_86, %dma_start3A_87] : memref<2x16x160x125xi32, #tpu.memory_space<hbm>> -> memref<1x1x160x125xi32, #tpu.memory_space<hbm>>
      %dma_start3A_89 = tpu.memref_squeeze %dma_start3A_88 : memref<1x1x160x125xi32, #tpu.memory_space<hbm>> -> memref<160x125xi32, #tpu.memory_space<hbm>>
      %dma_start3A_90 = arith.constant 0 : i32
      %dma_start3A_91 = arith.constant 0 : i32
      %dma_start3A_92 = tpu.memref_slice %arg3[%run_scoped3A, %arg1, %dma_start3A_90, %dma_start3A_91] : memref<2x16x160x125xi32, #tpu.memory_space<hbm>> -> memref<1x1x160x125xi32, #tpu.memory_space<hbm>>
      %dma_start3A_93 = tpu.memref_squeeze %dma_start3A_92 : memref<1x1x160x125xi32, #tpu.memory_space<hbm>> -> memref<160x125xi32, #tpu.memory_space<hbm>>
      tpu.enqueue_dma source(%dma_start3A_93 : memref<160x125xi32, #tpu.memory_space<hbm>>) target(%arg5 : memref<160x125xi32, #tpu.memory_space<vmem>>) target_semaphore(%run_scoped3A_85 : memref<!tpu.dma_semaphore, #tpu.memory_space<semaphore_mem>>)
      %dma_wait3A_94 = arith.constant 0 : i32
      %dma_wait3A_95 = arith.constant 0 : i32
      %dma_wait3A_96 = tpu.memref_slice %arg3[%run_scoped3A, %arg1, %dma_wait3A_94, %dma_wait3A_95] : memref<2x16x160x125xi32, #tpu.memory_space<hbm>> -> memref<1x1x160x125xi32, #tpu.memory_space<hbm>>
      %dma_wait3A_97 = tpu.memref_squeeze %dma_wait3A_96 : memref<1x1x160x125xi32, #tpu.memory_space<hbm>> -> memref<160x125xi32, #tpu.memory_space<hbm>>
      %dma_wait3A_98 = arith.constant 0 : i32
      %dma_wait3A_99 = arith.constant 0 : i32
      %dma_wait3A_100 = tpu.memref_slice %arg3[%run_scoped3A, %arg1, %dma_wait3A_98, %dma_wait3A_99] : memref<2x16x160x125xi32, #tpu.memory_space<hbm>> -> memref<1x1x160x125xi32, #tpu.memory_space<hbm>>
      %dma_wait3A_101 = tpu.memref_squeeze %dma_wait3A_100 : memref<1x1x160x125xi32, #tpu.memory_space<hbm>> -> memref<160x125xi32, #tpu.memory_space<hbm>>
      tpu.wait_dma2 semaphore(%run_scoped3A_85 : memref<!tpu.dma_semaphore, #tpu.memory_space<semaphore_mem>>) src(%dma_wait3A_101 : memref<160x125xi32, #tpu.memory_space<hbm>>) dst(%arg5 : memref<160x125xi32, #tpu.memory_space<vmem>>)
      tpu.yield
    }) : () -> ()
    %run_scoped3A_22 = arith.constant 1 : i32
    "tpu.region"() ({
      %run_scoped3A_85 = tpu.sem_alloc : memref<!tpu.dma_semaphore, #tpu.memory_space<semaphore_mem>>
      %dma_start3A_86 = arith.constant 0 : i32
      %dma_start3A_87 = arith.constant 0 : i32
      %dma_start3A_88 = tpu.memref_slice %arg3[%run_scoped3A_22, %arg1, %dma_start3A_86, %dma_start3A_87] : memref<2x16x160x125xi32, #tpu.memory_space<hbm>> -> memref<1x1x160x125xi32, #tpu.memory_space<hbm>>
      %dma_start3A_89 = tpu.memref_squeeze %dma_start3A_88 : memref<1x1x160x125xi32, #tpu.memory_space<hbm>> -> memref<160x125xi32, #tpu.memory_space<hbm>>
      %dma_start3A_90 = arith.constant 0 : i32
      %dma_start3A_91 = arith.constant 0 : i32
      %dma_start3A_92 = tpu.memref_slice %arg3[%run_scoped3A_22, %arg1, %dma_start3A_90, %dma_start3A_91] : memref<2x16x160x125xi32, #tpu.memory_space<hbm>> -> memref<1x1x160x125xi32, #tpu.memory_space<hbm>>
      %dma_start3A_93 = tpu.memref_squeeze %dma_start3A_92 : memref<1x1x160x125xi32, #tpu.memory_space<hbm>> -> memref<160x125xi32, #tpu.memory_space<hbm>>
      tpu.enqueue_dma source(%dma_start3A_93 : memref<160x125xi32, #tpu.memory_space<hbm>>) target(%arg6 : memref<160x125xi32, #tpu.memory_space<vmem>>) target_semaphore(%run_scoped3A_85 : memref<!tpu.dma_semaphore, #tpu.memory_space<semaphore_mem>>)
      %dma_wait3A_94 = arith.constant 0 : i32
      %dma_wait3A_95 = arith.constant 0 : i32
      %dma_wait3A_96 = tpu.memref_slice %arg3[%run_scoped3A_22, %arg1, %dma_wait3A_94, %dma_wait3A_95] : memref<2x16x160x125xi32, #tpu.memory_space<hbm>> -> memref<1x1x160x125xi32, #tpu.memory_space<hbm>>
      %dma_wait3A_97 = tpu.memref_squeeze %dma_wait3A_96 : memref<1x1x160x125xi32, #tpu.memory_space<hbm>> -> memref<160x125xi32, #tpu.memory_space<hbm>>
      %dma_wait3A_98 = arith.constant 0 : i32
      %dma_wait3A_99 = arith.constant 0 : i32
      %dma_wait3A_100 = tpu.memref_slice %arg3[%run_scoped3A_22, %arg1, %dma_wait3A_98, %dma_wait3A_99] : memref<2x16x160x125xi32, #tpu.memory_space<hbm>> -> memref<1x1x160x125xi32, #tpu.memory_space<hbm>>
      %dma_wait3A_101 = tpu.memref_squeeze %dma_wait3A_100 : memref<1x1x160x125xi32, #tpu.memory_space<hbm>> -> memref<160x125xi32, #tpu.memory_space<hbm>>
      tpu.wait_dma2 semaphore(%run_scoped3A_85 : memref<!tpu.dma_semaphore, #tpu.memory_space<semaphore_mem>>) src(%dma_wait3A_101 : memref<160x125xi32, #tpu.memory_space<hbm>>) dst(%arg6 : memref<160x125xi32, #tpu.memory_space<vmem>>)
      tpu.yield
    }) : () -> ()
    %dma_start3A = arith.constant 0 : i32
    %dma_start3A_23 = arith.constant 0 : i32
    %dma_start3A_24 = tpu.memref_slice %arg5[%dma_start3A, %dma_start3A_23] : memref<160x125xi32, #tpu.memory_space<vmem>> -> memref<1x125xi32, #tpu.memory_space<vmem>>
    %dma_start3A_25 = tpu.memref_squeeze %dma_start3A_24 : memref<1x125xi32, #tpu.memory_space<vmem>> -> memref<125xi32, #tpu.memory_space<vmem>>
    %dma_start3A_26 = arith.constant 0 : i32
    %dma_start3A_27 = arith.constant 0 : i32
    %dma_start3A_28 = tpu.memref_slice %arg2[%arg0, %dma_start3A_26, %dma_start3A_27] : memref<2x10000x64xf32, #tpu.memory_space<hbm>> -> memref<1x10000x64xf32, #tpu.memory_space<hbm>>
    %dma_start3A_29 = tpu.memref_squeeze %dma_start3A_28 : memref<1x10000x64xf32, #tpu.memory_space<hbm>> -> memref<10000x64xf32, #tpu.memory_space<hbm>>
    %dma_start3A_30 = arith.constant 0 : i32
    %dma_start3A_31 = arith.constant 0 : i32
    %dma_start3A_32 = tpu.memref_slice %dma_start3A_29[%dma_start3A_30, %dma_start3A_31] : memref<10000x64xf32, #tpu.memory_space<hbm>> -> memref<10000x64xf32, #tpu.memory_space<hbm>>
    tpu.enqueue_indirect_dma source(%dma_start3A_32 : memref<10000x64xf32, #tpu.memory_space<hbm>>) target(%arg7 : memref<125x64xf32, #tpu.memory_space<vmem>>) offsets(%dma_start3A_25 : memref<125xi32, #tpu.memory_space<vmem>>) semaphore(%arg12 : memref<!tpu.dma_semaphore, #tpu.memory_space<semaphore_mem>>)
    %dma_start3A_33 = arith.constant 1 : i32
    %dma_start3A_34 = arith.constant 0 : i32
    %dma_start3A_35 = tpu.memref_slice %arg5[%dma_start3A_33, %dma_start3A_34] : memref<160x125xi32, #tpu.memory_space<vmem>> -> memref<1x125xi32, #tpu.memory_space<vmem>>
    %dma_start3A_36 = tpu.memref_squeeze %dma_start3A_35 : memref<1x125xi32, #tpu.memory_space<vmem>> -> memref<125xi32, #tpu.memory_space<vmem>>
    %dma_start3A_37 = arith.constant 0 : i32
    %dma_start3A_38 = arith.constant 0 : i32
    %dma_start3A_39 = tpu.memref_slice %arg2[%arg0, %dma_start3A_37, %dma_start3A_38] : memref<2x10000x64xf32, #tpu.memory_space<hbm>> -> memref<1x10000x64xf32, #tpu.memory_space<hbm>>
    %dma_start3A_40 = tpu.memref_squeeze %dma_start3A_39 : memref<1x10000x64xf32, #tpu.memory_space<hbm>> -> memref<10000x64xf32, #tpu.memory_space<hbm>>
    %dma_start3A_41 = arith.constant 0 : i32
    %dma_start3A_42 = arith.constant 0 : i32
    %dma_start3A_43 = tpu.memref_slice %dma_start3A_40[%dma_start3A_41, %dma_start3A_42] : memref<10000x64xf32, #tpu.memory_space<hbm>> -> memref<10000x64xf32, #tpu.memory_space<hbm>>
    tpu.enqueue_indirect_dma source(%dma_start3A_43 : memref<10000x64xf32, #tpu.memory_space<hbm>>) target(%arg8 : memref<125x64xf32, #tpu.memory_space<vmem>>) offsets(%dma_start3A_36 : memref<125xi32, #tpu.memory_space<vmem>>) semaphore(%arg13 : memref<!tpu.dma_semaphore, #tpu.memory_space<semaphore_mem>>)
    %scan3A_44 = arith.constant 0 : i32
    %scan3A_45 = arith.constant 53 : i32
    %scan3A_46 = arith.addi %scan3A_44, %scan3A_45 : i32
    %scan3A_47 = arith.constant 1 : i32
    scf.for %scan3A_85 = %scan3A_44 to %scan3A_46 step %scan3A_47  : i32 {
      %mul3A_86 = arith.constant 3 : i32
      %mul3A_87 = arith.muli %mul3A_86, %scan3A_85 : i32
      %add3A_88 = arith.constant 0 : i32
      %add3A_89 = arith.addi %mul3A_87, %add3A_88 : i32
      %dma_wait3A_90 = arith.constant 0 : i32
      %dma_wait3A_91 = tpu.memref_slice %arg5[%add3A_89, %dma_wait3A_90] : memref<160x125xi32, #tpu.memory_space<vmem>> -> memref<1x125xi32, #tpu.memory_space<vmem>>
      %dma_wait3A_92 = tpu.memref_squeeze %dma_wait3A_91 : memref<1x125xi32, #tpu.memory_space<vmem>> -> memref<125xi32, #tpu.memory_space<vmem>>
      %dma_wait3A_93 = arith.constant 0 : i32
      %dma_wait3A_94 = arith.constant 0 : i32
      %dma_wait3A_95 = tpu.memref_slice %arg2[%arg0, %dma_wait3A_93, %dma_wait3A_94] : memref<2x10000x64xf32, #tpu.memory_space<hbm>> -> memref<1x10000x64xf32, #tpu.memory_space<hbm>>
      %dma_wait3A_96 = tpu.memref_squeeze %dma_wait3A_95 : memref<1x10000x64xf32, #tpu.memory_space<hbm>> -> memref<10000x64xf32, #tpu.memory_space<hbm>>
      %dma_wait3A_97 = arith.constant 0 : i32
      %dma_wait3A_98 = arith.constant 0 : i32
      %dma_wait3A_99 = tpu.memref_slice %dma_wait3A_96[%dma_wait3A_97, %dma_wait3A_98] : memref<10000x64xf32, #tpu.memory_space<hbm>> -> memref<10000x64xf32, #tpu.memory_space<hbm>>
      tpu.wait_indirect_dma semaphore(%arg12 : memref<!tpu.dma_semaphore, #tpu.memory_space<semaphore_mem>>) src(%dma_wait3A_99 : memref<10000x64xf32, #tpu.memory_space<hbm>>) dst(%arg7 : memref<125x64xf32, #tpu.memory_space<vmem>>)
      %ge3A = arith.constant 1 : i32
      %ge3A_100 = arith.cmpi sge, %add3A_89, %ge3A : i32
      %convert_element_type3A = arith.extui %ge3A_100 : i1 to i32
      %cond3A = arith.constant 0 : i32
      %cond3A_101 = arith.cmpi ne, %convert_element_type3A, %cond3A : i32
      scf.if %cond3A_101 {
        %sub3A = arith.constant 1 : i32
        %sub3A_178 = arith.subi %add3A_89, %sub3A : i32
        %dma_wait3A_179 = arith.constant 0 : i32
        %dma_wait3A_180 = tpu.memref_slice %arg6[%sub3A_178, %dma_wait3A_179] : memref<160x125xi32, #tpu.memory_space<vmem>> -> memref<1x125xi32, #tpu.memory_space<vmem>>
        %dma_wait3A_181 = tpu.memref_squeeze %dma_wait3A_180 : memref<1x125xi32, #tpu.memory_space<vmem>> -> memref<125xi32, #tpu.memory_space<vmem>>
        %dma_wait3A_182 = arith.constant 0 : i32
        %dma_wait3A_183 = arith.constant 0 : i32
        %dma_wait3A_184 = tpu.memref_slice %arg11[%dma_wait3A_182, %dma_wait3A_183] : memref<10240x64xf32, #tpu.memory_space<vmem_shared>> -> memref<10240x64xf32, #tpu.memory_space<vmem_shared>>
        tpu.wait_indirect_dma semaphore(%arg15 : memref<!tpu.dma_semaphore, #tpu.memory_space<semaphore_mem>>) src(%arg9 : memref<125x64xf32, #tpu.memory_space<vmem>>) dst(%dma_wait3A_184 : memref<10240x64xf32, #tpu.memory_space<vmem_shared>>)
      } else {
      }
      %dma_start3A_102 = arith.constant 0 : i32
      %dma_start3A_103 = tpu.memref_slice %arg6[%add3A_89, %dma_start3A_102] : memref<160x125xi32, #tpu.memory_space<vmem>> -> memref<1x125xi32, #tpu.memory_space<vmem>>
      %dma_start3A_104 = tpu.memref_squeeze %dma_start3A_103 : memref<1x125xi32, #tpu.memory_space<vmem>> -> memref<125xi32, #tpu.memory_space<vmem>>
      %dma_start3A_105 = arith.constant 0 : i32
      %dma_start3A_106 = arith.constant 0 : i32
      %dma_start3A_107 = tpu.memref_slice %arg11[%dma_start3A_105, %dma_start3A_106] : memref<10240x64xf32, #tpu.memory_space<vmem_shared>> -> memref<10240x64xf32, #tpu.memory_space<vmem_shared>>
      tpu.enqueue_indirect_dma source(%arg7 : memref<125x64xf32, #tpu.memory_space<vmem>>) target(%dma_start3A_107 : memref<10240x64xf32, #tpu.memory_space<vmem_shared>>) offsets(%dma_start3A_104 : memref<125xi32, #tpu.memory_space<vmem>>) semaphore(%arg15 : memref<!tpu.dma_semaphore, #tpu.memory_space<semaphore_mem>>) {add = true}
      %add3A_108 = arith.constant 2 : i32
      %add3A_109 = arith.addi %add3A_89, %add3A_108 : i32
      %lt3A = arith.constant 160 : i32
      %lt3A_110 = arith.cmpi slt, %add3A_109, %lt3A : i32
      %convert_element_type3A_111 = arith.extui %lt3A_110 : i1 to i32
      %cond3A_112 = arith.constant 0 : i32
      %cond3A_113 = arith.cmpi ne, %convert_element_type3A_111, %cond3A_112 : i32
      scf.if %cond3A_113 {
        %add3A_178 = arith.constant 2 : i32
        %add3A_179 = arith.addi %add3A_89, %add3A_178 : i32
        %dma_start3A_180 = arith.constant 0 : i32
        %dma_start3A_181 = tpu.memref_slice %arg5[%add3A_179, %dma_start3A_180] : memref<160x125xi32, #tpu.memory_space<vmem>> -> memref<1x125xi32, #tpu.memory_space<vmem>>
        %dma_start3A_182 = tpu.memref_squeeze %dma_start3A_181 : memref<1x125xi32, #tpu.memory_space<vmem>> -> memref<125xi32, #tpu.memory_space<vmem>>
        %dma_start3A_183 = arith.constant 0 : i32
        %dma_start3A_184 = arith.constant 0 : i32
        %dma_start3A_185 = tpu.memref_slice %arg2[%arg0, %dma_start3A_183, %dma_start3A_184] : memref<2x10000x64xf32, #tpu.memory_space<hbm>> -> memref<1x10000x64xf32, #tpu.memory_space<hbm>>
        %dma_start3A_186 = tpu.memref_squeeze %dma_start3A_185 : memref<1x10000x64xf32, #tpu.memory_space<hbm>> -> memref<10000x64xf32, #tpu.memory_space<hbm>>
        %dma_start3A_187 = arith.constant 0 : i32
        %dma_start3A_188 = arith.constant 0 : i32
        %dma_start3A_189 = tpu.memref_slice %dma_start3A_186[%dma_start3A_187, %dma_start3A_188] : memref<10000x64xf32, #tpu.memory_space<hbm>> -> memref<10000x64xf32, #tpu.memory_space<hbm>>
        tpu.enqueue_indirect_dma source(%dma_start3A_189 : memref<10000x64xf32, #tpu.memory_space<hbm>>) target(%arg9 : memref<125x64xf32, #tpu.memory_space<vmem>>) offsets(%dma_start3A_182 : memref<125xi32, #tpu.memory_space<vmem>>) semaphore(%arg14 : memref<!tpu.dma_semaphore, #tpu.memory_space<semaphore_mem>>)
      } else {
      }
      %mul3A_114 = arith.constant 3 : i32
      %mul3A_115 = arith.muli %mul3A_114, %scan3A_85 : i32
      %add3A_116 = arith.constant 1 : i32
      %add3A_117 = arith.addi %mul3A_115, %add3A_116 : i32
      %dma_wait3A_118 = arith.constant 0 : i32
      %dma_wait3A_119 = tpu.memref_slice %arg5[%add3A_117, %dma_wait3A_118] : memref<160x125xi32, #tpu.memory_space<vmem>> -> memref<1x125xi32, #tpu.memory_space<vmem>>
      %dma_wait3A_120 = tpu.memref_squeeze %dma_wait3A_119 : memref<1x125xi32, #tpu.memory_space<vmem>> -> memref<125xi32, #tpu.memory_space<vmem>>
      %dma_wait3A_121 = arith.constant 0 : i32
      %dma_wait3A_122 = arith.constant 0 : i32
      %dma_wait3A_123 = tpu.memref_slice %arg2[%arg0, %dma_wait3A_121, %dma_wait3A_122] : memref<2x10000x64xf32, #tpu.memory_space<hbm>> -> memref<1x10000x64xf32, #tpu.memory_space<hbm>>
      %dma_wait3A_124 = tpu.memref_squeeze %dma_wait3A_123 : memref<1x10000x64xf32, #tpu.memory_space<hbm>> -> memref<10000x64xf32, #tpu.memory_space<hbm>>
      %dma_wait3A_125 = arith.constant 0 : i32
      %dma_wait3A_126 = arith.constant 0 : i32
      %dma_wait3A_127 = tpu.memref_slice %dma_wait3A_124[%dma_wait3A_125, %dma_wait3A_126] : memref<10000x64xf32, #tpu.memory_space<hbm>> -> memref<10000x64xf32, #tpu.memory_space<hbm>>
      tpu.wait_indirect_dma semaphore(%arg13 : memref<!tpu.dma_semaphore, #tpu.memory_space<semaphore_mem>>) src(%dma_wait3A_127 : memref<10000x64xf32, #tpu.memory_space<hbm>>) dst(%arg8 : memref<125x64xf32, #tpu.memory_space<vmem>>)
      %ge3A_128 = arith.constant 1 : i32
      %ge3A_129 = arith.cmpi sge, %add3A_117, %ge3A_128 : i32
      %convert_element_type3A_130 = arith.extui %ge3A_129 : i1 to i32
      %cond3A_131 = arith.constant 0 : i32
      %cond3A_132 = arith.cmpi ne, %convert_element_type3A_130, %cond3A_131 : i32
      scf.if %cond3A_132 {
        %sub3A = arith.constant 1 : i32
        %sub3A_178 = arith.subi %add3A_117, %sub3A : i32
        %dma_wait3A_179 = arith.constant 0 : i32
        %dma_wait3A_180 = tpu.memref_slice %arg6[%sub3A_178, %dma_wait3A_179] : memref<160x125xi32, #tpu.memory_space<vmem>> -> memref<1x125xi32, #tpu.memory_space<vmem>>
        %dma_wait3A_181 = tpu.memref_squeeze %dma_wait3A_180 : memref<1x125xi32, #tpu.memory_space<vmem>> -> memref<125xi32, #tpu.memory_space<vmem>>
        %dma_wait3A_182 = arith.constant 0 : i32
        %dma_wait3A_183 = arith.constant 0 : i32
        %dma_wait3A_184 = tpu.memref_slice %arg11[%dma_wait3A_182, %dma_wait3A_183] : memref<10240x64xf32, #tpu.memory_space<vmem_shared>> -> memref<10240x64xf32, #tpu.memory_space<vmem_shared>>
        tpu.wait_indirect_dma semaphore(%arg15 : memref<!tpu.dma_semaphore, #tpu.memory_space<semaphore_mem>>) src(%arg7 : memref<125x64xf32, #tpu.memory_space<vmem>>) dst(%dma_wait3A_184 : memref<10240x64xf32, #tpu.memory_space<vmem_shared>>)
      } else {
      }
      %dma_start3A_133 = arith.constant 0 : i32
      %dma_start3A_134 = tpu.memref_slice %arg6[%add3A_117, %dma_start3A_133] : memref<160x125xi32, #tpu.memory_space<vmem>> -> memref<1x125xi32, #tpu.memory_space<vmem>>
      %dma_start3A_135 = tpu.memref_squeeze %dma_start3A_134 : memref<1x125xi32, #tpu.memory_space<vmem>> -> memref<125xi32, #tpu.memory_space<vmem>>
      %dma_start3A_136 = arith.constant 0 : i32
      %dma_start3A_137 = arith.constant 0 : i32
      %dma_start3A_138 = tpu.memref_slice %arg11[%dma_start3A_136, %dma_start3A_137] : memref<10240x64xf32, #tpu.memory_space<vmem_shared>> -> memref<10240x64xf32, #tpu.memory_space<vmem_shared>>
      tpu.enqueue_indirect_dma source(%arg8 : memref<125x64xf32, #tpu.memory_space<vmem>>) target(%dma_start3A_138 : memref<10240x64xf32, #tpu.memory_space<vmem_shared>>) offsets(%dma_start3A_135 : memref<125xi32, #tpu.memory_space<vmem>>) semaphore(%arg15 : memref<!tpu.dma_semaphore, #tpu.memory_space<semaphore_mem>>) {add = true}
      %add3A_139 = arith.constant 2 : i32
      %add3A_140 = arith.addi %add3A_117, %add3A_139 : i32
      %lt3A_141 = arith.constant 160 : i32
      %lt3A_142 = arith.cmpi slt, %add3A_140, %lt3A_141 : i32
      %convert_element_type3A_143 = arith.extui %lt3A_142 : i1 to i32
      %cond3A_144 = arith.constant 0 : i32
      %cond3A_145 = arith.cmpi ne, %convert_element_type3A_143, %cond3A_144 : i32
      scf.if %cond3A_145 {
        %add3A_178 = arith.constant 2 : i32
        %add3A_179 = arith.addi %add3A_117, %add3A_178 : i32
        %dma_start3A_180 = arith.constant 0 : i32
        %dma_start3A_181 = tpu.memref_slice %arg5[%add3A_179, %dma_start3A_180] : memref<160x125xi32, #tpu.memory_space<vmem>> -> memref<1x125xi32, #tpu.memory_space<vmem>>
        %dma_start3A_182 = tpu.memref_squeeze %dma_start3A_181 : memref<1x125xi32, #tpu.memory_space<vmem>> -> memref<125xi32, #tpu.memory_space<vmem>>
        %dma_start3A_183 = arith.constant 0 : i32
        %dma_start3A_184 = arith.constant 0 : i32
        %dma_start3A_185 = tpu.memref_slice %arg2[%arg0, %dma_start3A_183, %dma_start3A_184] : memref<2x10000x64xf32, #tpu.memory_space<hbm>> -> memref<1x10000x64xf32, #tpu.memory_space<hbm>>
        %dma_start3A_186 = tpu.memref_squeeze %dma_start3A_185 : memref<1x10000x64xf32, #tpu.memory_space<hbm>> -> memref<10000x64xf32, #tpu.memory_space<hbm>>
        %dma_start3A_187 = arith.constant 0 : i32
        %dma_start3A_188 = arith.constant 0 : i32
        %dma_start3A_189 = tpu.memref_slice %dma_start3A_186[%dma_start3A_187, %dma_start3A_188] : memref<10000x64xf32, #tpu.memory_space<hbm>> -> memref<10000x64xf32, #tpu.memory_space<hbm>>
        tpu.enqueue_indirect_dma source(%dma_start3A_189 : memref<10000x64xf32, #tpu.memory_space<hbm>>) target(%arg7 : memref<125x64xf32, #tpu.memory_space<vmem>>) offsets(%dma_start3A_182 : memref<125xi32, #tpu.memory_space<vmem>>) semaphore(%arg12 : memref<!tpu.dma_semaphore, #tpu.memory_space<semaphore_mem>>)
      } else {
      }
      %mul3A_146 = arith.constant 3 : i32
      %mul3A_147 = arith.muli %mul3A_146, %scan3A_85 : i32
      %add3A_148 = arith.constant 2 : i32
      %add3A_149 = arith.addi %mul3A_147, %add3A_148 : i32
      %dma_wait3A_150 = arith.constant 0 : i32
      %dma_wait3A_151 = tpu.memref_slice %arg5[%add3A_149, %dma_wait3A_150] : memref<160x125xi32, #tpu.memory_space<vmem>> -> memref<1x125xi32, #tpu.memory_space<vmem>>
      %dma_wait3A_152 = tpu.memref_squeeze %dma_wait3A_151 : memref<1x125xi32, #tpu.memory_space<vmem>> -> memref<125xi32, #tpu.memory_space<vmem>>
      %dma_wait3A_153 = arith.constant 0 : i32
      %dma_wait3A_154 = arith.constant 0 : i32
      %dma_wait3A_155 = tpu.memref_slice %arg2[%arg0, %dma_wait3A_153, %dma_wait3A_154] : memref<2x10000x64xf32, #tpu.memory_space<hbm>> -> memref<1x10000x64xf32, #tpu.memory_space<hbm>>
      %dma_wait3A_156 = tpu.memref_squeeze %dma_wait3A_155 : memref<1x10000x64xf32, #tpu.memory_space<hbm>> -> memref<10000x64xf32, #tpu.memory_space<hbm>>
      %dma_wait3A_157 = arith.constant 0 : i32
      %dma_wait3A_158 = arith.constant 0 : i32
      %dma_wait3A_159 = tpu.memref_slice %dma_wait3A_156[%dma_wait3A_157, %dma_wait3A_158] : memref<10000x64xf32, #tpu.memory_space<hbm>> -> memref<10000x64xf32, #tpu.memory_space<hbm>>
      tpu.wait_indirect_dma semaphore(%arg14 : memref<!tpu.dma_semaphore, #tpu.memory_space<semaphore_mem>>) src(%dma_wait3A_159 : memref<10000x64xf32, #tpu.memory_space<hbm>>) dst(%arg9 : memref<125x64xf32, #tpu.memory_space<vmem>>)
      %ge3A_160 = arith.constant 1 : i32
      %ge3A_161 = arith.cmpi sge, %add3A_149, %ge3A_160 : i32
      %convert_element_type3A_162 = arith.extui %ge3A_161 : i1 to i32
      %cond3A_163 = arith.constant 0 : i32
      %cond3A_164 = arith.cmpi ne, %convert_element_type3A_162, %cond3A_163 : i32
      scf.if %cond3A_164 {
        %sub3A = arith.constant 1 : i32
        %sub3A_178 = arith.subi %add3A_149, %sub3A : i32
        %dma_wait3A_179 = arith.constant 0 : i32
        %dma_wait3A_180 = tpu.memref_slice %arg6[%sub3A_178, %dma_wait3A_179] : memref<160x125xi32, #tpu.memory_space<vmem>> -> memref<1x125xi32, #tpu.memory_space<vmem>>
        %dma_wait3A_181 = tpu.memref_squeeze %dma_wait3A_180 : memref<1x125xi32, #tpu.memory_space<vmem>> -> memref<125xi32, #tpu.memory_space<vmem>>
        %dma_wait3A_182 = arith.constant 0 : i32
        %dma_wait3A_183 = arith.constant 0 : i32
        %dma_wait3A_184 = tpu.memref_slice %arg11[%dma_wait3A_182, %dma_wait3A_183] : memref<10240x64xf32, #tpu.memory_space<vmem_shared>> -> memref<10240x64xf32, #tpu.memory_space<vmem_shared>>
        tpu.wait_indirect_dma semaphore(%arg15 : memref<!tpu.dma_semaphore, #tpu.memory_space<semaphore_mem>>) src(%arg8 : memref<125x64xf32, #tpu.memory_space<vmem>>) dst(%dma_wait3A_184 : memref<10240x64xf32, #tpu.memory_space<vmem_shared>>)
      } else {
      }
      %dma_start3A_165 = arith.constant 0 : i32
      %dma_start3A_166 = tpu.memref_slice %arg6[%add3A_149, %dma_start3A_165] : memref<160x125xi32, #tpu.memory_space<vmem>> -> memref<1x125xi32, #tpu.memory_space<vmem>>
      %dma_start3A_167 = tpu.memref_squeeze %dma_start3A_166 : memref<1x125xi32, #tpu.memory_space<vmem>> -> memref<125xi32, #tpu.memory_space<vmem>>
      %dma_start3A_168 = arith.constant 0 : i32
      %dma_start3A_169 = arith.constant 0 : i32
      %dma_start3A_170 = tpu.memref_slice %arg11[%dma_start3A_168, %dma_start3A_169] : memref<10240x64xf32, #tpu.memory_space<vmem_shared>> -> memref<10240x64xf32, #tpu.memory_space<vmem_shared>>
      tpu.enqueue_indirect_dma source(%arg9 : memref<125x64xf32, #tpu.memory_space<vmem>>) target(%dma_start3A_170 : memref<10240x64xf32, #tpu.memory_space<vmem_shared>>) offsets(%dma_start3A_167 : memref<125xi32, #tpu.memory_space<vmem>>) semaphore(%arg15 : memref<!tpu.dma_semaphore, #tpu.memory_space<semaphore_mem>>) {add = true}
      %add3A_171 = arith.constant 2 : i32
      %add3A_172 = arith.addi %add3A_149, %add3A_171 : i32
      %lt3A_173 = arith.constant 160 : i32
      %lt3A_174 = arith.cmpi slt, %add3A_172, %lt3A_173 : i32
      %convert_element_type3A_175 = arith.extui %lt3A_174 : i1 to i32
      %cond3A_176 = arith.constant 0 : i32
      %cond3A_177 = arith.cmpi ne, %convert_element_type3A_175, %cond3A_176 : i32
      scf.if %cond3A_177 {
        %add3A_178 = arith.constant 2 : i32
        %add3A_179 = arith.addi %add3A_149, %add3A_178 : i32
        %dma_start3A_180 = arith.constant 0 : i32
        %dma_start3A_181 = tpu.memref_slice %arg5[%add3A_179, %dma_start3A_180] : memref<160x125xi32, #tpu.memory_space<vmem>> -> memref<1x125xi32, #tpu.memory_space<vmem>>
        %dma_start3A_182 = tpu.memref_squeeze %dma_start3A_181 : memref<1x125xi32, #tpu.memory_space<vmem>> -> memref<125xi32, #tpu.memory_space<vmem>>
        %dma_start3A_183 = arith.constant 0 : i32
        %dma_start3A_184 = arith.constant 0 : i32
        %dma_start3A_185 = tpu.memref_slice %arg2[%arg0, %dma_start3A_183, %dma_start3A_184] : memref<2x10000x64xf32, #tpu.memory_space<hbm>> -> memref<1x10000x64xf32, #tpu.memory_space<hbm>>
        %dma_start3A_186 = tpu.memref_squeeze %dma_start3A_185 : memref<1x10000x64xf32, #tpu.memory_space<hbm>> -> memref<10000x64xf32, #tpu.memory_space<hbm>>
        %dma_start3A_187 = arith.constant 0 : i32
        %dma_start3A_188 = arith.constant 0 : i32
        %dma_start3A_189 = tpu.memref_slice %dma_start3A_186[%dma_start3A_187, %dma_start3A_188] : memref<10000x64xf32, #tpu.memory_space<hbm>> -> memref<10000x64xf32, #tpu.memory_space<hbm>>
        tpu.enqueue_indirect_dma source(%dma_start3A_189 : memref<10000x64xf32, #tpu.memory_space<hbm>>) target(%arg8 : memref<125x64xf32, #tpu.memory_space<vmem>>) offsets(%dma_start3A_182 : memref<125xi32, #tpu.memory_space<vmem>>) semaphore(%arg13 : memref<!tpu.dma_semaphore, #tpu.memory_space<semaphore_mem>>)
      } else {
      }
    }
    %scan3A_48 = arith.constant 53 : i32
    %dma_wait3A = arith.constant 159 : i32
    %dma_wait3A_49 = arith.constant 0 : i32
    %dma_wait3A_50 = tpu.memref_slice %arg5[%dma_wait3A, %dma_wait3A_49] : memref<160x125xi32, #tpu.memory_space<vmem>> -> memref<1x125xi32, #tpu.memory_space<vmem>>
    %dma_wait3A_51 = tpu.memref_squeeze %dma_wait3A_50 : memref<1x125xi32, #tpu.memory_space<vmem>> -> memref<125xi32, #tpu.memory_space<vmem>>
    %dma_wait3A_52 = arith.constant 0 : i32
    %dma_wait3A_53 = arith.constant 0 : i32
    %dma_wait3A_54 = tpu.memref_slice %arg2[%arg0, %dma_wait3A_52, %dma_wait3A_53] : memref<2x10000x64xf32, #tpu.memory_space<hbm>> -> memref<1x10000x64xf32, #tpu.memory_space<hbm>>
    %dma_wait3A_55 = tpu.memref_squeeze %dma_wait3A_54 : memref<1x10000x64xf32, #tpu.memory_space<hbm>> -> memref<10000x64xf32, #tpu.memory_space<hbm>>
    %dma_wait3A_56 = arith.constant 0 : i32
    %dma_wait3A_57 = arith.constant 0 : i32
    %dma_wait3A_58 = tpu.memref_slice %dma_wait3A_55[%dma_wait3A_56, %dma_wait3A_57] : memref<10000x64xf32, #tpu.memory_space<hbm>> -> memref<10000x64xf32, #tpu.memory_space<hbm>>
    tpu.wait_indirect_dma semaphore(%arg12 : memref<!tpu.dma_semaphore, #tpu.memory_space<semaphore_mem>>) src(%dma_wait3A_58 : memref<10000x64xf32, #tpu.memory_space<hbm>>) dst(%arg7 : memref<125x64xf32, #tpu.memory_space<vmem>>)
    %dma_wait3A_59 = arith.constant 158 : i32
    %dma_wait3A_60 = arith.constant 0 : i32
    %dma_wait3A_61 = tpu.memref_slice %arg6[%dma_wait3A_59, %dma_wait3A_60] : memref<160x125xi32, #tpu.memory_space<vmem>> -> memref<1x125xi32, #tpu.memory_space<vmem>>
    %dma_wait3A_62 = tpu.memref_squeeze %dma_wait3A_61 : memref<1x125xi32, #tpu.memory_space<vmem>> -> memref<125xi32, #tpu.memory_space<vmem>>
    %dma_wait3A_63 = arith.constant 0 : i32
    %dma_wait3A_64 = arith.constant 0 : i32
    %dma_wait3A_65 = tpu.memref_slice %arg11[%dma_wait3A_63, %dma_wait3A_64] : memref<10240x64xf32, #tpu.memory_space<vmem_shared>> -> memref<10240x64xf32, #tpu.memory_space<vmem_shared>>
    tpu.wait_indirect_dma semaphore(%arg15 : memref<!tpu.dma_semaphore, #tpu.memory_space<semaphore_mem>>) src(%arg9 : memref<125x64xf32, #tpu.memory_space<vmem>>) dst(%dma_wait3A_65 : memref<10240x64xf32, #tpu.memory_space<vmem_shared>>)
    %dma_start3A_66 = arith.constant 159 : i32
    %dma_start3A_67 = arith.constant 0 : i32
    %dma_start3A_68 = tpu.memref_slice %arg6[%dma_start3A_66, %dma_start3A_67] : memref<160x125xi32, #tpu.memory_space<vmem>> -> memref<1x125xi32, #tpu.memory_space<vmem>>
    %dma_start3A_69 = tpu.memref_squeeze %dma_start3A_68 : memref<1x125xi32, #tpu.memory_space<vmem>> -> memref<125xi32, #tpu.memory_space<vmem>>
    %dma_start3A_70 = arith.constant 0 : i32
    %dma_start3A_71 = arith.constant 0 : i32
    %dma_start3A_72 = tpu.memref_slice %arg11[%dma_start3A_70, %dma_start3A_71] : memref<10240x64xf32, #tpu.memory_space<vmem_shared>> -> memref<10240x64xf32, #tpu.memory_space<vmem_shared>>
    tpu.enqueue_indirect_dma source(%arg7 : memref<125x64xf32, #tpu.memory_space<vmem>>) target(%dma_start3A_72 : memref<10240x64xf32, #tpu.memory_space<vmem_shared>>) offsets(%dma_start3A_69 : memref<125xi32, #tpu.memory_space<vmem>>) semaphore(%arg15 : memref<!tpu.dma_semaphore, #tpu.memory_space<semaphore_mem>>) {add = true}
    %dma_wait3A_73 = arith.constant 159 : i32
    %dma_wait3A_74 = arith.constant 0 : i32
    %dma_wait3A_75 = tpu.memref_slice %arg6[%dma_wait3A_73, %dma_wait3A_74] : memref<160x125xi32, #tpu.memory_space<vmem>> -> memref<1x125xi32, #tpu.memory_space<vmem>>
    %dma_wait3A_76 = tpu.memref_squeeze %dma_wait3A_75 : memref<1x125xi32, #tpu.memory_space<vmem>> -> memref<125xi32, #tpu.memory_space<vmem>>
    %dma_wait3A_77 = arith.constant 0 : i32
    %dma_wait3A_78 = arith.constant 0 : i32
    %dma_wait3A_79 = tpu.memref_slice %arg11[%dma_wait3A_77, %dma_wait3A_78] : memref<10240x64xf32, #tpu.memory_space<vmem_shared>> -> memref<10240x64xf32, #tpu.memory_space<vmem_shared>>
    tpu.wait_indirect_dma semaphore(%arg15 : memref<!tpu.dma_semaphore, #tpu.memory_space<semaphore_mem>>) src(%arg7 : memref<125x64xf32, #tpu.memory_space<vmem>>) dst(%dma_wait3A_79 : memref<10240x64xf32, #tpu.memory_space<vmem_shared>>)
    %barrier3A_80 = arith.constant 0 : index
    tpu.barrier barrier_id(%barrier3A_80)
    %mul3A_81 = arith.constant 640 : i32
    %mul3A_82 = arith.muli %arg1, %mul3A_81 : i32
    %mul3A_83 = arith.constant 640 : i32
    %mul3A_84 = arith.muli %arg1, %mul3A_83 : i32
    "tpu.region"() ({
      %run_scoped3A_85 = tpu.sem_alloc : memref<!tpu.dma_semaphore, #tpu.memory_space<semaphore_mem>>
      %dma_start3A_86 = arith.constant 0 : i32
      %dma_start3A_87 = tpu.memref_slice %arg4[%arg0, %mul3A_84, %dma_start3A_86] : memref<2x10240x64xf32, #tpu.memory_space<hbm>> -> memref<1x640x64xf32, #tpu.memory_space<hbm>>
      %dma_start3A_88 = tpu.memref_squeeze %dma_start3A_87 : memref<1x640x64xf32, #tpu.memory_space<hbm>> -> memref<640x64xf32, #tpu.memory_space<hbm>>
      %dma_start3A_89 = arith.constant 0 : i32
      %dma_start3A_90 = tpu.memref_slice %arg11[%mul3A_82, %dma_start3A_89] : memref<10240x64xf32, #tpu.memory_space<vmem_shared>> -> memref<640x64xf32, #tpu.memory_space<vmem_shared>>
      tpu.enqueue_dma source(%dma_start3A_90 : memref<640x64xf32, #tpu.memory_space<vmem_shared>>) target(%dma_start3A_88 : memref<640x64xf32, #tpu.memory_space<hbm>>) target_semaphore(%run_scoped3A_85 : memref<!tpu.dma_semaphore, #tpu.memory_space<semaphore_mem>>)
      %dma_wait3A_91 = arith.constant 0 : i32
      %dma_wait3A_92 = tpu.memref_slice %arg4[%arg0, %mul3A_84, %dma_wait3A_91] : memref<2x10240x64xf32, #tpu.memory_space<hbm>> -> memref<1x640x64xf32, #tpu.memory_space<hbm>>
      %dma_wait3A_93 = tpu.memref_squeeze %dma_wait3A_92 : memref<1x640x64xf32, #tpu.memory_space<hbm>> -> memref<640x64xf32, #tpu.memory_space<hbm>>
      %dma_wait3A_94 = arith.constant 0 : i32
      %dma_wait3A_95 = tpu.memref_slice %arg11[%mul3A_82, %dma_wait3A_94] : memref<10240x64xf32, #tpu.memory_space<vmem_shared>> -> memref<640x64xf32, #tpu.memory_space<vmem_shared>>
      tpu.wait_dma2 semaphore(%run_scoped3A_85 : memref<!tpu.dma_semaphore, #tpu.memory_space<semaphore_mem>>) src(%dma_wait3A_95 : memref<640x64xf32, #tpu.memory_space<vmem_shared>>) dst(%dma_wait3A_93 : memref<640x64xf32, #tpu.memory_space<hbm>>)
      tpu.yield
    }) : () -> ()
    return
  }
}

#map = affine_map<(d0, d1) -> (0, 0, 0)>
#map1 = affine_map<(d0, d1) -> (0, 0, 0, 0)>
module attributes {stable_mosaic.version = 14 : i64} {
  func.func @_segment_sum_sc(%arg0: i32, %arg1: i32, %arg2: memref<2x10000x64xf32, #tpu.memory_space<hbm>>, %arg3: memref<2x16x160x125xi32, #tpu.memory_space<hbm>>, %arg4: memref<2x10240x64xf32, #tpu.memory_space<hbm>>, %arg5: memref<160x125xi32, #tpu.memory_space<vmem>>, %arg6: memref<160x125xi32, #tpu.memory_space<vmem>>, %arg7: memref<125x64xf32, #tpu.memory_space<vmem>>, %arg8: memref<125x64xf32, #tpu.memory_space<vmem>>, %arg9: memref<125x64xf32, #tpu.memory_space<vmem>>, %arg10: memref<128x64xf32, #tpu.memory_space<vmem>>, %arg11: memref<10240x64xf32, #tpu.memory_space<vmem_shared>>, %arg12: memref<!tpu.dma_semaphore, #tpu.memory_space<semaphore_mem>>, %arg13: memref<!tpu.dma_semaphore, #tpu.memory_space<semaphore_mem>>, %arg14: memref<!tpu.dma_semaphore, #tpu.memory_space<semaphore_mem>>, %arg15: memref<!tpu.dma_semaphore, #tpu.memory_space<semaphore_mem>>) attributes {dimension_semantics = [#tpu.dimension_semantics<core_parallel>, #tpu.dimension_semantics<subcore_parallel>], iteration_bounds = array<i64: 2, 16>, scalar_prefetch = 0 : i64, scratch_operands = 11 : i64, tpu.core_type = #tpu.core_type<sc_vector_subcore>, window_params = [{transform_indices = #map}, {transform_indices = #map1}, {transform_indices = #map}]} {
    %scan3A = arith.constant 0 : i32
    %scan3A_0 = arith.constant 128 : i32
    %scan3A_1 = arith.addi %scan3A, %scan3A_0 : i32
    %scan3A_2 = arith.constant 1 : i32
    scf.for %scan3A_85 = %scan3A to %scan3A_1 step %scan3A_2  : i32 {
      %scan3A_86 = arith.constant 0 : i32
      %scan3A_87 = arith.constant 4 : i32
      %scan3A_88 = arith.addi %scan3A_86, %scan3A_87 : i32
      %scan3A_89 = arith.constant 1 : i32
      scf.for %scan3A_91 = %scan3A_86 to %scan3A_88 step %scan3A_89  : i32 {
        %broadcast_in_dim3A = arith.constant 0.000000e+00 : f32
        %broadcast_in_dim3A_92 = vector.broadcast %broadcast_in_dim3A : f32 to vector<16xf32>
        %mul3A_93 = arith.constant 16 : i32
        %mul3A_94 = arith.muli %scan3A_91, %mul3A_93 : i32
        %swap3A = arith.index_cast %scan3A_85 : i32 to index
        %swap3A_95 = arith.index_cast %mul3A_94 : i32 to index
        %swap3A_96 = tpu.vector_load %arg10[%swap3A, %swap3A_95] {strides = array<i32>} : memref<128x64xf32, #tpu.memory_space<vmem>>, vector<1x16xf32>,
        %swap3A_97 = vector.shape_cast %swap3A_96 : vector<1x16xf32> to vector<16xf32>
        %swap3A_98 = vector.shape_cast %broadcast_in_dim3A_92 : vector<16xf32> to vector<1x16xf32>
        tpu.vector_store %arg10[%swap3A, %swap3A_95], %swap3A_98 {strides = array<i32>} : memref<128x64xf32, #tpu.memory_space<vmem>>, vector<1x16xf32>,
      }
      %scan3A_90 = arith.constant 4 : i32
    }
    %scan3A_3 = arith.constant 128 : i32
    %mul3A = arith.constant 640 : i32
    %mul3A_4 = arith.muli %arg1, %mul3A : i32
    %add3A = arith.constant 0 : i32
    %add3A_5 = arith.addi %mul3A_4, %add3A : i32
    "tpu.region"() ({
      %run_scoped3A_85 = tpu.sem_alloc : memref<!tpu.dma_semaphore, #tpu.memory_space<semaphore_mem>>
      %dma_start3A_86 = arith.constant 0 : i32
      %dma_start3A_87 = tpu.memref_slice %arg11[%add3A_5, %dma_start3A_86] : memref<10240x64xf32, #tpu.memory_space<vmem_shared>> -> memref<128x64xf32, #tpu.memory_space<vmem_shared>>
      %dma_start3A_88 = arith.constant 0 : i32
      %dma_start3A_89 = tpu.memref_slice %arg11[%add3A_5, %dma_start3A_88] : memref<10240x64xf32, #tpu.memory_space<vmem_shared>> -> memref<128x64xf32, #tpu.memory_space<vmem_shared>>
      tpu.enqueue_dma source(%arg10 : memref<128x64xf32, #tpu.memory_space<vmem>>) target(%dma_start3A_89 : memref<128x64xf32, #tpu.memory_space<vmem_shared>>) target_semaphore(%run_scoped3A_85 : memref<!tpu.dma_semaphore, #tpu.memory_space<semaphore_mem>>)
      %dma_wait3A_90 = arith.constant 0 : i32
      %dma_wait3A_91 = tpu.memref_slice %arg11[%add3A_5, %dma_wait3A_90] : memref<10240x64xf32, #tpu.memory_space<vmem_shared>> -> memref<128x64xf32, #tpu.memory_space<vmem_shared>>
      %dma_wait3A_92 = arith.constant 0 : i32
      %dma_wait3A_93 = tpu.memref_slice %arg11[%add3A_5, %dma_wait3A_92] : memref<10240x64xf32, #tpu.memory_space<vmem_shared>> -> memref<128x64xf32, #tpu.memory_space<vmem_shared>>
      tpu.wait_dma2 semaphore(%run_scoped3A_85 : memref<!tpu.dma_semaphore, #tpu.memory_space<semaphore_mem>>) src(%arg10 : memref<128x64xf32, #tpu.memory_space<vmem>>) dst(%dma_wait3A_93 : memref<128x64xf32, #tpu.memory_space<vmem_shared>>)
      tpu.yield
    }) : () -> ()
    %mul3A_6 = arith.constant 640 : i32
    %mul3A_7 = arith.muli %arg1, %mul3A_6 : i32
    %add3A_8 = arith.constant 128 : i32
    %add3A_9 = arith.addi %mul3A_7, %add3A_8 : i32
    "tpu.region"() ({
      %run_scoped3A_85 = tpu.sem_alloc : memref<!tpu.dma_semaphore, #tpu.memory_space<semaphore_mem>>
      %dma_start3A_86 = arith.constant 0 : i32
      %dma_start3A_87 = tpu.memref_slice %arg11[%add3A_9, %dma_start3A_86] : memref<10240x64xf32, #tpu.memory_space<vmem_shared>> -> memref<128x64xf32, #tpu.memory_space<vmem_shared>>
      %dma_start3A_88 = arith.constant 0 : i32
      %dma_start3A_89 = tpu.memref_slice %arg11[%add3A_9, %dma_start3A_88] : memref<10240x64xf32, #tpu.memory_space<vmem_shared>> -> memref<128x64xf32, #tpu.memory_space<vmem_shared>>
      tpu.enqueue_dma source(%arg10 : memref<128x64xf32, #tpu.memory_space<vmem>>) target(%dma_start3A_89 : memref<128x64xf32, #tpu.memory_space<vmem_shared>>) target_semaphore(%run_scoped3A_85 : memref<!tpu.dma_semaphore, #tpu.memory_space<semaphore_mem>>)
      %dma_wait3A_90 = arith.constant 0 : i32
      %dma_wait3A_91 = tpu.memref_slice %arg11[%add3A_9, %dma_wait3A_90] : memref<10240x64xf32, #tpu.memory_space<vmem_shared>> -> memref<128x64xf32, #tpu.memory_space<vmem_shared>>
      %dma_wait3A_92 = arith.constant 0 : i32
      %dma_wait3A_93 = tpu.memref_slice %arg11[%add3A_9, %dma_wait3A_92] : memref<10240x64xf32, #tpu.memory_space<vmem_shared>> -> memref<128x64xf32, #tpu.memory_space<vmem_shared>>
      tpu.wait_dma2 semaphore(%run_scoped3A_85 : memref<!tpu.dma_semaphore, #tpu.memory_space<semaphore_mem>>) src(%arg10 : memref<128x64xf32, #tpu.memory_space<vmem>>) dst(%dma_wait3A_93 : memref<128x64xf32, #tpu.memory_space<vmem_shared>>)
      tpu.yield
    }) : () -> ()
    %mul3A_10 = arith.constant 640 : i32
    %mul3A_11 = arith.muli %arg1, %mul3A_10 : i32
    %add3A_12 = arith.constant 256 : i32
    %add3A_13 = arith.addi %mul3A_11, %add3A_12 : i32
    "tpu.region"() ({
      %run_scoped3A_85 = tpu.sem_alloc : memref<!tpu.dma_semaphore, #tpu.memory_space<semaphore_mem>>
      %dma_start3A_86 = arith.constant 0 : i32
      %dma_start3A_87 = tpu.memref_slice %arg11[%add3A_13, %dma_start3A_86] : memref<10240x64xf32, #tpu.memory_space<vmem_shared>> -> memref<128x64xf32, #tpu.memory_space<vmem_shared>>
      %dma_start3A_88 = arith.constant 0 : i32
      %dma_start3A_89 = tpu.memref_slice %arg11[%add3A_13, %dma_start3A_88] : memref<10240x64xf32, #tpu.memory_space<vmem_shared>> -> memref<128x64xf32, #tpu.memory_space<vmem_shared>>
      tpu.enqueue_dma source(%arg10 : memref<128x64xf32, #tpu.memory_space<vmem>>) target(%dma_start3A_89 : memref<128x64xf32, #tpu.memory_space<vmem_shared>>) target_semaphore(%run_scoped3A_85 : memref<!tpu.dma_semaphore, #tpu.memory_space<semaphore_mem>>)
      %dma_wait3A_90 = arith.constant 0 : i32
      %dma_wait3A_91 = tpu.memref_slice %arg11[%add3A_13, %dma_wait3A_90] : memref<10240x64xf32, #tpu.memory_space<vmem_shared>> -> memref<128x64xf32, #tpu.memory_space<vmem_shared>>
      %dma_wait3A_92 = arith.constant 0 : i32
      %dma_wait3A_93 = tpu.memref_slice %arg11[%add3A_13, %dma_wait3A_92] : memref<10240x64xf32, #tpu.memory_space<vmem_shared>> -> memref<128x64xf32, #tpu.memory_space<vmem_shared>>
      tpu.wait_dma2 semaphore(%run_scoped3A_85 : memref<!tpu.dma_semaphore, #tpu.memory_space<semaphore_mem>>) src(%arg10 : memref<128x64xf32, #tpu.memory_space<vmem>>) dst(%dma_wait3A_93 : memref<128x64xf32, #tpu.memory_space<vmem_shared>>)
      tpu.yield
    }) : () -> ()
    %mul3A_14 = arith.constant 640 : i32
    %mul3A_15 = arith.muli %arg1, %mul3A_14 : i32
    %add3A_16 = arith.constant 384 : i32
    %add3A_17 = arith.addi %mul3A_15, %add3A_16 : i32
    "tpu.region"() ({
      %run_scoped3A_85 = tpu.sem_alloc : memref<!tpu.dma_semaphore, #tpu.memory_space<semaphore_mem>>
      %dma_start3A_86 = arith.constant 0 : i32
      %dma_start3A_87 = tpu.memref_slice %arg11[%add3A_17, %dma_start3A_86] : memref<10240x64xf32, #tpu.memory_space<vmem_shared>> -> memref<128x64xf32, #tpu.memory_space<vmem_shared>>
      %dma_start3A_88 = arith.constant 0 : i32
      %dma_start3A_89 = tpu.memref_slice %arg11[%add3A_17, %dma_start3A_88] : memref<10240x64xf32, #tpu.memory_space<vmem_shared>> -> memref<128x64xf32, #tpu.memory_space<vmem_shared>>
      tpu.enqueue_dma source(%arg10 : memref<128x64xf32, #tpu.memory_space<vmem>>) target(%dma_start3A_89 : memref<128x64xf32, #tpu.memory_space<vmem_shared>>) target_semaphore(%run_scoped3A_85 : memref<!tpu.dma_semaphore, #tpu.memory_space<semaphore_mem>>)
      %dma_wait3A_90 = arith.constant 0 : i32
      %dma_wait3A_91 = tpu.memref_slice %arg11[%add3A_17, %dma_wait3A_90] : memref<10240x64xf32, #tpu.memory_space<vmem_shared>> -> memref<128x64xf32, #tpu.memory_space<vmem_shared>>
      %dma_wait3A_92 = arith.constant 0 : i32
      %dma_wait3A_93 = tpu.memref_slice %arg11[%add3A_17, %dma_wait3A_92] : memref<10240x64xf32, #tpu.memory_space<vmem_shared>> -> memref<128x64xf32, #tpu.memory_space<vmem_shared>>
      tpu.wait_dma2 semaphore(%run_scoped3A_85 : memref<!tpu.dma_semaphore, #tpu.memory_space<semaphore_mem>>) src(%arg10 : memref<128x64xf32, #tpu.memory_space<vmem>>) dst(%dma_wait3A_93 : memref<128x64xf32, #tpu.memory_space<vmem_shared>>)
      tpu.yield
    }) : () -> ()
    %mul3A_18 = arith.constant 640 : i32
    %mul3A_19 = arith.muli %arg1, %mul3A_18 : i32
    %add3A_20 = arith.constant 512 : i32
    %add3A_21 = arith.addi %mul3A_19, %add3A_20 : i32
    "tpu.region"() ({
      %run_scoped3A_85 = tpu.sem_alloc : memref<!tpu.dma_semaphore, #tpu.memory_space<semaphore_mem>>
      %dma_start3A_86 = arith.constant 0 : i32
      %dma_start3A_87 = tpu.memref_slice %arg11[%add3A_21, %dma_start3A_86] : memref<10240x64xf32, #tpu.memory_space<vmem_shared>> -> memref<128x64xf32, #tpu.memory_space<vmem_shared>>
      %dma_start3A_88 = arith.constant 0 : i32
      %dma_start3A_89 = tpu.memref_slice %arg11[%add3A_21, %dma_start3A_88] : memref<10240x64xf32, #tpu.memory_space<vmem_shared>> -> memref<128x64xf32, #tpu.memory_space<vmem_shared>>
      tpu.enqueue_dma source(%arg10 : memref<128x64xf32, #tpu.memory_space<vmem>>) target(%dma_start3A_89 : memref<128x64xf32, #tpu.memory_space<vmem_shared>>) target_semaphore(%run_scoped3A_85 : memref<!tpu.dma_semaphore, #tpu.memory_space<semaphore_mem>>)
      %dma_wait3A_90 = arith.constant 0 : i32
      %dma_wait3A_91 = tpu.memref_slice %arg11[%add3A_21, %dma_wait3A_90] : memref<10240x64xf32, #tpu.memory_space<vmem_shared>> -> memref<128x64xf32, #tpu.memory_space<vmem_shared>>
      %dma_wait3A_92 = arith.constant 0 : i32
      %dma_wait3A_93 = tpu.memref_slice %arg11[%add3A_21, %dma_wait3A_92] : memref<10240x64xf32, #tpu.memory_space<vmem_shared>> -> memref<128x64xf32, #tpu.memory_space<vmem_shared>>
      tpu.wait_dma2 semaphore(%run_scoped3A_85 : memref<!tpu.dma_semaphore, #tpu.memory_space<semaphore_mem>>) src(%arg10 : memref<128x64xf32, #tpu.memory_space<vmem>>) dst(%dma_wait3A_93 : memref<128x64xf32, #tpu.memory_space<vmem_shared>>)
      tpu.yield
    }) : () -> ()
    %barrier3A = arith.constant 0 : index
    tpu.barrier barrier_id(%barrier3A)
    %run_scoped3A = arith.constant 0 : i32
    "tpu.region"() ({
      %run_scoped3A_85 = tpu.sem_alloc : memref<!tpu.dma_semaphore, #tpu.memory_space<semaphore_mem>>
      %dma_start3A_86 = arith.constant 0 : i32
      %dma_start3A_87 = arith.constant 0 : i32
      %dma_start3A_88 = tpu.memref_slice %arg3[%run_scoped3A, %arg1, %dma_start3A_86, %dma_start3A_87] : memref<2x16x160x125xi32, #tpu.memory_space<hbm>> -> memref<1x1x160x125xi32, #tpu.memory_space<hbm>>
      %dma_start3A_89 = tpu.memref_squeeze %dma_start3A_88 : memref<1x1x160x125xi32, #tpu.memory_space<hbm>> -> memref<160x125xi32, #tpu.memory_space<hbm>>
      %dma_start3A_90 = arith.constant 0 : i32
      %dma_start3A_91 = arith.constant 0 : i32
      %dma_start3A_92 = tpu.memref_slice %arg3[%run_scoped3A, %arg1, %dma_start3A_90, %dma_start3A_91] : memref<2x16x160x125xi32, #tpu.memory_space<hbm>> -> memref<1x1x160x125xi32, #tpu.memory_space<hbm>>
      %dma_start3A_93 = tpu.memref_squeeze %dma_start3A_92 : memref<1x1x160x125xi32, #tpu.memory_space<hbm>> -> memref<160x125xi32, #tpu.memory_space<hbm>>
      tpu.enqueue_dma source(%dma_start3A_93 : memref<160x125xi32, #tpu.memory_space<hbm>>) target(%arg5 : memref<160x125xi32, #tpu.memory_space<vmem>>) target_semaphore(%run_scoped3A_85 : memref<!tpu.dma_semaphore, #tpu.memory_space<semaphore_mem>>)
      %dma_wait3A_94 = arith.constant 0 : i32
      %dma_wait3A_95 = arith.constant 0 : i32
      %dma_wait3A_96 = tpu.memref_slice %arg3[%run_scoped3A, %arg1, %dma_wait3A_94, %dma_wait3A_95] : memref<2x16x160x125xi32, #tpu.memory_space<hbm>> -> memref<1x1x160x125xi32, #tpu.memory_space<hbm>>
      %dma_wait3A_97 = tpu.memref_squeeze %dma_wait3A_96 : memref<1x1x160x125xi32, #tpu.memory_space<hbm>> -> memref<160x125xi32, #tpu.memory_space<hbm>>
      %dma_wait3A_98 = arith.constant 0 : i32
      %dma_wait3A_99 = arith.constant 0 : i32
      %dma_wait3A_100 = tpu.memref_slice %arg3[%run_scoped3A, %arg1, %dma_wait3A_98, %dma_wait3A_99] : memref<2x16x160x125xi32, #tpu.memory_space<hbm>> -> memref<1x1x160x125xi32, #tpu.memory_space<hbm>>
      %dma_wait3A_101 = tpu.memref_squeeze %dma_wait3A_100 : memref<1x1x160x125xi32, #tpu.memory_space<hbm>> -> memref<160x125xi32, #tpu.memory_space<hbm>>
      tpu.wait_dma2 semaphore(%run_scoped3A_85 : memref<!tpu.dma_semaphore, #tpu.memory_space<semaphore_mem>>) src(%dma_wait3A_101 : memref<160x125xi32, #tpu.memory_space<hbm>>) dst(%arg5 : memref<160x125xi32, #tpu.memory_space<vmem>>)
      tpu.yield
    }) : () -> ()
    %run_scoped3A_22 = arith.constant 1 : i32
    "tpu.region"() ({
      %run_scoped3A_85 = tpu.sem_alloc : memref<!tpu.dma_semaphore, #tpu.memory_space<semaphore_mem>>
      %dma_start3A_86 = arith.constant 0 : i32
      %dma_start3A_87 = arith.constant 0 : i32
      %dma_start3A_88 = tpu.memref_slice %arg3[%run_scoped3A_22, %arg1, %dma_start3A_86, %dma_start3A_87] : memref<2x16x160x125xi32, #tpu.memory_space<hbm>> -> memref<1x1x160x125xi32, #tpu.memory_space<hbm>>
      %dma_start3A_89 = tpu.memref_squeeze %dma_start3A_88 : memref<1x1x160x125xi32, #tpu.memory_space<hbm>> -> memref<160x125xi32, #tpu.memory_space<hbm>>
      %dma_start3A_90 = arith.constant 0 : i32
      %dma_start3A_91 = arith.constant 0 : i32
      %dma_start3A_92 = tpu.memref_slice %arg3[%run_scoped3A_22, %arg1, %dma_start3A_90, %dma_start3A_91] : memref<2x16x160x125xi32, #tpu.memory_space<hbm>> -> memref<1x1x160x125xi32, #tpu.memory_space<hbm>>
      %dma_start3A_93 = tpu.memref_squeeze %dma_start3A_92 : memref<1x1x160x125xi32, #tpu.memory_space<hbm>> -> memref<160x125xi32, #tpu.memory_space<hbm>>
      tpu.enqueue_dma source(%dma_start3A_93 : memref<160x125xi32, #tpu.memory_space<hbm>>) target(%arg6 : memref<160x125xi32, #tpu.memory_space<vmem>>) target_semaphore(%run_scoped3A_85 : memref<!tpu.dma_semaphore, #tpu.memory_space<semaphore_mem>>)
      %dma_wait3A_94 = arith.constant 0 : i32
      %dma_wait3A_95 = arith.constant 0 : i32
      %dma_wait3A_96 = tpu.memref_slice %arg3[%run_scoped3A_22, %arg1, %dma_wait3A_94, %dma_wait3A_95] : memref<2x16x160x125xi32, #tpu.memory_space<hbm>> -> memref<1x1x160x125xi32, #tpu.memory_space<hbm>>
      %dma_wait3A_97 = tpu.memref_squeeze %dma_wait3A_96 : memref<1x1x160x125xi32, #tpu.memory_space<hbm>> -> memref<160x125xi32, #tpu.memory_space<hbm>>
      %dma_wait3A_98 = arith.constant 0 : i32
      %dma_wait3A_99 = arith.constant 0 : i32
      %dma_wait3A_100 = tpu.memref_slice %arg3[%run_scoped3A_22, %arg1, %dma_wait3A_98, %dma_wait3A_99] : memref<2x16x160x125xi32, #tpu.memory_space<hbm>> -> memref<1x1x160x125xi32, #tpu.memory_space<hbm>>
      %dma_wait3A_101 = tpu.memref_squeeze %dma_wait3A_100 : memref<1x1x160x125xi32, #tpu.memory_space<hbm>> -> memref<160x125xi32, #tpu.memory_space<hbm>>
      tpu.wait_dma2 semaphore(%run_scoped3A_85 : memref<!tpu.dma_semaphore, #tpu.memory_space<semaphore_mem>>) src(%dma_wait3A_101 : memref<160x125xi32, #tpu.memory_space<hbm>>) dst(%arg6 : memref<160x125xi32, #tpu.memory_space<vmem>>)
      tpu.yield
    }) : () -> ()
    %dma_start3A = arith.constant 0 : i32
    %dma_start3A_23 = arith.constant 0 : i32
    %dma_start3A_24 = tpu.memref_slice %arg5[%dma_start3A, %dma_start3A_23] : memref<160x125xi32, #tpu.memory_space<vmem>> -> memref<1x125xi32, #tpu.memory_space<vmem>>
    %dma_start3A_25 = tpu.memref_squeeze %dma_start3A_24 : memref<1x125xi32, #tpu.memory_space<vmem>> -> memref<125xi32, #tpu.memory_space<vmem>>
    %dma_start3A_26 = arith.constant 0 : i32
    %dma_start3A_27 = arith.constant 0 : i32
    %dma_start3A_28 = tpu.memref_slice %arg2[%arg0, %dma_start3A_26, %dma_start3A_27] : memref<2x10000x64xf32, #tpu.memory_space<hbm>> -> memref<1x10000x64xf32, #tpu.memory_space<hbm>>
    %dma_start3A_29 = tpu.memref_squeeze %dma_start3A_28 : memref<1x10000x64xf32, #tpu.memory_space<hbm>> -> memref<10000x64xf32, #tpu.memory_space<hbm>>
    %dma_start3A_30 = arith.constant 0 : i32
    %dma_start3A_31 = arith.constant 0 : i32
    %dma_start3A_32 = tpu.memref_slice %dma_start3A_29[%dma_start3A_30, %dma_start3A_31] : memref<10000x64xf32, #tpu.memory_space<hbm>> -> memref<10000x64xf32, #tpu.memory_space<hbm>>
    tpu.enqueue_indirect_dma source(%dma_start3A_32 : memref<10000x64xf32, #tpu.memory_space<hbm>>) target(%arg7 : memref<125x64xf32, #tpu.memory_space<vmem>>) offsets(%dma_start3A_25 : memref<125xi32, #tpu.memory_space<vmem>>) semaphore(%arg12 : memref<!tpu.dma_semaphore, #tpu.memory_space<semaphore_mem>>)
    %dma_start3A_33 = arith.constant 1 : i32
    %dma_start3A_34 = arith.constant 0 : i32
    %dma_start3A_35 = tpu.memref_slice %arg5[%dma_start3A_33, %dma_start3A_34] : memref<160x125xi32, #tpu.memory_space<vmem>> -> memref<1x125xi32, #tpu.memory_space<vmem>>
    %dma_start3A_36 = tpu.memref_squeeze %dma_start3A_35 : memref<1x125xi32, #tpu.memory_space<vmem>> -> memref<125xi32, #tpu.memory_space<vmem>>
    %dma_start3A_37 = arith.constant 0 : i32
    %dma_start3A_38 = arith.constant 0 : i32
    %dma_start3A_39 = tpu.memref_slice %arg2[%arg0, %dma_start3A_37, %dma_start3A_38] : memref<2x10000x64xf32, #tpu.memory_space<hbm>> -> memref<1x10000x64xf32, #tpu.memory_space<hbm>>
    %dma_start3A_40 = tpu.memref_squeeze %dma_start3A_39 : memref<1x10000x64xf32, #tpu.memory_space<hbm>> -> memref<10000x64xf32, #tpu.memory_space<hbm>>
    %dma_start3A_41 = arith.constant 0 : i32
    %dma_start3A_42 = arith.constant 0 : i32
    %dma_start3A_43 = tpu.memref_slice %dma_start3A_40[%dma_start3A_41, %dma_start3A_42] : memref<10000x64xf32, #tpu.memory_space<hbm>> -> memref<10000x64xf32, #tpu.memory_space<hbm>>
    tpu.enqueue_indirect_dma source(%dma_start3A_43 : memref<10000x64xf32, #tpu.memory_space<hbm>>) target(%arg8 : memref<125x64xf32, #tpu.memory_space<vmem>>) offsets(%dma_start3A_36 : memref<125xi32, #tpu.memory_space<vmem>>) semaphore(%arg13 : memref<!tpu.dma_semaphore, #tpu.memory_space<semaphore_mem>>)
    %scan3A_44 = arith.constant 0 : i32
    %scan3A_45 = arith.constant 53 : i32
    %scan3A_46 = arith.addi %scan3A_44, %scan3A_45 : i32
    %scan3A_47 = arith.constant 1 : i32
    scf.for %scan3A_85 = %scan3A_44 to %scan3A_46 step %scan3A_47  : i32 {
      %mul3A_86 = arith.constant 3 : i32
      %mul3A_87 = arith.muli %mul3A_86, %scan3A_85 : i32
      %add3A_88 = arith.constant 0 : i32
      %add3A_89 = arith.addi %mul3A_87, %add3A_88 : i32
      %dma_wait3A_90 = arith.constant 0 : i32
      %dma_wait3A_91 = tpu.memref_slice %arg5[%add3A_89, %dma_wait3A_90] : memref<160x125xi32, #tpu.memory_space<vmem>> -> memref<1x125xi32, #tpu.memory_space<vmem>>
      %dma_wait3A_92 = tpu.memref_squeeze %dma_wait3A_91 : memref<1x125xi32, #tpu.memory_space<vmem>> -> memref<125xi32, #tpu.memory_space<vmem>>
      %dma_wait3A_93 = arith.constant 0 : i32
      %dma_wait3A_94 = arith.constant 0 : i32
      %dma_wait3A_95 = tpu.memref_slice %arg2[%arg0, %dma_wait3A_93, %dma_wait3A_94] : memref<2x10000x64xf32, #tpu.memory_space<hbm>> -> memref<1x10000x64xf32, #tpu.memory_space<hbm>>
      %dma_wait3A_96 = tpu.memref_squeeze %dma_wait3A_95 : memref<1x10000x64xf32, #tpu.memory_space<hbm>> -> memref<10000x64xf32, #tpu.memory_space<hbm>>
      %dma_wait3A_97 = arith.constant 0 : i32
      %dma_wait3A_98 = arith.constant 0 : i32
      %dma_wait3A_99 = tpu.memref_slice %dma_wait3A_96[%dma_wait3A_97, %dma_wait3A_98] : memref<10000x64xf32, #tpu.memory_space<hbm>> -> memref<10000x64xf32, #tpu.memory_space<hbm>>
      tpu.wait_indirect_dma semaphore(%arg12 : memref<!tpu.dma_semaphore, #tpu.memory_space<semaphore_mem>>) src(%dma_wait3A_99 : memref<10000x64xf32, #tpu.memory_space<hbm>>) dst(%arg7 : memref<125x64xf32, #tpu.memory_space<vmem>>)
      %ge3A = arith.constant 1 : i32
      %ge3A_100 = arith.cmpi sge, %add3A_89, %ge3A : i32
      %convert_element_type3A = arith.extui %ge3A_100 : i1 to i32
      %cond3A = arith.constant 0 : i32
      %cond3A_101 = arith.cmpi ne, %convert_element_type3A, %cond3A : i32
      scf.if %cond3A_101 {
        %sub3A = arith.constant 1 : i32
        %sub3A_178 = arith.subi %add3A_89, %sub3A : i32
        %dma_wait3A_179 = arith.constant 0 : i32
        %dma_wait3A_180 = tpu.memref_slice %arg6[%sub3A_178, %dma_wait3A_179] : memref<160x125xi32, #tpu.memory_space<vmem>> -> memref<1x125xi32, #tpu.memory_space<vmem>>
        %dma_wait3A_181 = tpu.memref_squeeze %dma_wait3A_180 : memref<1x125xi32, #tpu.memory_space<vmem>> -> memref<125xi32, #tpu.memory_space<vmem>>
        %dma_wait3A_182 = arith.constant 0 : i32
        %dma_wait3A_183 = arith.constant 0 : i32
        %dma_wait3A_184 = tpu.memref_slice %arg11[%dma_wait3A_182, %dma_wait3A_183] : memref<10240x64xf32, #tpu.memory_space<vmem_shared>> -> memref<10240x64xf32, #tpu.memory_space<vmem_shared>>
        tpu.wait_indirect_dma semaphore(%arg15 : memref<!tpu.dma_semaphore, #tpu.memory_space<semaphore_mem>>) src(%arg9 : memref<125x64xf32, #tpu.memory_space<vmem>>) dst(%dma_wait3A_184 : memref<10240x64xf32, #tpu.memory_space<vmem_shared>>)
      } else {
      }
      %dma_start3A_102 = arith.constant 0 : i32
      %dma_start3A_103 = tpu.memref_slice %arg6[%add3A_89, %dma_start3A_102] : memref<160x125xi32, #tpu.memory_space<vmem>> -> memref<1x125xi32, #tpu.memory_space<vmem>>
      %dma_start3A_104 = tpu.memref_squeeze %dma_start3A_103 : memref<1x125xi32, #tpu.memory_space<vmem>> -> memref<125xi32, #tpu.memory_space<vmem>>
      %dma_start3A_105 = arith.constant 0 : i32
      %dma_start3A_106 = arith.constant 0 : i32
      %dma_start3A_107 = tpu.memref_slice %arg11[%dma_start3A_105, %dma_start3A_106] : memref<10240x64xf32, #tpu.memory_space<vmem_shared>> -> memref<10240x64xf32, #tpu.memory_space<vmem_shared>>
      tpu.enqueue_indirect_dma source(%arg7 : memref<125x64xf32, #tpu.memory_space<vmem>>) target(%dma_start3A_107 : memref<10240x64xf32, #tpu.memory_space<vmem_shared>>) offsets(%dma_start3A_104 : memref<125xi32, #tpu.memory_space<vmem>>) semaphore(%arg15 : memref<!tpu.dma_semaphore, #tpu.memory_space<semaphore_mem>>) {add = true}
      %add3A_108 = arith.constant 2 : i32
      %add3A_109 = arith.addi %add3A_89, %add3A_108 : i32
      %lt3A = arith.constant 160 : i32
      %lt3A_110 = arith.cmpi slt, %add3A_109, %lt3A : i32
      %convert_element_type3A_111 = arith.extui %lt3A_110 : i1 to i32
      %cond3A_112 = arith.constant 0 : i32
      %cond3A_113 = arith.cmpi ne, %convert_element_type3A_111, %cond3A_112 : i32
      scf.if %cond3A_113 {
        %add3A_178 = arith.constant 2 : i32
        %add3A_179 = arith.addi %add3A_89, %add3A_178 : i32
        %dma_start3A_180 = arith.constant 0 : i32
        %dma_start3A_181 = tpu.memref_slice %arg5[%add3A_179, %dma_start3A_180] : memref<160x125xi32, #tpu.memory_space<vmem>> -> memref<1x125xi32, #tpu.memory_space<vmem>>
        %dma_start3A_182 = tpu.memref_squeeze %dma_start3A_181 : memref<1x125xi32, #tpu.memory_space<vmem>> -> memref<125xi32, #tpu.memory_space<vmem>>
        %dma_start3A_183 = arith.constant 0 : i32
        %dma_start3A_184 = arith.constant 0 : i32
        %dma_start3A_185 = tpu.memref_slice %arg2[%arg0, %dma_start3A_183, %dma_start3A_184] : memref<2x10000x64xf32, #tpu.memory_space<hbm>> -> memref<1x10000x64xf32, #tpu.memory_space<hbm>>
        %dma_start3A_186 = tpu.memref_squeeze %dma_start3A_185 : memref<1x10000x64xf32, #tpu.memory_space<hbm>> -> memref<10000x64xf32, #tpu.memory_space<hbm>>
        %dma_start3A_187 = arith.constant 0 : i32
        %dma_start3A_188 = arith.constant 0 : i32
        %dma_start3A_189 = tpu.memref_slice %dma_start3A_186[%dma_start3A_187, %dma_start3A_188] : memref<10000x64xf32, #tpu.memory_space<hbm>> -> memref<10000x64xf32, #tpu.memory_space<hbm>>
        tpu.enqueue_indirect_dma source(%dma_start3A_189 : memref<10000x64xf32, #tpu.memory_space<hbm>>) target(%arg9 : memref<125x64xf32, #tpu.memory_space<vmem>>) offsets(%dma_start3A_182 : memref<125xi32, #tpu.memory_space<vmem>>) semaphore(%arg14 : memref<!tpu.dma_semaphore, #tpu.memory_space<semaphore_mem>>)
      } else {
      }
      %mul3A_114 = arith.constant 3 : i32
      %mul3A_115 = arith.muli %mul3A_114, %scan3A_85 : i32
      %add3A_116 = arith.constant 1 : i32
      %add3A_117 = arith.addi %mul3A_115, %add3A_116 : i32
      %dma_wait3A_118 = arith.constant 0 : i32
      %dma_wait3A_119 = tpu.memref_slice %arg5[%add3A_117, %dma_wait3A_118] : memref<160x125xi32, #tpu.memory_space<vmem>> -> memref<1x125xi32, #tpu.memory_space<vmem>>
      %dma_wait3A_120 = tpu.memref_squeeze %dma_wait3A_119 : memref<1x125xi32, #tpu.memory_space<vmem>> -> memref<125xi32, #tpu.memory_space<vmem>>
      %dma_wait3A_121 = arith.constant 0 : i32
      %dma_wait3A_122 = arith.constant 0 : i32
      %dma_wait3A_123 = tpu.memref_slice %arg2[%arg0, %dma_wait3A_121, %dma_wait3A_122] : memref<2x10000x64xf32, #tpu.memory_space<hbm>> -> memref<1x10000x64xf32, #tpu.memory_space<hbm>>
      %dma_wait3A_124 = tpu.memref_squeeze %dma_wait3A_123 : memref<1x10000x64xf32, #tpu.memory_space<hbm>> -> memref<10000x64xf32, #tpu.memory_space<hbm>>
      %dma_wait3A_125 = arith.constant 0 : i32
      %dma_wait3A_126 = arith.constant 0 : i32
      %dma_wait3A_127 = tpu.memref_slice %dma_wait3A_124[%dma_wait3A_125, %dma_wait3A_126] : memref<10000x64xf32, #tpu.memory_space<hbm>> -> memref<10000x64xf32, #tpu.memory_space<hbm>>
      tpu.wait_indirect_dma semaphore(%arg13 : memref<!tpu.dma_semaphore, #tpu.memory_space<semaphore_mem>>) src(%dma_wait3A_127 : memref<10000x64xf32, #tpu.memory_space<hbm>>) dst(%arg8 : memref<125x64xf32, #tpu.memory_space<vmem>>)
      %ge3A_128 = arith.constant 1 : i32
      %ge3A_129 = arith.cmpi sge, %add3A_117, %ge3A_128 : i32
      %convert_element_type3A_130 = arith.extui %ge3A_129 : i1 to i32
      %cond3A_131 = arith.constant 0 : i32
      %cond3A_132 = arith.cmpi ne, %convert_element_type3A_130, %cond3A_131 : i32
      scf.if %cond3A_132 {
        %sub3A = arith.constant 1 : i32
        %sub3A_178 = arith.subi %add3A_117, %sub3A : i32
        %dma_wait3A_179 = arith.constant 0 : i32
        %dma_wait3A_180 = tpu.memref_slice %arg6[%sub3A_178, %dma_wait3A_179] : memref<160x125xi32, #tpu.memory_space<vmem>> -> memref<1x125xi32, #tpu.memory_space<vmem>>
        %dma_wait3A_181 = tpu.memref_squeeze %dma_wait3A_180 : memref<1x125xi32, #tpu.memory_space<vmem>> -> memref<125xi32, #tpu.memory_space<vmem>>
        %dma_wait3A_182 = arith.constant 0 : i32
        %dma_wait3A_183 = arith.constant 0 : i32
        %dma_wait3A_184 = tpu.memref_slice %arg11[%dma_wait3A_182, %dma_wait3A_183] : memref<10240x64xf32, #tpu.memory_space<vmem_shared>> -> memref<10240x64xf32, #tpu.memory_space<vmem_shared>>
        tpu.wait_indirect_dma semaphore(%arg15 : memref<!tpu.dma_semaphore, #tpu.memory_space<semaphore_mem>>) src(%arg7 : memref<125x64xf32, #tpu.memory_space<vmem>>) dst(%dma_wait3A_184 : memref<10240x64xf32, #tpu.memory_space<vmem_shared>>)
      } else {
      }
      %dma_start3A_133 = arith.constant 0 : i32
      %dma_start3A_134 = tpu.memref_slice %arg6[%add3A_117, %dma_start3A_133] : memref<160x125xi32, #tpu.memory_space<vmem>> -> memref<1x125xi32, #tpu.memory_space<vmem>>
      %dma_start3A_135 = tpu.memref_squeeze %dma_start3A_134 : memref<1x125xi32, #tpu.memory_space<vmem>> -> memref<125xi32, #tpu.memory_space<vmem>>
      %dma_start3A_136 = arith.constant 0 : i32
      %dma_start3A_137 = arith.constant 0 : i32
      %dma_start3A_138 = tpu.memref_slice %arg11[%dma_start3A_136, %dma_start3A_137] : memref<10240x64xf32, #tpu.memory_space<vmem_shared>> -> memref<10240x64xf32, #tpu.memory_space<vmem_shared>>
      tpu.enqueue_indirect_dma source(%arg8 : memref<125x64xf32, #tpu.memory_space<vmem>>) target(%dma_start3A_138 : memref<10240x64xf32, #tpu.memory_space<vmem_shared>>) offsets(%dma_start3A_135 : memref<125xi32, #tpu.memory_space<vmem>>) semaphore(%arg15 : memref<!tpu.dma_semaphore, #tpu.memory_space<semaphore_mem>>) {add = true}
      %add3A_139 = arith.constant 2 : i32
      %add3A_140 = arith.addi %add3A_117, %add3A_139 : i32
      %lt3A_141 = arith.constant 160 : i32
      %lt3A_142 = arith.cmpi slt, %add3A_140, %lt3A_141 : i32
      %convert_element_type3A_143 = arith.extui %lt3A_142 : i1 to i32
      %cond3A_144 = arith.constant 0 : i32
      %cond3A_145 = arith.cmpi ne, %convert_element_type3A_143, %cond3A_144 : i32
      scf.if %cond3A_145 {
        %add3A_178 = arith.constant 2 : i32
        %add3A_179 = arith.addi %add3A_117, %add3A_178 : i32
        %dma_start3A_180 = arith.constant 0 : i32
        %dma_start3A_181 = tpu.memref_slice %arg5[%add3A_179, %dma_start3A_180] : memref<160x125xi32, #tpu.memory_space<vmem>> -> memref<1x125xi32, #tpu.memory_space<vmem>>
        %dma_start3A_182 = tpu.memref_squeeze %dma_start3A_181 : memref<1x125xi32, #tpu.memory_space<vmem>> -> memref<125xi32, #tpu.memory_space<vmem>>
        %dma_start3A_183 = arith.constant 0 : i32
        %dma_start3A_184 = arith.constant 0 : i32
        %dma_start3A_185 = tpu.memref_slice %arg2[%arg0, %dma_start3A_183, %dma_start3A_184] : memref<2x10000x64xf32, #tpu.memory_space<hbm>> -> memref<1x10000x64xf32, #tpu.memory_space<hbm>>
        %dma_start3A_186 = tpu.memref_squeeze %dma_start3A_185 : memref<1x10000x64xf32, #tpu.memory_space<hbm>> -> memref<10000x64xf32, #tpu.memory_space<hbm>>
        %dma_start3A_187 = arith.constant 0 : i32
        %dma_start3A_188 = arith.constant 0 : i32
        %dma_start3A_189 = tpu.memref_slice %dma_start3A_186[%dma_start3A_187, %dma_start3A_188] : memref<10000x64xf32, #tpu.memory_space<hbm>> -> memref<10000x64xf32, #tpu.memory_space<hbm>>
        tpu.enqueue_indirect_dma source(%dma_start3A_189 : memref<10000x64xf32, #tpu.memory_space<hbm>>) target(%arg7 : memref<125x64xf32, #tpu.memory_space<vmem>>) offsets(%dma_start3A_182 : memref<125xi32, #tpu.memory_space<vmem>>) semaphore(%arg12 : memref<!tpu.dma_semaphore, #tpu.memory_space<semaphore_mem>>)
      } else {
      }
      %mul3A_146 = arith.constant 3 : i32
      %mul3A_147 = arith.muli %mul3A_146, %scan3A_85 : i32
      %add3A_148 = arith.constant 2 : i32
      %add3A_149 = arith.addi %mul3A_147, %add3A_148 : i32
      %dma_wait3A_150 = arith.constant 0 : i32
      %dma_wait3A_151 = tpu.memref_slice %arg5[%add3A_149, %dma_wait3A_150] : memref<160x125xi32, #tpu.memory_space<vmem>> -> memref<1x125xi32, #tpu.memory_space<vmem>>
      %dma_wait3A_152 = tpu.memref_squeeze %dma_wait3A_151 : memref<1x125xi32, #tpu.memory_space<vmem>> -> memref<125xi32, #tpu.memory_space<vmem>>
      %dma_wait3A_153 = arith.constant 0 : i32
      %dma_wait3A_154 = arith.constant 0 : i32
      %dma_wait3A_155 = tpu.memref_slice %arg2[%arg0, %dma_wait3A_153, %dma_wait3A_154] : memref<2x10000x64xf32, #tpu.memory_space<hbm>> -> memref<1x10000x64xf32, #tpu.memory_space<hbm>>
      %dma_wait3A_156 = tpu.memref_squeeze %dma_wait3A_155 : memref<1x10000x64xf32, #tpu.memory_space<hbm>> -> memref<10000x64xf32, #tpu.memory_space<hbm>>
      %dma_wait3A_157 = arith.constant 0 : i32
      %dma_wait3A_158 = arith.constant 0 : i32
      %dma_wait3A_159 = tpu.memref_slice %dma_wait3A_156[%dma_wait3A_157, %dma_wait3A_158] : memref<10000x64xf32, #tpu.memory_space<hbm>> -> memref<10000x64xf32, #tpu.memory_space<hbm>>
      tpu.wait_indirect_dma semaphore(%arg14 : memref<!tpu.dma_semaphore, #tpu.memory_space<semaphore_mem>>) src(%dma_wait3A_159 : memref<10000x64xf32, #tpu.memory_space<hbm>>) dst(%arg9 : memref<125x64xf32, #tpu.memory_space<vmem>>)
      %ge3A_160 = arith.constant 1 : i32
      %ge3A_161 = arith.cmpi sge, %add3A_149, %ge3A_160 : i32
      %convert_element_type3A_162 = arith.extui %ge3A_161 : i1 to i32
      %cond3A_163 = arith.constant 0 : i32
      %cond3A_164 = arith.cmpi ne, %convert_element_type3A_162, %cond3A_163 : i32
      scf.if %cond3A_164 {
        %sub3A = arith.constant 1 : i32
        %sub3A_178 = arith.subi %add3A_149, %sub3A : i32
        %dma_wait3A_179 = arith.constant 0 : i32
        %dma_wait3A_180 = tpu.memref_slice %arg6[%sub3A_178, %dma_wait3A_179] : memref<160x125xi32, #tpu.memory_space<vmem>> -> memref<1x125xi32, #tpu.memory_space<vmem>>
        %dma_wait3A_181 = tpu.memref_squeeze %dma_wait3A_180 : memref<1x125xi32, #tpu.memory_space<vmem>> -> memref<125xi32, #tpu.memory_space<vmem>>
        %dma_wait3A_182 = arith.constant 0 : i32
        %dma_wait3A_183 = arith.constant 0 : i32
        %dma_wait3A_184 = tpu.memref_slice %arg11[%dma_wait3A_182, %dma_wait3A_183] : memref<10240x64xf32, #tpu.memory_space<vmem_shared>> -> memref<10240x64xf32, #tpu.memory_space<vmem_shared>>
        tpu.wait_indirect_dma semaphore(%arg15 : memref<!tpu.dma_semaphore, #tpu.memory_space<semaphore_mem>>) src(%arg8 : memref<125x64xf32, #tpu.memory_space<vmem>>) dst(%dma_wait3A_184 : memref<10240x64xf32, #tpu.memory_space<vmem_shared>>)
      } else {
      }
      %dma_start3A_165 = arith.constant 0 : i32
      %dma_start3A_166 = tpu.memref_slice %arg6[%add3A_149, %dma_start3A_165] : memref<160x125xi32, #tpu.memory_space<vmem>> -> memref<1x125xi32, #tpu.memory_space<vmem>>
      %dma_start3A_167 = tpu.memref_squeeze %dma_start3A_166 : memref<1x125xi32, #tpu.memory_space<vmem>> -> memref<125xi32, #tpu.memory_space<vmem>>
      %dma_start3A_168 = arith.constant 0 : i32
      %dma_start3A_169 = arith.constant 0 : i32
      %dma_start3A_170 = tpu.memref_slice %arg11[%dma_start3A_168, %dma_start3A_169] : memref<10240x64xf32, #tpu.memory_space<vmem_shared>> -> memref<10240x64xf32, #tpu.memory_space<vmem_shared>>
      tpu.enqueue_indirect_dma source(%arg9 : memref<125x64xf32, #tpu.memory_space<vmem>>) target(%dma_start3A_170 : memref<10240x64xf32, #tpu.memory_space<vmem_shared>>) offsets(%dma_start3A_167 : memref<125xi32, #tpu.memory_space<vmem>>) semaphore(%arg15 : memref<!tpu.dma_semaphore, #tpu.memory_space<semaphore_mem>>) {add = true}
      %add3A_171 = arith.constant 2 : i32
      %add3A_172 = arith.addi %add3A_149, %add3A_171 : i32
      %lt3A_173 = arith.constant 160 : i32
      %lt3A_174 = arith.cmpi slt, %add3A_172, %lt3A_173 : i32
      %convert_element_type3A_175 = arith.extui %lt3A_174 : i1 to i32
      %cond3A_176 = arith.constant 0 : i32
      %cond3A_177 = arith.cmpi ne, %convert_element_type3A_175, %cond3A_176 : i32
      scf.if %cond3A_177 {
        %add3A_178 = arith.constant 2 : i32
        %add3A_179 = arith.addi %add3A_149, %add3A_178 : i32
        %dma_start3A_180 = arith.constant 0 : i32
        %dma_start3A_181 = tpu.memref_slice %arg5[%add3A_179, %dma_start3A_180] : memref<160x125xi32, #tpu.memory_space<vmem>> -> memref<1x125xi32, #tpu.memory_space<vmem>>
        %dma_start3A_182 = tpu.memref_squeeze %dma_start3A_181 : memref<1x125xi32, #tpu.memory_space<vmem>> -> memref<125xi32, #tpu.memory_space<vmem>>
        %dma_start3A_183 = arith.constant 0 : i32
        %dma_start3A_184 = arith.constant 0 : i32
        %dma_start3A_185 = tpu.memref_slice %arg2[%arg0, %dma_start3A_183, %dma_start3A_184] : memref<2x10000x64xf32, #tpu.memory_space<hbm>> -> memref<1x10000x64xf32, #tpu.memory_space<hbm>>
        %dma_start3A_186 = tpu.memref_squeeze %dma_start3A_185 : memref<1x10000x64xf32, #tpu.memory_space<hbm>> -> memref<10000x64xf32, #tpu.memory_space<hbm>>
        %dma_start3A_187 = arith.constant 0 : i32
        %dma_start3A_188 = arith.constant 0 : i32
        %dma_start3A_189 = tpu.memref_slice %dma_start3A_186[%dma_start3A_187, %dma_start3A_188] : memref<10000x64xf32, #tpu.memory_space<hbm>> -> memref<10000x64xf32, #tpu.memory_space<hbm>>
        tpu.enqueue_indirect_dma source(%dma_start3A_189 : memref<10000x64xf32, #tpu.memory_space<hbm>>) target(%arg8 : memref<125x64xf32, #tpu.memory_space<vmem>>) offsets(%dma_start3A_182 : memref<125xi32, #tpu.memory_space<vmem>>) semaphore(%arg13 : memref<!tpu.dma_semaphore, #tpu.memory_space<semaphore_mem>>)
      } else {
      }
    }
    %scan3A_48 = arith.constant 53 : i32
    %dma_wait3A = arith.constant 159 : i32
    %dma_wait3A_49 = arith.constant 0 : i32
    %dma_wait3A_50 = tpu.memref_slice %arg5[%dma_wait3A, %dma_wait3A_49] : memref<160x125xi32, #tpu.memory_space<vmem>> -> memref<1x125xi32, #tpu.memory_space<vmem>>
    %dma_wait3A_51 = tpu.memref_squeeze %dma_wait3A_50 : memref<1x125xi32, #tpu.memory_space<vmem>> -> memref<125xi32, #tpu.memory_space<vmem>>
    %dma_wait3A_52 = arith.constant 0 : i32
    %dma_wait3A_53 = arith.constant 0 : i32
    %dma_wait3A_54 = tpu.memref_slice %arg2[%arg0, %dma_wait3A_52, %dma_wait3A_53] : memref<2x10000x64xf32, #tpu.memory_space<hbm>> -> memref<1x10000x64xf32, #tpu.memory_space<hbm>>
    %dma_wait3A_55 = tpu.memref_squeeze %dma_wait3A_54 : memref<1x10000x64xf32, #tpu.memory_space<hbm>> -> memref<10000x64xf32, #tpu.memory_space<hbm>>
    %dma_wait3A_56 = arith.constant 0 : i32
    %dma_wait3A_57 = arith.constant 0 : i32
    %dma_wait3A_58 = tpu.memref_slice %dma_wait3A_55[%dma_wait3A_56, %dma_wait3A_57] : memref<10000x64xf32, #tpu.memory_space<hbm>> -> memref<10000x64xf32, #tpu.memory_space<hbm>>
    tpu.wait_indirect_dma semaphore(%arg12 : memref<!tpu.dma_semaphore, #tpu.memory_space<semaphore_mem>>) src(%dma_wait3A_58 : memref<10000x64xf32, #tpu.memory_space<hbm>>) dst(%arg7 : memref<125x64xf32, #tpu.memory_space<vmem>>)
    %dma_wait3A_59 = arith.constant 158 : i32
    %dma_wait3A_60 = arith.constant 0 : i32
    %dma_wait3A_61 = tpu.memref_slice %arg6[%dma_wait3A_59, %dma_wait3A_60] : memref<160x125xi32, #tpu.memory_space<vmem>> -> memref<1x125xi32, #tpu.memory_space<vmem>>
    %dma_wait3A_62 = tpu.memref_squeeze %dma_wait3A_61 : memref<1x125xi32, #tpu.memory_space<vmem>> -> memref<125xi32, #tpu.memory_space<vmem>>
    %dma_wait3A_63 = arith.constant 0 : i32
    %dma_wait3A_64 = arith.constant 0 : i32
    %dma_wait3A_65 = tpu.memref_slice %arg11[%dma_wait3A_63, %dma_wait3A_64] : memref<10240x64xf32, #tpu.memory_space<vmem_shared>> -> memref<10240x64xf32, #tpu.memory_space<vmem_shared>>
    tpu.wait_indirect_dma semaphore(%arg15 : memref<!tpu.dma_semaphore, #tpu.memory_space<semaphore_mem>>) src(%arg9 : memref<125x64xf32, #tpu.memory_space<vmem>>) dst(%dma_wait3A_65 : memref<10240x64xf32, #tpu.memory_space<vmem_shared>>)
    %dma_start3A_66 = arith.constant 159 : i32
    %dma_start3A_67 = arith.constant 0 : i32
    %dma_start3A_68 = tpu.memref_slice %arg6[%dma_start3A_66, %dma_start3A_67] : memref<160x125xi32, #tpu.memory_space<vmem>> -> memref<1x125xi32, #tpu.memory_space<vmem>>
    %dma_start3A_69 = tpu.memref_squeeze %dma_start3A_68 : memref<1x125xi32, #tpu.memory_space<vmem>> -> memref<125xi32, #tpu.memory_space<vmem>>
    %dma_start3A_70 = arith.constant 0 : i32
    %dma_start3A_71 = arith.constant 0 : i32
    %dma_start3A_72 = tpu.memref_slice %arg11[%dma_start3A_70, %dma_start3A_71] : memref<10240x64xf32, #tpu.memory_space<vmem_shared>> -> memref<10240x64xf32, #tpu.memory_space<vmem_shared>>
    tpu.enqueue_indirect_dma source(%arg7 : memref<125x64xf32, #tpu.memory_space<vmem>>) target(%dma_start3A_72 : memref<10240x64xf32, #tpu.memory_space<vmem_shared>>) offsets(%dma_start3A_69 : memref<125xi32, #tpu.memory_space<vmem>>) semaphore(%arg15 : memref<!tpu.dma_semaphore, #tpu.memory_space<semaphore_mem>>) {add = true}
    %dma_wait3A_73 = arith.constant 159 : i32
    %dma_wait3A_74 = arith.constant 0 : i32
    %dma_wait3A_75 = tpu.memref_slice %arg6[%dma_wait3A_73, %dma_wait3A_74] : memref<160x125xi32, #tpu.memory_space<vmem>> -> memref<1x125xi32, #tpu.memory_space<vmem>>
    %dma_wait3A_76 = tpu.memref_squeeze %dma_wait3A_75 : memref<1x125xi32, #tpu.memory_space<vmem>> -> memref<125xi32, #tpu.memory_space<vmem>>
    %dma_wait3A_77 = arith.constant 0 : i32
    %dma_wait3A_78 = arith.constant 0 : i32
    %dma_wait3A_79 = tpu.memref_slice %arg11[%dma_wait3A_77, %dma_wait3A_78] : memref<10240x64xf32, #tpu.memory_space<vmem_shared>> -> memref<10240x64xf32, #tpu.memory_space<vmem_shared>>
    tpu.wait_indirect_dma semaphore(%arg15 : memref<!tpu.dma_semaphore, #tpu.memory_space<semaphore_mem>>) src(%arg7 : memref<125x64xf32, #tpu.memory_space<vmem>>) dst(%dma_wait3A_79 : memref<10240x64xf32, #tpu.memory_space<vmem_shared>>)
    %barrier3A_80 = arith.constant 0 : index
    tpu.barrier barrier_id(%barrier3A_80)
    %mul3A_81 = arith.constant 640 : i32
    %mul3A_82 = arith.muli %arg1, %mul3A_81 : i32
    %mul3A_83 = arith.constant 640 : i32
    %mul3A_84 = arith.muli %arg1, %mul3A_83 : i32
    "tpu.region"() ({
      %run_scoped3A_85 = tpu.sem_alloc : memref<!tpu.dma_semaphore, #tpu.memory_space<semaphore_mem>>
      %dma_start3A_86 = arith.constant 0 : i32
      %dma_start3A_87 = tpu.memref_slice %arg4[%arg0, %mul3A_84, %dma_start3A_86] : memref<2x10240x64xf32, #tpu.memory_space<hbm>> -> memref<1x640x64xf32, #tpu.memory_space<hbm>>
      %dma_start3A_88 = tpu.memref_squeeze %dma_start3A_87 : memref<1x640x64xf32, #tpu.memory_space<hbm>> -> memref<640x64xf32, #tpu.memory_space<hbm>>
      %dma_start3A_89 = arith.constant 0 : i32
      %dma_start3A_90 = tpu.memref_slice %arg11[%mul3A_82, %dma_start3A_89] : memref<10240x64xf32, #tpu.memory_space<vmem_shared>> -> memref<640x64xf32, #tpu.memory_space<vmem_shared>>
      tpu.enqueue_dma source(%dma_start3A_90 : memref<640x64xf32, #tpu.memory_space<vmem_shared>>) target(%dma_start3A_88 : memref<640x64xf32, #tpu.memory_space<hbm>>) target_semaphore(%run_scoped3A_85 : memref<!tpu.dma_semaphore, #tpu.memory_space<semaphore_mem>>)
      %dma_wait3A_91 = arith.constant 0 : i32
      %dma_wait3A_92 = tpu.memref_slice %arg4[%arg0, %mul3A_84, %dma_wait3A_91] : memref<2x10240x64xf32, #tpu.memory_space<hbm>> -> memref<1x640x64xf32, #tpu.memory_space<hbm>>
      %dma_wait3A_93 = tpu.memref_squeeze %dma_wait3A_92 : memref<1x640x64xf32, #tpu.memory_space<hbm>> -> memref<640x64xf32, #tpu.memory_space<hbm>>
      %dma_wait3A_94 = arith.constant 0 : i32
      %dma_wait3A_95 = tpu.memref_slice %arg11[%mul3A_82, %dma_wait3A_94] : memref<10240x64xf32, #tpu.memory_space<vmem_shared>> -> memref<640x64xf32, #tpu.memory_space<vmem_shared>>
      tpu.wait_dma2 semaphore(%run_scoped3A_85 : memref<!tpu.dma_semaphore, #tpu.memory_space<semaphore_mem>>) src(%dma_wait3A_95 : memref<640x64xf32, #tpu.memory_space<vmem_shared>>) dst(%dma_wait3A_93 : memref<640x64xf32, #tpu.memory_space<hbm>>)
      tpu.yield
    }) : () -> ()
    return
  }
}

#map = affine_map<(d0, d1) -> (0, 0, 0)>
#map1 = affine_map<(d0, d1) -> (0, 0, 0, 0)>
module attributes {stable_mosaic.version = 14 : i64} {
  func.func @_segment_sum_sc(%arg0: i32, %arg1: i32, %arg2: memref<2x10000x64xf32, #tpu.memory_space<hbm>>, %arg3: memref<2x16x160x125xi32, #tpu.memory_space<hbm>>, %arg4: memref<2x10240x64xf32, #tpu.memory_space<hbm>>, %arg5: memref<160x125xi32, #tpu.memory_space<vmem>>, %arg6: memref<160x125xi32, #tpu.memory_space<vmem>>, %arg7: memref<125x64xf32, #tpu.memory_space<vmem>>, %arg8: memref<125x64xf32, #tpu.memory_space<vmem>>, %arg9: memref<125x64xf32, #tpu.memory_space<vmem>>, %arg10: memref<128x64xf32, #tpu.memory_space<vmem>>, %arg11: memref<10240x64xf32, #tpu.memory_space<vmem_shared>>, %arg12: memref<!tpu.dma_semaphore, #tpu.memory_space<semaphore_mem>>, %arg13: memref<!tpu.dma_semaphore, #tpu.memory_space<semaphore_mem>>, %arg14: memref<!tpu.dma_semaphore, #tpu.memory_space<semaphore_mem>>, %arg15: memref<!tpu.dma_semaphore, #tpu.memory_space<semaphore_mem>>) attributes {dimension_semantics = [#tpu.dimension_semantics<core_parallel>, #tpu.dimension_semantics<subcore_parallel>], iteration_bounds = array<i64: 2, 16>, scalar_prefetch = 0 : i64, scratch_operands = 11 : i64, tpu.core_type = #tpu.core_type<sc_vector_subcore>, window_params = [{transform_indices = #map}, {transform_indices = #map1}, {transform_indices = #map}]} {
    %scan3A = arith.constant 0 : i32
    %scan3A_0 = arith.constant 128 : i32
    %scan3A_1 = arith.addi %scan3A, %scan3A_0 : i32
    %scan3A_2 = arith.constant 1 : i32
    scf.for %scan3A_85 = %scan3A to %scan3A_1 step %scan3A_2  : i32 {
      %scan3A_86 = arith.constant 0 : i32
      %scan3A_87 = arith.constant 4 : i32
      %scan3A_88 = arith.addi %scan3A_86, %scan3A_87 : i32
      %scan3A_89 = arith.constant 1 : i32
      scf.for %scan3A_91 = %scan3A_86 to %scan3A_88 step %scan3A_89  : i32 {
        %broadcast_in_dim3A = arith.constant 0.000000e+00 : f32
        %broadcast_in_dim3A_92 = vector.broadcast %broadcast_in_dim3A : f32 to vector<16xf32>
        %mul3A_93 = arith.constant 16 : i32
        %mul3A_94 = arith.muli %scan3A_91, %mul3A_93 : i32
        %swap3A = arith.index_cast %scan3A_85 : i32 to index
        %swap3A_95 = arith.index_cast %mul3A_94 : i32 to index
        %swap3A_96 = tpu.vector_load %arg10[%swap3A, %swap3A_95] {strides = array<i32>} : memref<128x64xf32, #tpu.memory_space<vmem>>, vector<1x16xf32>,
        %swap3A_97 = vector.shape_cast %swap3A_96 : vector<1x16xf32> to vector<16xf32>
        %swap3A_98 = vector.shape_cast %broadcast_in_dim3A_92 : vector<16xf32> to vector<1x16xf32>
        tpu.vector_store %arg10[%swap3A, %swap3A_95], %swap3A_98 {strides = array<i32>} : memref<128x64xf32, #tpu.memory_space<vmem>>, vector<1x16xf32>,
      }
      %scan3A_90 = arith.constant 4 : i32
    }
    %scan3A_3 = arith.constant 128 : i32
    %mul3A = arith.constant 640 : i32
    %mul3A_4 = arith.muli %arg1, %mul3A : i32
    %add3A = arith.constant 0 : i32
    %add3A_5 = arith.addi %mul3A_4, %add3A : i32
    "tpu.region"() ({
      %run_scoped3A_85 = tpu.sem_alloc : memref<!tpu.dma_semaphore, #tpu.memory_space<semaphore_mem>>
      %dma_start3A_86 = arith.constant 0 : i32
      %dma_start3A_87 = tpu.memref_slice %arg11[%add3A_5, %dma_start3A_86] : memref<10240x64xf32, #tpu.memory_space<vmem_shared>> -> memref<128x64xf32, #tpu.memory_space<vmem_shared>>
      %dma_start3A_88 = arith.constant 0 : i32
      %dma_start3A_89 = tpu.memref_slice %arg11[%add3A_5, %dma_start3A_88] : memref<10240x64xf32, #tpu.memory_space<vmem_shared>> -> memref<128x64xf32, #tpu.memory_space<vmem_shared>>
      tpu.enqueue_dma source(%arg10 : memref<128x64xf32, #tpu.memory_space<vmem>>) target(%dma_start3A_89 : memref<128x64xf32, #tpu.memory_space<vmem_shared>>) target_semaphore(%run_scoped3A_85 : memref<!tpu.dma_semaphore, #tpu.memory_space<semaphore_mem>>)
      %dma_wait3A_90 = arith.constant 0 : i32
      %dma_wait3A_91 = tpu.memref_slice %arg11[%add3A_5, %dma_wait3A_90] : memref<10240x64xf32, #tpu.memory_space<vmem_shared>> -> memref<128x64xf32, #tpu.memory_space<vmem_shared>>
      %dma_wait3A_92 = arith.constant 0 : i32
      %dma_wait3A_93 = tpu.memref_slice %arg11[%add3A_5, %dma_wait3A_92] : memref<10240x64xf32, #tpu.memory_space<vmem_shared>> -> memref<128x64xf32, #tpu.memory_space<vmem_shared>>
      tpu.wait_dma2 semaphore(%run_scoped3A_85 : memref<!tpu.dma_semaphore, #tpu.memory_space<semaphore_mem>>) src(%arg10 : memref<128x64xf32, #tpu.memory_space<vmem>>) dst(%dma_wait3A_93 : memref<128x64xf32, #tpu.memory_space<vmem_shared>>)
      tpu.yield
    }) : () -> ()
    %mul3A_6 = arith.constant 640 : i32
    %mul3A_7 = arith.muli %arg1, %mul3A_6 : i32
    %add3A_8 = arith.constant 128 : i32
    %add3A_9 = arith.addi %mul3A_7, %add3A_8 : i32
    "tpu.region"() ({
      %run_scoped3A_85 = tpu.sem_alloc : memref<!tpu.dma_semaphore, #tpu.memory_space<semaphore_mem>>
      %dma_start3A_86 = arith.constant 0 : i32
      %dma_start3A_87 = tpu.memref_slice %arg11[%add3A_9, %dma_start3A_86] : memref<10240x64xf32, #tpu.memory_space<vmem_shared>> -> memref<128x64xf32, #tpu.memory_space<vmem_shared>>
      %dma_start3A_88 = arith.constant 0 : i32
      %dma_start3A_89 = tpu.memref_slice %arg11[%add3A_9, %dma_start3A_88] : memref<10240x64xf32, #tpu.memory_space<vmem_shared>> -> memref<128x64xf32, #tpu.memory_space<vmem_shared>>
      tpu.enqueue_dma source(%arg10 : memref<128x64xf32, #tpu.memory_space<vmem>>) target(%dma_start3A_89 : memref<128x64xf32, #tpu.memory_space<vmem_shared>>) target_semaphore(%run_scoped3A_85 : memref<!tpu.dma_semaphore, #tpu.memory_space<semaphore_mem>>)
      %dma_wait3A_90 = arith.constant 0 : i32
      %dma_wait3A_91 = tpu.memref_slice %arg11[%add3A_9, %dma_wait3A_90] : memref<10240x64xf32, #tpu.memory_space<vmem_shared>> -> memref<128x64xf32, #tpu.memory_space<vmem_shared>>
      %dma_wait3A_92 = arith.constant 0 : i32
      %dma_wait3A_93 = tpu.memref_slice %arg11[%add3A_9, %dma_wait3A_92] : memref<10240x64xf32, #tpu.memory_space<vmem_shared>> -> memref<128x64xf32, #tpu.memory_space<vmem_shared>>
      tpu.wait_dma2 semaphore(%run_scoped3A_85 : memref<!tpu.dma_semaphore, #tpu.memory_space<semaphore_mem>>) src(%arg10 : memref<128x64xf32, #tpu.memory_space<vmem>>) dst(%dma_wait3A_93 : memref<128x64xf32, #tpu.memory_space<vmem_shared>>)
      tpu.yield
    }) : () -> ()
    %mul3A_10 = arith.constant 640 : i32
    %mul3A_11 = arith.muli %arg1, %mul3A_10 : i32
    %add3A_12 = arith.constant 256 : i32
    %add3A_13 = arith.addi %mul3A_11, %add3A_12 : i32
    "tpu.region"() ({
      %run_scoped3A_85 = tpu.sem_alloc : memref<!tpu.dma_semaphore, #tpu.memory_space<semaphore_mem>>
      %dma_start3A_86 = arith.constant 0 : i32
      %dma_start3A_87 = tpu.memref_slice %arg11[%add3A_13, %dma_start3A_86] : memref<10240x64xf32, #tpu.memory_space<vmem_shared>> -> memref<128x64xf32, #tpu.memory_space<vmem_shared>>
      %dma_start3A_88 = arith.constant 0 : i32
      %dma_start3A_89 = tpu.memref_slice %arg11[%add3A_13, %dma_start3A_88] : memref<10240x64xf32, #tpu.memory_space<vmem_shared>> -> memref<128x64xf32, #tpu.memory_space<vmem_shared>>
      tpu.enqueue_dma source(%arg10 : memref<128x64xf32, #tpu.memory_space<vmem>>) target(%dma_start3A_89 : memref<128x64xf32, #tpu.memory_space<vmem_shared>>) target_semaphore(%run_scoped3A_85 : memref<!tpu.dma_semaphore, #tpu.memory_space<semaphore_mem>>)
      %dma_wait3A_90 = arith.constant 0 : i32
      %dma_wait3A_91 = tpu.memref_slice %arg11[%add3A_13, %dma_wait3A_90] : memref<10240x64xf32, #tpu.memory_space<vmem_shared>> -> memref<128x64xf32, #tpu.memory_space<vmem_shared>>
      %dma_wait3A_92 = arith.constant 0 : i32
      %dma_wait3A_93 = tpu.memref_slice %arg11[%add3A_13, %dma_wait3A_92] : memref<10240x64xf32, #tpu.memory_space<vmem_shared>> -> memref<128x64xf32, #tpu.memory_space<vmem_shared>>
      tpu.wait_dma2 semaphore(%run_scoped3A_85 : memref<!tpu.dma_semaphore, #tpu.memory_space<semaphore_mem>>) src(%arg10 : memref<128x64xf32, #tpu.memory_space<vmem>>) dst(%dma_wait3A_93 : memref<128x64xf32, #tpu.memory_space<vmem_shared>>)
      tpu.yield
    }) : () -> ()
    %mul3A_14 = arith.constant 640 : i32
    %mul3A_15 = arith.muli %arg1, %mul3A_14 : i32
    %add3A_16 = arith.constant 384 : i32
    %add3A_17 = arith.addi %mul3A_15, %add3A_16 : i32
    "tpu.region"() ({
      %run_scoped3A_85 = tpu.sem_alloc : memref<!tpu.dma_semaphore, #tpu.memory_space<semaphore_mem>>
      %dma_start3A_86 = arith.constant 0 : i32
      %dma_start3A_87 = tpu.memref_slice %arg11[%add3A_17, %dma_start3A_86] : memref<10240x64xf32, #tpu.memory_space<vmem_shared>> -> memref<128x64xf32, #tpu.memory_space<vmem_shared>>
      %dma_start3A_88 = arith.constant 0 : i32
      %dma_start3A_89 = tpu.memref_slice %arg11[%add3A_17, %dma_start3A_88] : memref<10240x64xf32, #tpu.memory_space<vmem_shared>> -> memref<128x64xf32, #tpu.memory_space<vmem_shared>>
      tpu.enqueue_dma source(%arg10 : memref<128x64xf32, #tpu.memory_space<vmem>>) target(%dma_start3A_89 : memref<128x64xf32, #tpu.memory_space<vmem_shared>>) target_semaphore(%run_scoped3A_85 : memref<!tpu.dma_semaphore, #tpu.memory_space<semaphore_mem>>)
      %dma_wait3A_90 = arith.constant 0 : i32
      %dma_wait3A_91 = tpu.memref_slice %arg11[%add3A_17, %dma_wait3A_90] : memref<10240x64xf32, #tpu.memory_space<vmem_shared>> -> memref<128x64xf32, #tpu.memory_space<vmem_shared>>
      %dma_wait3A_92 = arith.constant 0 : i32
      %dma_wait3A_93 = tpu.memref_slice %arg11[%add3A_17, %dma_wait3A_92] : memref<10240x64xf32, #tpu.memory_space<vmem_shared>> -> memref<128x64xf32, #tpu.memory_space<vmem_shared>>
      tpu.wait_dma2 semaphore(%run_scoped3A_85 : memref<!tpu.dma_semaphore, #tpu.memory_space<semaphore_mem>>) src(%arg10 : memref<128x64xf32, #tpu.memory_space<vmem>>) dst(%dma_wait3A_93 : memref<128x64xf32, #tpu.memory_space<vmem_shared>>)
      tpu.yield
    }) : () -> ()
    %mul3A_18 = arith.constant 640 : i32
    %mul3A_19 = arith.muli %arg1, %mul3A_18 : i32
    %add3A_20 = arith.constant 512 : i32
    %add3A_21 = arith.addi %mul3A_19, %add3A_20 : i32
    "tpu.region"() ({
      %run_scoped3A_85 = tpu.sem_alloc : memref<!tpu.dma_semaphore, #tpu.memory_space<semaphore_mem>>
      %dma_start3A_86 = arith.constant 0 : i32
      %dma_start3A_87 = tpu.memref_slice %arg11[%add3A_21, %dma_start3A_86] : memref<10240x64xf32, #tpu.memory_space<vmem_shared>> -> memref<128x64xf32, #tpu.memory_space<vmem_shared>>
      %dma_start3A_88 = arith.constant 0 : i32
      %dma_start3A_89 = tpu.memref_slice %arg11[%add3A_21, %dma_start3A_88] : memref<10240x64xf32, #tpu.memory_space<vmem_shared>> -> memref<128x64xf32, #tpu.memory_space<vmem_shared>>
      tpu.enqueue_dma source(%arg10 : memref<128x64xf32, #tpu.memory_space<vmem>>) target(%dma_start3A_89 : memref<128x64xf32, #tpu.memory_space<vmem_shared>>) target_semaphore(%run_scoped3A_85 : memref<!tpu.dma_semaphore, #tpu.memory_space<semaphore_mem>>)
      %dma_wait3A_90 = arith.constant 0 : i32
      %dma_wait3A_91 = tpu.memref_slice %arg11[%add3A_21, %dma_wait3A_90] : memref<10240x64xf32, #tpu.memory_space<vmem_shared>> -> memref<128x64xf32, #tpu.memory_space<vmem_shared>>
      %dma_wait3A_92 = arith.constant 0 : i32
      %dma_wait3A_93 = tpu.memref_slice %arg11[%add3A_21, %dma_wait3A_92] : memref<10240x64xf32, #tpu.memory_space<vmem_shared>> -> memref<128x64xf32, #tpu.memory_space<vmem_shared>>
      tpu.wait_dma2 semaphore(%run_scoped3A_85 : memref<!tpu.dma_semaphore, #tpu.memory_space<semaphore_mem>>) src(%arg10 : memref<128x64xf32, #tpu.memory_space<vmem>>) dst(%dma_wait3A_93 : memref<128x64xf32, #tpu.memory_space<vmem_shared>>)
      tpu.yield
    }) : () -> ()
    %barrier3A = arith.constant 0 : index
    tpu.barrier barrier_id(%barrier3A)
    %run_scoped3A = arith.constant 0 : i32
    "tpu.region"() ({
      %run_scoped3A_85 = tpu.sem_alloc : memref<!tpu.dma_semaphore, #tpu.memory_space<semaphore_mem>>
      %dma_start3A_86 = arith.constant 0 : i32
      %dma_start3A_87 = arith.constant 0 : i32
      %dma_start3A_88 = tpu.memref_slice %arg3[%run_scoped3A, %arg1, %dma_start3A_86, %dma_start3A_87] : memref<2x16x160x125xi32, #tpu.memory_space<hbm>> -> memref<1x1x160x125xi32, #tpu.memory_space<hbm>>
      %dma_start3A_89 = tpu.memref_squeeze %dma_start3A_88 : memref<1x1x160x125xi32, #tpu.memory_space<hbm>> -> memref<160x125xi32, #tpu.memory_space<hbm>>
      %dma_start3A_90 = arith.constant 0 : i32
      %dma_start3A_91 = arith.constant 0 : i32
      %dma_start3A_92 = tpu.memref_slice %arg3[%run_scoped3A, %arg1, %dma_start3A_90, %dma_start3A_91] : memref<2x16x160x125xi32, #tpu.memory_space<hbm>> -> memref<1x1x160x125xi32, #tpu.memory_space<hbm>>
      %dma_start3A_93 = tpu.memref_squeeze %dma_start3A_92 : memref<1x1x160x125xi32, #tpu.memory_space<hbm>> -> memref<160x125xi32, #tpu.memory_space<hbm>>
      tpu.enqueue_dma source(%dma_start3A_93 : memref<160x125xi32, #tpu.memory_space<hbm>>) target(%arg5 : memref<160x125xi32, #tpu.memory_space<vmem>>) target_semaphore(%run_scoped3A_85 : memref<!tpu.dma_semaphore, #tpu.memory_space<semaphore_mem>>)
      %dma_wait3A_94 = arith.constant 0 : i32
      %dma_wait3A_95 = arith.constant 0 : i32
      %dma_wait3A_96 = tpu.memref_slice %arg3[%run_scoped3A, %arg1, %dma_wait3A_94, %dma_wait3A_95] : memref<2x16x160x125xi32, #tpu.memory_space<hbm>> -> memref<1x1x160x125xi32, #tpu.memory_space<hbm>>
      %dma_wait3A_97 = tpu.memref_squeeze %dma_wait3A_96 : memref<1x1x160x125xi32, #tpu.memory_space<hbm>> -> memref<160x125xi32, #tpu.memory_space<hbm>>
      %dma_wait3A_98 = arith.constant 0 : i32
      %dma_wait3A_99 = arith.constant 0 : i32
      %dma_wait3A_100 = tpu.memref_slice %arg3[%run_scoped3A, %arg1, %dma_wait3A_98, %dma_wait3A_99] : memref<2x16x160x125xi32, #tpu.memory_space<hbm>> -> memref<1x1x160x125xi32, #tpu.memory_space<hbm>>
      %dma_wait3A_101 = tpu.memref_squeeze %dma_wait3A_100 : memref<1x1x160x125xi32, #tpu.memory_space<hbm>> -> memref<160x125xi32, #tpu.memory_space<hbm>>
      tpu.wait_dma2 semaphore(%run_scoped3A_85 : memref<!tpu.dma_semaphore, #tpu.memory_space<semaphore_mem>>) src(%dma_wait3A_101 : memref<160x125xi32, #tpu.memory_space<hbm>>) dst(%arg5 : memref<160x125xi32, #tpu.memory_space<vmem>>)
      tpu.yield
    }) : () -> ()
    %run_scoped3A_22 = arith.constant 1 : i32
    "tpu.region"() ({
      %run_scoped3A_85 = tpu.sem_alloc : memref<!tpu.dma_semaphore, #tpu.memory_space<semaphore_mem>>
      %dma_start3A_86 = arith.constant 0 : i32
      %dma_start3A_87 = arith.constant 0 : i32
      %dma_start3A_88 = tpu.memref_slice %arg3[%run_scoped3A_22, %arg1, %dma_start3A_86, %dma_start3A_87] : memref<2x16x160x125xi32, #tpu.memory_space<hbm>> -> memref<1x1x160x125xi32, #tpu.memory_space<hbm>>
      %dma_start3A_89 = tpu.memref_squeeze %dma_start3A_88 : memref<1x1x160x125xi32, #tpu.memory_space<hbm>> -> memref<160x125xi32, #tpu.memory_space<hbm>>
      %dma_start3A_90 = arith.constant 0 : i32
      %dma_start3A_91 = arith.constant 0 : i32
      %dma_start3A_92 = tpu.memref_slice %arg3[%run_scoped3A_22, %arg1, %dma_start3A_90, %dma_start3A_91] : memref<2x16x160x125xi32, #tpu.memory_space<hbm>> -> memref<1x1x160x125xi32, #tpu.memory_space<hbm>>
      %dma_start3A_93 = tpu.memref_squeeze %dma_start3A_92 : memref<1x1x160x125xi32, #tpu.memory_space<hbm>> -> memref<160x125xi32, #tpu.memory_space<hbm>>
      tpu.enqueue_dma source(%dma_start3A_93 : memref<160x125xi32, #tpu.memory_space<hbm>>) target(%arg6 : memref<160x125xi32, #tpu.memory_space<vmem>>) target_semaphore(%run_scoped3A_85 : memref<!tpu.dma_semaphore, #tpu.memory_space<semaphore_mem>>)
      %dma_wait3A_94 = arith.constant 0 : i32
      %dma_wait3A_95 = arith.constant 0 : i32
      %dma_wait3A_96 = tpu.memref_slice %arg3[%run_scoped3A_22, %arg1, %dma_wait3A_94, %dma_wait3A_95] : memref<2x16x160x125xi32, #tpu.memory_space<hbm>> -> memref<1x1x160x125xi32, #tpu.memory_space<hbm>>
      %dma_wait3A_97 = tpu.memref_squeeze %dma_wait3A_96 : memref<1x1x160x125xi32, #tpu.memory_space<hbm>> -> memref<160x125xi32, #tpu.memory_space<hbm>>
      %dma_wait3A_98 = arith.constant 0 : i32
      %dma_wait3A_99 = arith.constant 0 : i32
      %dma_wait3A_100 = tpu.memref_slice %arg3[%run_scoped3A_22, %arg1, %dma_wait3A_98, %dma_wait3A_99] : memref<2x16x160x125xi32, #tpu.memory_space<hbm>> -> memref<1x1x160x125xi32, #tpu.memory_space<hbm>>
      %dma_wait3A_101 = tpu.memref_squeeze %dma_wait3A_100 : memref<1x1x160x125xi32, #tpu.memory_space<hbm>> -> memref<160x125xi32, #tpu.memory_space<hbm>>
      tpu.wait_dma2 semaphore(%run_scoped3A_85 : memref<!tpu.dma_semaphore, #tpu.memory_space<semaphore_mem>>) src(%dma_wait3A_101 : memref<160x125xi32, #tpu.memory_space<hbm>>) dst(%arg6 : memref<160x125xi32, #tpu.memory_space<vmem>>)
      tpu.yield
    }) : () -> ()
    %dma_start3A = arith.constant 0 : i32
    %dma_start3A_23 = arith.constant 0 : i32
    %dma_start3A_24 = tpu.memref_slice %arg5[%dma_start3A, %dma_start3A_23] : memref<160x125xi32, #tpu.memory_space<vmem>> -> memref<1x125xi32, #tpu.memory_space<vmem>>
    %dma_start3A_25 = tpu.memref_squeeze %dma_start3A_24 : memref<1x125xi32, #tpu.memory_space<vmem>> -> memref<125xi32, #tpu.memory_space<vmem>>
    %dma_start3A_26 = arith.constant 0 : i32
    %dma_start3A_27 = arith.constant 0 : i32
    %dma_start3A_28 = tpu.memref_slice %arg2[%arg0, %dma_start3A_26, %dma_start3A_27] : memref<2x10000x64xf32, #tpu.memory_space<hbm>> -> memref<1x10000x64xf32, #tpu.memory_space<hbm>>
    %dma_start3A_29 = tpu.memref_squeeze %dma_start3A_28 : memref<1x10000x64xf32, #tpu.memory_space<hbm>> -> memref<10000x64xf32, #tpu.memory_space<hbm>>
    %dma_start3A_30 = arith.constant 0 : i32
    %dma_start3A_31 = arith.constant 0 : i32
    %dma_start3A_32 = tpu.memref_slice %dma_start3A_29[%dma_start3A_30, %dma_start3A_31] : memref<10000x64xf32, #tpu.memory_space<hbm>> -> memref<10000x64xf32, #tpu.memory_space<hbm>>
    tpu.enqueue_indirect_dma source(%dma_start3A_32 : memref<10000x64xf32, #tpu.memory_space<hbm>>) target(%arg7 : memref<125x64xf32, #tpu.memory_space<vmem>>) offsets(%dma_start3A_25 : memref<125xi32, #tpu.memory_space<vmem>>) semaphore(%arg12 : memref<!tpu.dma_semaphore, #tpu.memory_space<semaphore_mem>>)
    %dma_start3A_33 = arith.constant 1 : i32
    %dma_start3A_34 = arith.constant 0 : i32
    %dma_start3A_35 = tpu.memref_slice %arg5[%dma_start3A_33, %dma_start3A_34] : memref<160x125xi32, #tpu.memory_space<vmem>> -> memref<1x125xi32, #tpu.memory_space<vmem>>
    %dma_start3A_36 = tpu.memref_squeeze %dma_start3A_35 : memref<1x125xi32, #tpu.memory_space<vmem>> -> memref<125xi32, #tpu.memory_space<vmem>>
    %dma_start3A_37 = arith.constant 0 : i32
    %dma_start3A_38 = arith.constant 0 : i32
    %dma_start3A_39 = tpu.memref_slice %arg2[%arg0, %dma_start3A_37, %dma_start3A_38] : memref<2x10000x64xf32, #tpu.memory_space<hbm>> -> memref<1x10000x64xf32, #tpu.memory_space<hbm>>
    %dma_start3A_40 = tpu.memref_squeeze %dma_start3A_39 : memref<1x10000x64xf32, #tpu.memory_space<hbm>> -> memref<10000x64xf32, #tpu.memory_space<hbm>>
    %dma_start3A_41 = arith.constant 0 : i32
    %dma_start3A_42 = arith.constant 0 : i32
    %dma_start3A_43 = tpu.memref_slice %dma_start3A_40[%dma_start3A_41, %dma_start3A_42] : memref<10000x64xf32, #tpu.memory_space<hbm>> -> memref<10000x64xf32, #tpu.memory_space<hbm>>
    tpu.enqueue_indirect_dma source(%dma_start3A_43 : memref<10000x64xf32, #tpu.memory_space<hbm>>) target(%arg8 : memref<125x64xf32, #tpu.memory_space<vmem>>) offsets(%dma_start3A_36 : memref<125xi32, #tpu.memory_space<vmem>>) semaphore(%arg13 : memref<!tpu.dma_semaphore, #tpu.memory_space<semaphore_mem>>)
    %scan3A_44 = arith.constant 0 : i32
    %scan3A_45 = arith.constant 53 : i32
    %scan3A_46 = arith.addi %scan3A_44, %scan3A_45 : i32
    %scan3A_47 = arith.constant 1 : i32
    scf.for %scan3A_85 = %scan3A_44 to %scan3A_46 step %scan3A_47  : i32 {
      %mul3A_86 = arith.constant 3 : i32
      %mul3A_87 = arith.muli %mul3A_86, %scan3A_85 : i32
      %add3A_88 = arith.constant 0 : i32
      %add3A_89 = arith.addi %mul3A_87, %add3A_88 : i32
      %dma_wait3A_90 = arith.constant 0 : i32
      %dma_wait3A_91 = tpu.memref_slice %arg5[%add3A_89, %dma_wait3A_90] : memref<160x125xi32, #tpu.memory_space<vmem>> -> memref<1x125xi32, #tpu.memory_space<vmem>>
      %dma_wait3A_92 = tpu.memref_squeeze %dma_wait3A_91 : memref<1x125xi32, #tpu.memory_space<vmem>> -> memref<125xi32, #tpu.memory_space<vmem>>
      %dma_wait3A_93 = arith.constant 0 : i32
      %dma_wait3A_94 = arith.constant 0 : i32
      %dma_wait3A_95 = tpu.memref_slice %arg2[%arg0, %dma_wait3A_93, %dma_wait3A_94] : memref<2x10000x64xf32, #tpu.memory_space<hbm>> -> memref<1x10000x64xf32, #tpu.memory_space<hbm>>
      %dma_wait3A_96 = tpu.memref_squeeze %dma_wait3A_95 : memref<1x10000x64xf32, #tpu.memory_space<hbm>> -> memref<10000x64xf32, #tpu.memory_space<hbm>>
      %dma_wait3A_97 = arith.constant 0 : i32
      %dma_wait3A_98 = arith.constant 0 : i32
      %dma_wait3A_99 = tpu.memref_slice %dma_wait3A_96[%dma_wait3A_97, %dma_wait3A_98] : memref<10000x64xf32, #tpu.memory_space<hbm>> -> memref<10000x64xf32, #tpu.memory_space<hbm>>
      tpu.wait_indirect_dma semaphore(%arg12 : memref<!tpu.dma_semaphore, #tpu.memory_space<semaphore_mem>>) src(%dma_wait3A_99 : memref<10000x64xf32, #tpu.memory_space<hbm>>) dst(%arg7 : memref<125x64xf32, #tpu.memory_space<vmem>>)
      %ge3A = arith.constant 1 : i32
      %ge3A_100 = arith.cmpi sge, %add3A_89, %ge3A : i32
      %convert_element_type3A = arith.extui %ge3A_100 : i1 to i32
      %cond3A = arith.constant 0 : i32
      %cond3A_101 = arith.cmpi ne, %convert_element_type3A, %cond3A : i32
      scf.if %cond3A_101 {
        %sub3A = arith.constant 1 : i32
        %sub3A_178 = arith.subi %add3A_89, %sub3A : i32
        %dma_wait3A_179 = arith.constant 0 : i32
        %dma_wait3A_180 = tpu.memref_slice %arg6[%sub3A_178, %dma_wait3A_179] : memref<160x125xi32, #tpu.memory_space<vmem>> -> memref<1x125xi32, #tpu.memory_space<vmem>>
        %dma_wait3A_181 = tpu.memref_squeeze %dma_wait3A_180 : memref<1x125xi32, #tpu.memory_space<vmem>> -> memref<125xi32, #tpu.memory_space<vmem>>
        %dma_wait3A_182 = arith.constant 0 : i32
        %dma_wait3A_183 = arith.constant 0 : i32
        %dma_wait3A_184 = tpu.memref_slice %arg11[%dma_wait3A_182, %dma_wait3A_183] : memref<10240x64xf32, #tpu.memory_space<vmem_shared>> -> memref<10240x64xf32, #tpu.memory_space<vmem_shared>>
        tpu.wait_indirect_dma semaphore(%arg15 : memref<!tpu.dma_semaphore, #tpu.memory_space<semaphore_mem>>) src(%arg9 : memref<125x64xf32, #tpu.memory_space<vmem>>) dst(%dma_wait3A_184 : memref<10240x64xf32, #tpu.memory_space<vmem_shared>>)
      } else {
      }
      %dma_start3A_102 = arith.constant 0 : i32
      %dma_start3A_103 = tpu.memref_slice %arg6[%add3A_89, %dma_start3A_102] : memref<160x125xi32, #tpu.memory_space<vmem>> -> memref<1x125xi32, #tpu.memory_space<vmem>>
      %dma_start3A_104 = tpu.memref_squeeze %dma_start3A_103 : memref<1x125xi32, #tpu.memory_space<vmem>> -> memref<125xi32, #tpu.memory_space<vmem>>
      %dma_start3A_105 = arith.constant 0 : i32
      %dma_start3A_106 = arith.constant 0 : i32
      %dma_start3A_107 = tpu.memref_slice %arg11[%dma_start3A_105, %dma_start3A_106] : memref<10240x64xf32, #tpu.memory_space<vmem_shared>> -> memref<10240x64xf32, #tpu.memory_space<vmem_shared>>
      tpu.enqueue_indirect_dma source(%arg7 : memref<125x64xf32, #tpu.memory_space<vmem>>) target(%dma_start3A_107 : memref<10240x64xf32, #tpu.memory_space<vmem_shared>>) offsets(%dma_start3A_104 : memref<125xi32, #tpu.memory_space<vmem>>) semaphore(%arg15 : memref<!tpu.dma_semaphore, #tpu.memory_space<semaphore_mem>>) {add = true}
      %add3A_108 = arith.constant 2 : i32
      %add3A_109 = arith.addi %add3A_89, %add3A_108 : i32
      %lt3A = arith.constant 160 : i32
      %lt3A_110 = arith.cmpi slt, %add3A_109, %lt3A : i32
      %convert_element_type3A_111 = arith.extui %lt3A_110 : i1 to i32
      %cond3A_112 = arith.constant 0 : i32
      %cond3A_113 = arith.cmpi ne, %convert_element_type3A_111, %cond3A_112 : i32
      scf.if %cond3A_113 {
        %add3A_178 = arith.constant 2 : i32
        %add3A_179 = arith.addi %add3A_89, %add3A_178 : i32
        %dma_start3A_180 = arith.constant 0 : i32
        %dma_start3A_181 = tpu.memref_slice %arg5[%add3A_179, %dma_start3A_180] : memref<160x125xi32, #tpu.memory_space<vmem>> -> memref<1x125xi32, #tpu.memory_space<vmem>>
        %dma_start3A_182 = tpu.memref_squeeze %dma_start3A_181 : memref<1x125xi32, #tpu.memory_space<vmem>> -> memref<125xi32, #tpu.memory_space<vmem>>
        %dma_start3A_183 = arith.constant 0 : i32
        %dma_start3A_184 = arith.constant 0 : i32
        %dma_start3A_185 = tpu.memref_slice %arg2[%arg0, %dma_start3A_183, %dma_start3A_184] : memref<2x10000x64xf32, #tpu.memory_space<hbm>> -> memref<1x10000x64xf32, #tpu.memory_space<hbm>>
        %dma_start3A_186 = tpu.memref_squeeze %dma_start3A_185 : memref<1x10000x64xf32, #tpu.memory_space<hbm>> -> memref<10000x64xf32, #tpu.memory_space<hbm>>
        %dma_start3A_187 = arith.constant 0 : i32
        %dma_start3A_188 = arith.constant 0 : i32
        %dma_start3A_189 = tpu.memref_slice %dma_start3A_186[%dma_start3A_187, %dma_start3A_188] : memref<10000x64xf32, #tpu.memory_space<hbm>> -> memref<10000x64xf32, #tpu.memory_space<hbm>>
        tpu.enqueue_indirect_dma source(%dma_start3A_189 : memref<10000x64xf32, #tpu.memory_space<hbm>>) target(%arg9 : memref<125x64xf32, #tpu.memory_space<vmem>>) offsets(%dma_start3A_182 : memref<125xi32, #tpu.memory_space<vmem>>) semaphore(%arg14 : memref<!tpu.dma_semaphore, #tpu.memory_space<semaphore_mem>>)
      } else {
      }
      %mul3A_114 = arith.constant 3 : i32
      %mul3A_115 = arith.muli %mul3A_114, %scan3A_85 : i32
      %add3A_116 = arith.constant 1 : i32
      %add3A_117 = arith.addi %mul3A_115, %add3A_116 : i32
      %dma_wait3A_118 = arith.constant 0 : i32
      %dma_wait3A_119 = tpu.memref_slice %arg5[%add3A_117, %dma_wait3A_118] : memref<160x125xi32, #tpu.memory_space<vmem>> -> memref<1x125xi32, #tpu.memory_space<vmem>>
      %dma_wait3A_120 = tpu.memref_squeeze %dma_wait3A_119 : memref<1x125xi32, #tpu.memory_space<vmem>> -> memref<125xi32, #tpu.memory_space<vmem>>
      %dma_wait3A_121 = arith.constant 0 : i32
      %dma_wait3A_122 = arith.constant 0 : i32
      %dma_wait3A_123 = tpu.memref_slice %arg2[%arg0, %dma_wait3A_121, %dma_wait3A_122] : memref<2x10000x64xf32, #tpu.memory_space<hbm>> -> memref<1x10000x64xf32, #tpu.memory_space<hbm>>
      %dma_wait3A_124 = tpu.memref_squeeze %dma_wait3A_123 : memref<1x10000x64xf32, #tpu.memory_space<hbm>> -> memref<10000x64xf32, #tpu.memory_space<hbm>>
      %dma_wait3A_125 = arith.constant 0 : i32
      %dma_wait3A_126 = arith.constant 0 : i32
      %dma_wait3A_127 = tpu.memref_slice %dma_wait3A_124[%dma_wait3A_125, %dma_wait3A_126] : memref<10000x64xf32, #tpu.memory_space<hbm>> -> memref<10000x64xf32, #tpu.memory_space<hbm>>
      tpu.wait_indirect_dma semaphore(%arg13 : memref<!tpu.dma_semaphore, #tpu.memory_space<semaphore_mem>>) src(%dma_wait3A_127 : memref<10000x64xf32, #tpu.memory_space<hbm>>) dst(%arg8 : memref<125x64xf32, #tpu.memory_space<vmem>>)
      %ge3A_128 = arith.constant 1 : i32
      %ge3A_129 = arith.cmpi sge, %add3A_117, %ge3A_128 : i32
      %convert_element_type3A_130 = arith.extui %ge3A_129 : i1 to i32
      %cond3A_131 = arith.constant 0 : i32
      %cond3A_132 = arith.cmpi ne, %convert_element_type3A_130, %cond3A_131 : i32
      scf.if %cond3A_132 {
        %sub3A = arith.constant 1 : i32
        %sub3A_178 = arith.subi %add3A_117, %sub3A : i32
        %dma_wait3A_179 = arith.constant 0 : i32
        %dma_wait3A_180 = tpu.memref_slice %arg6[%sub3A_178, %dma_wait3A_179] : memref<160x125xi32, #tpu.memory_space<vmem>> -> memref<1x125xi32, #tpu.memory_space<vmem>>
        %dma_wait3A_181 = tpu.memref_squeeze %dma_wait3A_180 : memref<1x125xi32, #tpu.memory_space<vmem>> -> memref<125xi32, #tpu.memory_space<vmem>>
        %dma_wait3A_182 = arith.constant 0 : i32
        %dma_wait3A_183 = arith.constant 0 : i32
        %dma_wait3A_184 = tpu.memref_slice %arg11[%dma_wait3A_182, %dma_wait3A_183] : memref<10240x64xf32, #tpu.memory_space<vmem_shared>> -> memref<10240x64xf32, #tpu.memory_space<vmem_shared>>
        tpu.wait_indirect_dma semaphore(%arg15 : memref<!tpu.dma_semaphore, #tpu.memory_space<semaphore_mem>>) src(%arg7 : memref<125x64xf32, #tpu.memory_space<vmem>>) dst(%dma_wait3A_184 : memref<10240x64xf32, #tpu.memory_space<vmem_shared>>)
      } else {
      }
      %dma_start3A_133 = arith.constant 0 : i32
      %dma_start3A_134 = tpu.memref_slice %arg6[%add3A_117, %dma_start3A_133] : memref<160x125xi32, #tpu.memory_space<vmem>> -> memref<1x125xi32, #tpu.memory_space<vmem>>
      %dma_start3A_135 = tpu.memref_squeeze %dma_start3A_134 : memref<1x125xi32, #tpu.memory_space<vmem>> -> memref<125xi32, #tpu.memory_space<vmem>>
      %dma_start3A_136 = arith.constant 0 : i32
      %dma_start3A_137 = arith.constant 0 : i32
      %dma_start3A_138 = tpu.memref_slice %arg11[%dma_start3A_136, %dma_start3A_137] : memref<10240x64xf32, #tpu.memory_space<vmem_shared>> -> memref<10240x64xf32, #tpu.memory_space<vmem_shared>>
      tpu.enqueue_indirect_dma source(%arg8 : memref<125x64xf32, #tpu.memory_space<vmem>>) target(%dma_start3A_138 : memref<10240x64xf32, #tpu.memory_space<vmem_shared>>) offsets(%dma_start3A_135 : memref<125xi32, #tpu.memory_space<vmem>>) semaphore(%arg15 : memref<!tpu.dma_semaphore, #tpu.memory_space<semaphore_mem>>) {add = true}
      %add3A_139 = arith.constant 2 : i32
      %add3A_140 = arith.addi %add3A_117, %add3A_139 : i32
      %lt3A_141 = arith.constant 160 : i32
      %lt3A_142 = arith.cmpi slt, %add3A_140, %lt3A_141 : i32
      %convert_element_type3A_143 = arith.extui %lt3A_142 : i1 to i32
      %cond3A_144 = arith.constant 0 : i32
      %cond3A_145 = arith.cmpi ne, %convert_element_type3A_143, %cond3A_144 : i32
      scf.if %cond3A_145 {
        %add3A_178 = arith.constant 2 : i32
        %add3A_179 = arith.addi %add3A_117, %add3A_178 : i32
        %dma_start3A_180 = arith.constant 0 : i32
        %dma_start3A_181 = tpu.memref_slice %arg5[%add3A_179, %dma_start3A_180] : memref<160x125xi32, #tpu.memory_space<vmem>> -> memref<1x125xi32, #tpu.memory_space<vmem>>
        %dma_start3A_182 = tpu.memref_squeeze %dma_start3A_181 : memref<1x125xi32, #tpu.memory_space<vmem>> -> memref<125xi32, #tpu.memory_space<vmem>>
        %dma_start3A_183 = arith.constant 0 : i32
        %dma_start3A_184 = arith.constant 0 : i32
        %dma_start3A_185 = tpu.memref_slice %arg2[%arg0, %dma_start3A_183, %dma_start3A_184] : memref<2x10000x64xf32, #tpu.memory_space<hbm>> -> memref<1x10000x64xf32, #tpu.memory_space<hbm>>
        %dma_start3A_186 = tpu.memref_squeeze %dma_start3A_185 : memref<1x10000x64xf32, #tpu.memory_space<hbm>> -> memref<10000x64xf32, #tpu.memory_space<hbm>>
        %dma_start3A_187 = arith.constant 0 : i32
        %dma_start3A_188 = arith.constant 0 : i32
        %dma_start3A_189 = tpu.memref_slice %dma_start3A_186[%dma_start3A_187, %dma_start3A_188] : memref<10000x64xf32, #tpu.memory_space<hbm>> -> memref<10000x64xf32, #tpu.memory_space<hbm>>
        tpu.enqueue_indirect_dma source(%dma_start3A_189 : memref<10000x64xf32, #tpu.memory_space<hbm>>) target(%arg7 : memref<125x64xf32, #tpu.memory_space<vmem>>) offsets(%dma_start3A_182 : memref<125xi32, #tpu.memory_space<vmem>>) semaphore(%arg12 : memref<!tpu.dma_semaphore, #tpu.memory_space<semaphore_mem>>)
      } else {
      }
      %mul3A_146 = arith.constant 3 : i32
      %mul3A_147 = arith.muli %mul3A_146, %scan3A_85 : i32
      %add3A_148 = arith.constant 2 : i32
      %add3A_149 = arith.addi %mul3A_147, %add3A_148 : i32
      %dma_wait3A_150 = arith.constant 0 : i32
      %dma_wait3A_151 = tpu.memref_slice %arg5[%add3A_149, %dma_wait3A_150] : memref<160x125xi32, #tpu.memory_space<vmem>> -> memref<1x125xi32, #tpu.memory_space<vmem>>
      %dma_wait3A_152 = tpu.memref_squeeze %dma_wait3A_151 : memref<1x125xi32, #tpu.memory_space<vmem>> -> memref<125xi32, #tpu.memory_space<vmem>>
      %dma_wait3A_153 = arith.constant 0 : i32
      %dma_wait3A_154 = arith.constant 0 : i32
      %dma_wait3A_155 = tpu.memref_slice %arg2[%arg0, %dma_wait3A_153, %dma_wait3A_154] : memref<2x10000x64xf32, #tpu.memory_space<hbm>> -> memref<1x10000x64xf32, #tpu.memory_space<hbm>>
      %dma_wait3A_156 = tpu.memref_squeeze %dma_wait3A_155 : memref<1x10000x64xf32, #tpu.memory_space<hbm>> -> memref<10000x64xf32, #tpu.memory_space<hbm>>
      %dma_wait3A_157 = arith.constant 0 : i32
      %dma_wait3A_158 = arith.constant 0 : i32
      %dma_wait3A_159 = tpu.memref_slice %dma_wait3A_156[%dma_wait3A_157, %dma_wait3A_158] : memref<10000x64xf32, #tpu.memory_space<hbm>> -> memref<10000x64xf32, #tpu.memory_space<hbm>>
      tpu.wait_indirect_dma semaphore(%arg14 : memref<!tpu.dma_semaphore, #tpu.memory_space<semaphore_mem>>) src(%dma_wait3A_159 : memref<10000x64xf32, #tpu.memory_space<hbm>>) dst(%arg9 : memref<125x64xf32, #tpu.memory_space<vmem>>)
      %ge3A_160 = arith.constant 1 : i32
      %ge3A_161 = arith.cmpi sge, %add3A_149, %ge3A_160 : i32
      %convert_element_type3A_162 = arith.extui %ge3A_161 : i1 to i32
      %cond3A_163 = arith.constant 0 : i32
      %cond3A_164 = arith.cmpi ne, %convert_element_type3A_162, %cond3A_163 : i32
      scf.if %cond3A_164 {
        %sub3A = arith.constant 1 : i32
        %sub3A_178 = arith.subi %add3A_149, %sub3A : i32
        %dma_wait3A_179 = arith.constant 0 : i32
        %dma_wait3A_180 = tpu.memref_slice %arg6[%sub3A_178, %dma_wait3A_179] : memref<160x125xi32, #tpu.memory_space<vmem>> -> memref<1x125xi32, #tpu.memory_space<vmem>>
        %dma_wait3A_181 = tpu.memref_squeeze %dma_wait3A_180 : memref<1x125xi32, #tpu.memory_space<vmem>> -> memref<125xi32, #tpu.memory_space<vmem>>
        %dma_wait3A_182 = arith.constant 0 : i32
        %dma_wait3A_183 = arith.constant 0 : i32
        %dma_wait3A_184 = tpu.memref_slice %arg11[%dma_wait3A_182, %dma_wait3A_183] : memref<10240x64xf32, #tpu.memory_space<vmem_shared>> -> memref<10240x64xf32, #tpu.memory_space<vmem_shared>>
        tpu.wait_indirect_dma semaphore(%arg15 : memref<!tpu.dma_semaphore, #tpu.memory_space<semaphore_mem>>) src(%arg8 : memref<125x64xf32, #tpu.memory_space<vmem>>) dst(%dma_wait3A_184 : memref<10240x64xf32, #tpu.memory_space<vmem_shared>>)
      } else {
      }
      %dma_start3A_165 = arith.constant 0 : i32
      %dma_start3A_166 = tpu.memref_slice %arg6[%add3A_149, %dma_start3A_165] : memref<160x125xi32, #tpu.memory_space<vmem>> -> memref<1x125xi32, #tpu.memory_space<vmem>>
      %dma_start3A_167 = tpu.memref_squeeze %dma_start3A_166 : memref<1x125xi32, #tpu.memory_space<vmem>> -> memref<125xi32, #tpu.memory_space<vmem>>
      %dma_start3A_168 = arith.constant 0 : i32
      %dma_start3A_169 = arith.constant 0 : i32
      %dma_start3A_170 = tpu.memref_slice %arg11[%dma_start3A_168, %dma_start3A_169] : memref<10240x64xf32, #tpu.memory_space<vmem_shared>> -> memref<10240x64xf32, #tpu.memory_space<vmem_shared>>
      tpu.enqueue_indirect_dma source(%arg9 : memref<125x64xf32, #tpu.memory_space<vmem>>) target(%dma_start3A_170 : memref<10240x64xf32, #tpu.memory_space<vmem_shared>>) offsets(%dma_start3A_167 : memref<125xi32, #tpu.memory_space<vmem>>) semaphore(%arg15 : memref<!tpu.dma_semaphore, #tpu.memory_space<semaphore_mem>>) {add = true}
      %add3A_171 = arith.constant 2 : i32
      %add3A_172 = arith.addi %add3A_149, %add3A_171 : i32
      %lt3A_173 = arith.constant 160 : i32
      %lt3A_174 = arith.cmpi slt, %add3A_172, %lt3A_173 : i32
      %convert_element_type3A_175 = arith.extui %lt3A_174 : i1 to i32
      %cond3A_176 = arith.constant 0 : i32
      %cond3A_177 = arith.cmpi ne, %convert_element_type3A_175, %cond3A_176 : i32
      scf.if %cond3A_177 {
        %add3A_178 = arith.constant 2 : i32
        %add3A_179 = arith.addi %add3A_149, %add3A_178 : i32
        %dma_start3A_180 = arith.constant 0 : i32
        %dma_start3A_181 = tpu.memref_slice %arg5[%add3A_179, %dma_start3A_180] : memref<160x125xi32, #tpu.memory_space<vmem>> -> memref<1x125xi32, #tpu.memory_space<vmem>>
        %dma_start3A_182 = tpu.memref_squeeze %dma_start3A_181 : memref<1x125xi32, #tpu.memory_space<vmem>> -> memref<125xi32, #tpu.memory_space<vmem>>
        %dma_start3A_183 = arith.constant 0 : i32
        %dma_start3A_184 = arith.constant 0 : i32
        %dma_start3A_185 = tpu.memref_slice %arg2[%arg0, %dma_start3A_183, %dma_start3A_184] : memref<2x10000x64xf32, #tpu.memory_space<hbm>> -> memref<1x10000x64xf32, #tpu.memory_space<hbm>>
        %dma_start3A_186 = tpu.memref_squeeze %dma_start3A_185 : memref<1x10000x64xf32, #tpu.memory_space<hbm>> -> memref<10000x64xf32, #tpu.memory_space<hbm>>
        %dma_start3A_187 = arith.constant 0 : i32
        %dma_start3A_188 = arith.constant 0 : i32
        %dma_start3A_189 = tpu.memref_slice %dma_start3A_186[%dma_start3A_187, %dma_start3A_188] : memref<10000x64xf32, #tpu.memory_space<hbm>> -> memref<10000x64xf32, #tpu.memory_space<hbm>>
        tpu.enqueue_indirect_dma source(%dma_start3A_189 : memref<10000x64xf32, #tpu.memory_space<hbm>>) target(%arg8 : memref<125x64xf32, #tpu.memory_space<vmem>>) offsets(%dma_start3A_182 : memref<125xi32, #tpu.memory_space<vmem>>) semaphore(%arg13 : memref<!tpu.dma_semaphore, #tpu.memory_space<semaphore_mem>>)
      } else {
      }
    }
    %scan3A_48 = arith.constant 53 : i32
    %dma_wait3A = arith.constant 159 : i32
    %dma_wait3A_49 = arith.constant 0 : i32
    %dma_wait3A_50 = tpu.memref_slice %arg5[%dma_wait3A, %dma_wait3A_49] : memref<160x125xi32, #tpu.memory_space<vmem>> -> memref<1x125xi32, #tpu.memory_space<vmem>>
    %dma_wait3A_51 = tpu.memref_squeeze %dma_wait3A_50 : memref<1x125xi32, #tpu.memory_space<vmem>> -> memref<125xi32, #tpu.memory_space<vmem>>
    %dma_wait3A_52 = arith.constant 0 : i32
    %dma_wait3A_53 = arith.constant 0 : i32
    %dma_wait3A_54 = tpu.memref_slice %arg2[%arg0, %dma_wait3A_52, %dma_wait3A_53] : memref<2x10000x64xf32, #tpu.memory_space<hbm>> -> memref<1x10000x64xf32, #tpu.memory_space<hbm>>
    %dma_wait3A_55 = tpu.memref_squeeze %dma_wait3A_54 : memref<1x10000x64xf32, #tpu.memory_space<hbm>> -> memref<10000x64xf32, #tpu.memory_space<hbm>>
    %dma_wait3A_56 = arith.constant 0 : i32
    %dma_wait3A_57 = arith.constant 0 : i32
    %dma_wait3A_58 = tpu.memref_slice %dma_wait3A_55[%dma_wait3A_56, %dma_wait3A_57] : memref<10000x64xf32, #tpu.memory_space<hbm>> -> memref<10000x64xf32, #tpu.memory_space<hbm>>
    tpu.wait_indirect_dma semaphore(%arg12 : memref<!tpu.dma_semaphore, #tpu.memory_space<semaphore_mem>>) src(%dma_wait3A_58 : memref<10000x64xf32, #tpu.memory_space<hbm>>) dst(%arg7 : memref<125x64xf32, #tpu.memory_space<vmem>>)
    %dma_wait3A_59 = arith.constant 158 : i32
    %dma_wait3A_60 = arith.constant 0 : i32
    %dma_wait3A_61 = tpu.memref_slice %arg6[%dma_wait3A_59, %dma_wait3A_60] : memref<160x125xi32, #tpu.memory_space<vmem>> -> memref<1x125xi32, #tpu.memory_space<vmem>>
    %dma_wait3A_62 = tpu.memref_squeeze %dma_wait3A_61 : memref<1x125xi32, #tpu.memory_space<vmem>> -> memref<125xi32, #tpu.memory_space<vmem>>
    %dma_wait3A_63 = arith.constant 0 : i32
    %dma_wait3A_64 = arith.constant 0 : i32
    %dma_wait3A_65 = tpu.memref_slice %arg11[%dma_wait3A_63, %dma_wait3A_64] : memref<10240x64xf32, #tpu.memory_space<vmem_shared>> -> memref<10240x64xf32, #tpu.memory_space<vmem_shared>>
    tpu.wait_indirect_dma semaphore(%arg15 : memref<!tpu.dma_semaphore, #tpu.memory_space<semaphore_mem>>) src(%arg9 : memref<125x64xf32, #tpu.memory_space<vmem>>) dst(%dma_wait3A_65 : memref<10240x64xf32, #tpu.memory_space<vmem_shared>>)
    %dma_start3A_66 = arith.constant 159 : i32
    %dma_start3A_67 = arith.constant 0 : i32
    %dma_start3A_68 = tpu.memref_slice %arg6[%dma_start3A_66, %dma_start3A_67] : memref<160x125xi32, #tpu.memory_space<vmem>> -> memref<1x125xi32, #tpu.memory_space<vmem>>
    %dma_start3A_69 = tpu.memref_squeeze %dma_start3A_68 : memref<1x125xi32, #tpu.memory_space<vmem>> -> memref<125xi32, #tpu.memory_space<vmem>>
    %dma_start3A_70 = arith.constant 0 : i32
    %dma_start3A_71 = arith.constant 0 : i32
    %dma_start3A_72 = tpu.memref_slice %arg11[%dma_start3A_70, %dma_start3A_71] : memref<10240x64xf32, #tpu.memory_space<vmem_shared>> -> memref<10240x64xf32, #tpu.memory_space<vmem_shared>>
    tpu.enqueue_indirect_dma source(%arg7 : memref<125x64xf32, #tpu.memory_space<vmem>>) target(%dma_start3A_72 : memref<10240x64xf32, #tpu.memory_space<vmem_shared>>) offsets(%dma_start3A_69 : memref<125xi32, #tpu.memory_space<vmem>>) semaphore(%arg15 : memref<!tpu.dma_semaphore, #tpu.memory_space<semaphore_mem>>) {add = true}
    %dma_wait3A_73 = arith.constant 159 : i32
    %dma_wait3A_74 = arith.constant 0 : i32
    %dma_wait3A_75 = tpu.memref_slice %arg6[%dma_wait3A_73, %dma_wait3A_74] : memref<160x125xi32, #tpu.memory_space<vmem>> -> memref<1x125xi32, #tpu.memory_space<vmem>>
    %dma_wait3A_76 = tpu.memref_squeeze %dma_wait3A_75 : memref<1x125xi32, #tpu.memory_space<vmem>> -> memref<125xi32, #tpu.memory_space<vmem>>
    %dma_wait3A_77 = arith.constant 0 : i32
    %dma_wait3A_78 = arith.constant 0 : i32
    %dma_wait3A_79 = tpu.memref_slice %arg11[%dma_wait3A_77, %dma_wait3A_78] : memref<10240x64xf32, #tpu.memory_space<vmem_shared>> -> memref<10240x64xf32, #tpu.memory_space<vmem_shared>>
    tpu.wait_indirect_dma semaphore(%arg15 : memref<!tpu.dma_semaphore, #tpu.memory_space<semaphore_mem>>) src(%arg7 : memref<125x64xf32, #tpu.memory_space<vmem>>) dst(%dma_wait3A_79 : memref<10240x64xf32, #tpu.memory_space<vmem_shared>>)
    %barrier3A_80 = arith.constant 0 : index
    tpu.barrier barrier_id(%barrier3A_80)
    %mul3A_81 = arith.constant 640 : i32
    %mul3A_82 = arith.muli %arg1, %mul3A_81 : i32
    %mul3A_83 = arith.constant 640 : i32
    %mul3A_84 = arith.muli %arg1, %mul3A_83 : i32
    "tpu.region"() ({
      %run_scoped3A_85 = tpu.sem_alloc : memref<!tpu.dma_semaphore, #tpu.memory_space<semaphore_mem>>
      %dma_start3A_86 = arith.constant 0 : i32
      %dma_start3A_87 = tpu.memref_slice %arg4[%arg0, %mul3A_84, %dma_start3A_86] : memref<2x10240x64xf32, #tpu.memory_space<hbm>> -> memref<1x640x64xf32, #tpu.memory_space<hbm>>
      %dma_start3A_88 = tpu.memref_squeeze %dma_start3A_87 : memref<1x640x64xf32, #tpu.memory_space<hbm>> -> memref<640x64xf32, #tpu.memory_space<hbm>>
      %dma_start3A_89 = arith.constant 0 : i32
      %dma_start3A_90 = tpu.memref_slice %arg11[%mul3A_82, %dma_start3A_89] : memref<10240x64xf32, #tpu.memory_space<vmem_shared>> -> memref<640x64xf32, #tpu.memory_space<vmem_shared>>
      tpu.enqueue_dma source(%dma_start3A_90 : memref<640x64xf32, #tpu.memory_space<vmem_shared>>) target(%dma_start3A_88 : memref<640x64xf32, #tpu.memory_space<hbm>>) target_semaphore(%run_scoped3A_85 : memref<!tpu.dma_semaphore, #tpu.memory_space<semaphore_mem>>)
      %dma_wait3A_91 = arith.constant 0 : i32
      %dma_wait3A_92 = tpu.memref_slice %arg4[%arg0, %mul3A_84, %dma_wait3A_91] : memref<2x10240x64xf32, #tpu.memory_space<hbm>> -> memref<1x640x64xf32, #tpu.memory_space<hbm>>
      %dma_wait3A_93 = tpu.memref_squeeze %dma_wait3A_92 : memref<1x640x64xf32, #tpu.memory_space<hbm>> -> memref<640x64xf32, #tpu.memory_space<hbm>>
      %dma_wait3A_94 = arith.constant 0 : i32
      %dma_wait3A_95 = tpu.memref_slice %arg11[%mul3A_82, %dma_wait3A_94] : memref<10240x64xf32, #tpu.memory_space<vmem_shared>> -> memref<640x64xf32, #tpu.memory_space<vmem_shared>>
      tpu.wait_dma2 semaphore(%run_scoped3A_85 : memref<!tpu.dma_semaphore, #tpu.memory_space<semaphore_mem>>) src(%dma_wait3A_95 : memref<640x64xf32, #tpu.memory_space<vmem_shared>>) dst(%dma_wait3A_93 : memref<640x64xf32, #tpu.memory_space<hbm>>)
      tpu.yield
    }) : () -> ()
    return
  }
}

module attributes {stable_mosaic.version = 14 : i64} {
  func.func @_mid_body(%arg0: i32, %arg1: memref<2x1000x64xf32, #tpu.memory_space<vmem>>, %arg2: memref<2x1000x64xf32, #tpu.memory_space<vmem>>, %arg3: memref<128x128xf32, #tpu.memory_space<vmem>>, %arg4: memref<1x128xf32, #tpu.memory_space<vmem>>, %arg5: memref<128x128xf32, #tpu.memory_space<vmem>>, %arg6: memref<1x128xf32, #tpu.memory_space<vmem>>, %arg7: memref<1x128xf32, #tpu.memory_space<vmem>>, %arg8: memref<1000x1xf32, #tpu.memory_space<vmem>>, %arg9: memref<1x1xf32, #tpu.memory_space<vmem>>, %arg10: memref<2x1000x64xf32, #tpu.memory_space<vmem>>, %arg11: memref<1000x1xf32, #tpu.memory_space<vmem>>) attributes {dimension_semantics = [#tpu.dimension_semantics<parallel>], iteration_bounds = array<i64: 10>, scalar_prefetch = 0 : i64, scratch_operands = 0 : i64, tpu.core_type = #tpu.core_type<tc>, window_params = [{transform_indices = @transform_0, window_bounds = array<i64: 2, 1000, 64>}, {transform_indices = @transform_1, window_bounds = array<i64: 2, 1000, 64>}, {pipeline_mode = #tpu.pipeline_mode<synchronous>, transform_indices = @transform_2, window_bounds = array<i64: 128, 128>}, {pipeline_mode = #tpu.pipeline_mode<synchronous>, transform_indices = @transform_3, window_bounds = array<i64: 1, 128>}, {pipeline_mode = #tpu.pipeline_mode<synchronous>, transform_indices = @transform_4, window_bounds = array<i64: 128, 128>}, {pipeline_mode = #tpu.pipeline_mode<synchronous>, transform_indices = @transform_5, window_bounds = array<i64: 1, 128>}, {pipeline_mode = #tpu.pipeline_mode<synchronous>, transform_indices = @transform_6, window_bounds = array<i64: 1, 128>}, {transform_indices = @transform_7, window_bounds = array<i64: 1000, 1>}, {pipeline_mode = #tpu.pipeline_mode<synchronous>, transform_indices = @transform_8, window_bounds = array<i64: 1, 1>}, {transform_indices = @transform_9, window_bounds = array<i64: 2, 1000, 64>}, {transform_indices = @transform_10, window_bounds = array<i64: 1000, 1>}]} {
    %get3A = arith.constant 0 : index
    %get3A_0 = arith.constant 0 : index
    %get3A_1 = arith.constant 0 : index
    %get3A_2 = vector.load %arg1[%get3A, %get3A_0, %get3A_1] : memref<2x1000x64xf32, #tpu.memory_space<vmem>>, vector<1x1000x64xf32>
    %get3A_3 = vector.shape_cast %get3A_2 : vector<1x1000x64xf32> to vector<1000x64xf32>
    %get3A_4 = arith.constant 0 : index
    %get3A_5 = arith.constant 0 : index
    %get3A_6 = arith.constant 0 : index
    %get3A_7 = vector.load %arg2[%get3A_4, %get3A_5, %get3A_6] : memref<2x1000x64xf32, #tpu.memory_space<vmem>>, vector<1x1000x64xf32>
    %get3A_8 = vector.shape_cast %get3A_7 : vector<1x1000x64xf32> to vector<1000x64xf32>
    %add3A = arith.addf %get3A_3, %get3A_8 : vector<1000x64xf32>
    %get3A_9 = arith.constant 1 : index
    %get3A_10 = arith.constant 0 : index
    %get3A_11 = arith.constant 0 : index
    %get3A_12 = vector.load %arg1[%get3A_9, %get3A_10, %get3A_11] : memref<2x1000x64xf32, #tpu.memory_space<vmem>>, vector<1x1000x64xf32>
    %get3A_13 = vector.shape_cast %get3A_12 : vector<1x1000x64xf32> to vector<1000x64xf32>
    %get3A_14 = arith.constant 1 : index
    %get3A_15 = arith.constant 0 : index
    %get3A_16 = arith.constant 0 : index
    %get3A_17 = vector.load %arg2[%get3A_14, %get3A_15, %get3A_16] : memref<2x1000x64xf32, #tpu.memory_space<vmem>>, vector<1x1000x64xf32>
    %get3A_18 = vector.shape_cast %get3A_17 : vector<1x1000x64xf32> to vector<1000x64xf32>
    %add3A_19 = arith.addf %get3A_13, %get3A_18 : vector<1000x64xf32>
    %concatenate3A = tpu.concatenate %add3A, %add3A_19 in 1 : vector<1000x64xf32>, vector<1000x64xf32> -> vector<1000x128xf32>
    %get3A_20 = arith.constant 0 : index
    %get3A_21 = arith.constant 0 : index
    %get3A_22 = vector.load %arg3[%get3A_20, %get3A_21] : memref<128x128xf32, #tpu.memory_space<vmem>>, vector<128x128xf32>
    %dot_general3A = arith.constant dense<0.000000e+00> : vector<1000x128xf32>
    %dot_general3A_23 = tpu.matmul %concatenate3A, %get3A_22, %dot_general3A {dimension_numbers = #tpu.dot_dimension_numbers<[1], [0], [0], [1], [0, 0, 1, 1], [], []>, transpose_lhs_hint = false} : vector<1000x128xf32>, vector<128x128xf32>, vector<1000x128xf32> -> vector<1000x128xf32>
    %get3A_24 = arith.constant 0 : index
    %get3A_25 = arith.constant 0 : index
    %get3A_26 = vector.load %arg4[%get3A_24, %get3A_25] : memref<1x128xf32, #tpu.memory_space<vmem>>, vector<1x128xf32>
    %add3A_27 = vector.broadcast %get3A_26 : vector<1x128xf32> to vector<1000x128xf32>
    %add3A_28 = arith.addf %dot_general3A_23, %add3A_27 : vector<1000x128xf32>
    %max3A = arith.constant 0.000000e+00 : f32
    %max3A_29 = vector.broadcast %max3A : f32 to vector<1000x128xf32>
    %max3A_30 = arith.maximumf %add3A_28, %max3A_29 : vector<1000x128xf32>
    %get3A_31 = arith.constant 0 : index
    %get3A_32 = arith.constant 0 : index
    %get3A_33 = vector.load %arg5[%get3A_31, %get3A_32] : memref<128x128xf32, #tpu.memory_space<vmem>>, vector<128x128xf32>
    %dot_general3A_34 = arith.constant dense<0.000000e+00> : vector<1000x128xf32>
    %dot_general3A_35 = tpu.matmul %max3A_30, %get3A_33, %dot_general3A_34 {dimension_numbers = #tpu.dot_dimension_numbers<[1], [0], [0], [1], [0, 0, 1, 1], [], []>, transpose_lhs_hint = false} : vector<1000x128xf32>, vector<128x128xf32>, vector<1000x128xf32> -> vector<1000x128xf32>
    %get3A_36 = arith.constant 0 : index
    %get3A_37 = arith.constant 0 : index
    %get3A_38 = vector.load %arg6[%get3A_36, %get3A_37] : memref<1x128xf32, #tpu.memory_space<vmem>>, vector<1x128xf32>
    %add3A_39 = vector.broadcast %get3A_38 : vector<1x128xf32> to vector<1000x128xf32>
    %add3A_40 = arith.addf %dot_general3A_35, %add3A_39 : vector<1000x128xf32>
    %max3A_41 = arith.constant 0.000000e+00 : f32
    %max3A_42 = vector.broadcast %max3A_41 : f32 to vector<1000x128xf32>
    %max3A_43 = arith.maximumf %add3A_40, %max3A_42 : vector<1000x128xf32>
    %get3A_44 = arith.constant 0 : index
    %get3A_45 = arith.constant 0 : index
    %get3A_46 = vector.load %arg8[%get3A_44, %get3A_45] : memref<1000x1xf32, #tpu.memory_space<vmem>>, vector<1000x1xf32>
    %get3A_47 = arith.constant 0 : index
    %get3A_48 = arith.constant 0 : index
    %get3A_49 = vector.load %arg7[%get3A_47, %get3A_48] : memref<1x128xf32, #tpu.memory_space<vmem>>, vector<1x128xf32>
    %mul3A = vector.broadcast %get3A_49 : vector<1x128xf32> to vector<1000x128xf32>
    %mul3A_50 = arith.mulf %max3A_43, %mul3A : vector<1000x128xf32>
    %reduce_sum3A = arith.constant dense<0.000000e+00> : vector<1000xf32>
    %reduce_sum3A_51 = vector.multi_reduction <add>, %mul3A_50, %reduce_sum3A [1] : vector<1000x128xf32> to vector<1000xf32>
    %broadcast_in_dim3A = vector.shape_cast %reduce_sum3A_51 : vector<1000xf32> to vector<1000x1xf32>
    %add3A_52 = arith.addf %get3A_46, %broadcast_in_dim3A : vector<1000x1xf32>
    %slice3A = vector.extract_strided_slice %max3A_43 {offsets = [0, 0], sizes = [1000, 64], strides = [1, 1]} : vector<1000x128xf32> to vector<1000x64xf32>
    %swap3A = arith.constant 0 : index
    %swap3A_53 = arith.constant 0 : index
    %swap3A_54 = arith.constant 0 : index
    %swap3A_55 = vector.load %arg10[%swap3A, %swap3A_53, %swap3A_54] : memref<2x1000x64xf32, #tpu.memory_space<vmem>>, vector<1x1000x64xf32>
    %swap3A_56 = vector.shape_cast %swap3A_55 : vector<1x1000x64xf32> to vector<1000x64xf32>
    %swap3A_57 = vector.shape_cast %slice3A : vector<1000x64xf32> to vector<1x1000x64xf32>
    tpu.vector_store %arg10[%swap3A, %swap3A_53, %swap3A_54], %swap3A_57 {strides = array<i32>} : memref<2x1000x64xf32, #tpu.memory_space<vmem>>, vector<1x1000x64xf32>,
    %slice3A_58 = vector.extract_strided_slice %max3A_43 {offsets = [0, 64], sizes = [1000, 64], strides = [1, 1]} : vector<1000x128xf32> to vector<1000x64xf32>
    %swap3A_59 = arith.constant 1 : index
    %swap3A_60 = arith.constant 0 : index
    %swap3A_61 = arith.constant 0 : index
    %swap3A_62 = vector.load %arg10[%swap3A_59, %swap3A_60, %swap3A_61] : memref<2x1000x64xf32, #tpu.memory_space<vmem>>, vector<1x1000x64xf32>
    %swap3A_63 = vector.shape_cast %swap3A_62 : vector<1x1000x64xf32> to vector<1000x64xf32>
    %swap3A_64 = vector.shape_cast %slice3A_58 : vector<1000x64xf32> to vector<1x1000x64xf32>
    tpu.vector_store %arg10[%swap3A_59, %swap3A_60, %swap3A_61], %swap3A_64 {strides = array<i32>} : memref<2x1000x64xf32, #tpu.memory_space<vmem>>, vector<1x1000x64xf32>,
    %swap3A_65 = arith.constant 0 : index
    %swap3A_66 = arith.constant 0 : index
    %swap3A_67 = vector.load %arg11[%swap3A_65, %swap3A_66] : memref<1000x1xf32, #tpu.memory_space<vmem>>, vector<1000x1xf32>
    tpu.vector_store %arg11[%swap3A_65, %swap3A_66], %add3A_52 {strides = array<i32>} : memref<1000x1xf32, #tpu.memory_space<vmem>>, vector<1000x1xf32>,
    return
  }
  func.func @transform_0(%arg0: i32) -> (i32, i32, i32) {
    %c0_i32 = arith.constant 0 : i32
    %c0_i32_0 = arith.constant 0 : i32
    %c0_i32_1 = arith.constant 0 : i32
    return %c0_i32, %arg0, %c0_i32_0 : i32, i32, i32
  }
  func.func @transform_1(%arg0: i32) -> (i32, i32, i32) {
    %c0_i32 = arith.constant 0 : i32
    %c0_i32_0 = arith.constant 0 : i32
    %c0_i32_1 = arith.constant 0 : i32
    return %c0_i32, %arg0, %c0_i32_0 : i32, i32, i32
  }
  func.func @transform_2(%arg0: i32) -> (i32, i32) {
    %c0_i32 = arith.constant 0 : i32
    %c0_i32_0 = arith.constant 0 : i32
    %c0_i32_1 = arith.constant 0 : i32
    return %c0_i32, %c0_i32_0 : i32, i32
  }
  func.func @transform_3(%arg0: i32) -> (i32, i32) {
    %c0_i32 = arith.constant 0 : i32
    %c0_i32_0 = arith.constant 0 : i32
    %c0_i32_1 = arith.constant 0 : i32
    return %c0_i32, %c0_i32_0 : i32, i32
  }
  func.func @transform_4(%arg0: i32) -> (i32, i32) {
    %c0_i32 = arith.constant 0 : i32
    %c0_i32_0 = arith.constant 0 : i32
    %c0_i32_1 = arith.constant 0 : i32
    return %c0_i32, %c0_i32_0 : i32, i32
  }
  func.func @transform_5(%arg0: i32) -> (i32, i32) {
    %c0_i32 = arith.constant 0 : i32
    %c0_i32_0 = arith.constant 0 : i32
    %c0_i32_1 = arith.constant 0 : i32
    return %c0_i32, %c0_i32_0 : i32, i32
  }
  func.func @transform_6(%arg0: i32) -> (i32, i32) {
    %c0_i32 = arith.constant 0 : i32
    %c0_i32_0 = arith.constant 0 : i32
    %c0_i32_1 = arith.constant 0 : i32
    return %c0_i32, %c0_i32_0 : i32, i32
  }
  func.func @transform_7(%arg0: i32) -> (i32, i32) {
    %c0_i32 = arith.constant 0 : i32
    %c0_i32_0 = arith.constant 0 : i32
    return %arg0, %c0_i32 : i32, i32
  }
  func.func @transform_8(%arg0: i32) -> (i32, i32) {
    %c0_i32 = arith.constant 0 : i32
    %c0_i32_0 = arith.constant 0 : i32
    %c0_i32_1 = arith.constant 0 : i32
    return %c0_i32, %c0_i32_0 : i32, i32
  }
  func.func @transform_9(%arg0: i32) -> (i32, i32, i32) {
    %c0_i32 = arith.constant 0 : i32
    %c0_i32_0 = arith.constant 0 : i32
    %c0_i32_1 = arith.constant 0 : i32
    return %c0_i32, %arg0, %c0_i32_0 : i32, i32, i32
  }
  func.func @transform_10(%arg0: i32) -> (i32, i32) {
    %c0_i32 = arith.constant 0 : i32
    %c0_i32_0 = arith.constant 0 : i32
    return %arg0, %c0_i32 : i32, i32
  }
}

module attributes {stable_mosaic.version = 14 : i64} {
  func.func @_last_body(%arg0: i32, %arg1: memref<2x1000x64xf32, #tpu.memory_space<vmem>>, %arg2: memref<2x1000x64xf32, #tpu.memory_space<vmem>>, %arg3: memref<128x128xf32, #tpu.memory_space<vmem>>, %arg4: memref<1x128xf32, #tpu.memory_space<vmem>>, %arg5: memref<128x128xf32, #tpu.memory_space<vmem>>, %arg6: memref<1x128xf32, #tpu.memory_space<vmem>>, %arg7: memref<1x128xf32, #tpu.memory_space<vmem>>, %arg8: memref<1000x1xf32, #tpu.memory_space<vmem>>, %arg9: memref<1x1xf32, #tpu.memory_space<vmem>>, %arg10: memref<1000x1xf32, #tpu.memory_space<vmem>>) attributes {dimension_semantics = [#tpu.dimension_semantics<parallel>], iteration_bounds = array<i64: 10>, scalar_prefetch = 0 : i64, scratch_operands = 0 : i64, tpu.core_type = #tpu.core_type<tc>, window_params = [{transform_indices = @transform_0, window_bounds = array<i64: 2, 1000, 64>}, {transform_indices = @transform_1, window_bounds = array<i64: 2, 1000, 64>}, {pipeline_mode = #tpu.pipeline_mode<synchronous>, transform_indices = @transform_2, window_bounds = array<i64: 128, 128>}, {pipeline_mode = #tpu.pipeline_mode<synchronous>, transform_indices = @transform_3, window_bounds = array<i64: 1, 128>}, {pipeline_mode = #tpu.pipeline_mode<synchronous>, transform_indices = @transform_4, window_bounds = array<i64: 128, 128>}, {pipeline_mode = #tpu.pipeline_mode<synchronous>, transform_indices = @transform_5, window_bounds = array<i64: 1, 128>}, {pipeline_mode = #tpu.pipeline_mode<synchronous>, transform_indices = @transform_6, window_bounds = array<i64: 1, 128>}, {transform_indices = @transform_7, window_bounds = array<i64: 1000, 1>}, {pipeline_mode = #tpu.pipeline_mode<synchronous>, transform_indices = @transform_8, window_bounds = array<i64: 1, 1>}, {transform_indices = @transform_9, window_bounds = array<i64: 1000, 1>}]} {
    %get3A = arith.constant 0 : index
    %get3A_0 = arith.constant 0 : index
    %get3A_1 = arith.constant 0 : index
    %get3A_2 = vector.load %arg1[%get3A, %get3A_0, %get3A_1] : memref<2x1000x64xf32, #tpu.memory_space<vmem>>, vector<1x1000x64xf32>
    %get3A_3 = vector.shape_cast %get3A_2 : vector<1x1000x64xf32> to vector<1000x64xf32>
    %get3A_4 = arith.constant 0 : index
    %get3A_5 = arith.constant 0 : index
    %get3A_6 = arith.constant 0 : index
    %get3A_7 = vector.load %arg2[%get3A_4, %get3A_5, %get3A_6] : memref<2x1000x64xf32, #tpu.memory_space<vmem>>, vector<1x1000x64xf32>
    %get3A_8 = vector.shape_cast %get3A_7 : vector<1x1000x64xf32> to vector<1000x64xf32>
    %add3A = arith.addf %get3A_3, %get3A_8 : vector<1000x64xf32>
    %get3A_9 = arith.constant 1 : index
    %get3A_10 = arith.constant 0 : index
    %get3A_11 = arith.constant 0 : index
    %get3A_12 = vector.load %arg1[%get3A_9, %get3A_10, %get3A_11] : memref<2x1000x64xf32, #tpu.memory_space<vmem>>, vector<1x1000x64xf32>
    %get3A_13 = vector.shape_cast %get3A_12 : vector<1x1000x64xf32> to vector<1000x64xf32>
    %get3A_14 = arith.constant 1 : index
    %get3A_15 = arith.constant 0 : index
    %get3A_16 = arith.constant 0 : index
    %get3A_17 = vector.load %arg2[%get3A_14, %get3A_15, %get3A_16] : memref<2x1000x64xf32, #tpu.memory_space<vmem>>, vector<1x1000x64xf32>
    %get3A_18 = vector.shape_cast %get3A_17 : vector<1x1000x64xf32> to vector<1000x64xf32>
    %add3A_19 = arith.addf %get3A_13, %get3A_18 : vector<1000x64xf32>
    %concatenate3A = tpu.concatenate %add3A, %add3A_19 in 1 : vector<1000x64xf32>, vector<1000x64xf32> -> vector<1000x128xf32>
    %get3A_20 = arith.constant 0 : index
    %get3A_21 = arith.constant 0 : index
    %get3A_22 = vector.load %arg3[%get3A_20, %get3A_21] : memref<128x128xf32, #tpu.memory_space<vmem>>, vector<128x128xf32>
    %dot_general3A = arith.constant dense<0.000000e+00> : vector<1000x128xf32>
    %dot_general3A_23 = tpu.matmul %concatenate3A, %get3A_22, %dot_general3A {dimension_numbers = #tpu.dot_dimension_numbers<[1], [0], [0], [1], [0, 0, 1, 1], [], []>, transpose_lhs_hint = false} : vector<1000x128xf32>, vector<128x128xf32>, vector<1000x128xf32> -> vector<1000x128xf32>
    %get3A_24 = arith.constant 0 : index
    %get3A_25 = arith.constant 0 : index
    %get3A_26 = vector.load %arg4[%get3A_24, %get3A_25] : memref<1x128xf32, #tpu.memory_space<vmem>>, vector<1x128xf32>
    %add3A_27 = vector.broadcast %get3A_26 : vector<1x128xf32> to vector<1000x128xf32>
    %add3A_28 = arith.addf %dot_general3A_23, %add3A_27 : vector<1000x128xf32>
    %max3A = arith.constant 0.000000e+00 : f32
    %max3A_29 = vector.broadcast %max3A : f32 to vector<1000x128xf32>
    %max3A_30 = arith.maximumf %add3A_28, %max3A_29 : vector<1000x128xf32>
    %get3A_31 = arith.constant 0 : index
    %get3A_32 = arith.constant 0 : index
    %get3A_33 = vector.load %arg5[%get3A_31, %get3A_32] : memref<128x128xf32, #tpu.memory_space<vmem>>, vector<128x128xf32>
    %dot_general3A_34 = arith.constant dense<0.000000e+00> : vector<1000x128xf32>
    %dot_general3A_35 = tpu.matmul %max3A_30, %get3A_33, %dot_general3A_34 {dimension_numbers = #tpu.dot_dimension_numbers<[1], [0], [0], [1], [0, 0, 1, 1], [], []>, transpose_lhs_hint = false} : vector<1000x128xf32>, vector<128x128xf32>, vector<1000x128xf32> -> vector<1000x128xf32>
    %get3A_36 = arith.constant 0 : index
    %get3A_37 = arith.constant 0 : index
    %get3A_38 = vector.load %arg6[%get3A_36, %get3A_37] : memref<1x128xf32, #tpu.memory_space<vmem>>, vector<1x128xf32>
    %add3A_39 = vector.broadcast %get3A_38 : vector<1x128xf32> to vector<1000x128xf32>
    %add3A_40 = arith.addf %dot_general3A_35, %add3A_39 : vector<1000x128xf32>
    %get3A_41 = arith.constant 0 : index
    %get3A_42 = arith.constant 0 : index
    %get3A_43 = vector.load %arg8[%get3A_41, %get3A_42] : memref<1000x1xf32, #tpu.memory_space<vmem>>, vector<1000x1xf32>
    %get3A_44 = arith.constant 0 : index
    %get3A_45 = arith.constant 0 : index
    %get3A_46 = vector.load %arg7[%get3A_44, %get3A_45] : memref<1x128xf32, #tpu.memory_space<vmem>>, vector<1x128xf32>
    %mul3A = vector.broadcast %get3A_46 : vector<1x128xf32> to vector<1000x128xf32>
    %mul3A_47 = arith.mulf %add3A_40, %mul3A : vector<1000x128xf32>
    %reduce_sum3A = arith.constant dense<0.000000e+00> : vector<1000xf32>
    %reduce_sum3A_48 = vector.multi_reduction <add>, %mul3A_47, %reduce_sum3A [1] : vector<1000x128xf32> to vector<1000xf32>
    %broadcast_in_dim3A = vector.shape_cast %reduce_sum3A_48 : vector<1000xf32> to vector<1000x1xf32>
    %add3A_49 = arith.addf %get3A_43, %broadcast_in_dim3A : vector<1000x1xf32>
    %get3A_50 = arith.constant 0 : index
    %get3A_51 = arith.constant 0 : index
    %get3A_52 = vector.load %arg9[%get3A_50, %get3A_51] : memref<1x1xf32, #tpu.memory_space<vmem>>, vector<1x1xf32>
    %add3A_53 = vector.broadcast %get3A_52 : vector<1x1xf32> to vector<1000x1xf32>
    %add3A_54 = arith.addf %add3A_49, %add3A_53 : vector<1000x1xf32>
    %logistic3A = arith.negf %add3A_54 : vector<1000x1xf32>
    %logistic3A_55 = math.exp %logistic3A : vector<1000x1xf32>
    %logistic3A_56 = arith.constant 1.000000e+00 : f32
    %logistic3A_57 = vector.broadcast %logistic3A_56 : f32 to vector<1000x1xf32>
    %logistic3A_58 = arith.addf %logistic3A_57, %logistic3A_55 : vector<1000x1xf32>
    %logistic3A_59 = arith.divf %logistic3A_57, %logistic3A_58 : vector<1000x1xf32>
    %swap3A = arith.constant 0 : index
    %swap3A_60 = arith.constant 0 : index
    %swap3A_61 = vector.load %arg10[%swap3A, %swap3A_60] : memref<1000x1xf32, #tpu.memory_space<vmem>>, vector<1000x1xf32>
    tpu.vector_store %arg10[%swap3A, %swap3A_60], %logistic3A_59 {strides = array<i32>} : memref<1000x1xf32, #tpu.memory_space<vmem>>, vector<1000x1xf32>,
    return
  }
  func.func @transform_0(%arg0: i32) -> (i32, i32, i32) {
    %c0_i32 = arith.constant 0 : i32
    %c0_i32_0 = arith.constant 0 : i32
    %c0_i32_1 = arith.constant 0 : i32
    return %c0_i32, %arg0, %c0_i32_0 : i32, i32, i32
  }
  func.func @transform_1(%arg0: i32) -> (i32, i32, i32) {
    %c0_i32 = arith.constant 0 : i32
    %c0_i32_0 = arith.constant 0 : i32
    %c0_i32_1 = arith.constant 0 : i32
    return %c0_i32, %arg0, %c0_i32_0 : i32, i32, i32
  }
  func.func @transform_2(%arg0: i32) -> (i32, i32) {
    %c0_i32 = arith.constant 0 : i32
    %c0_i32_0 = arith.constant 0 : i32
    %c0_i32_1 = arith.constant 0 : i32
    return %c0_i32, %c0_i32_0 : i32, i32
  }
  func.func @transform_3(%arg0: i32) -> (i32, i32) {
    %c0_i32 = arith.constant 0 : i32
    %c0_i32_0 = arith.constant 0 : i32
    %c0_i32_1 = arith.constant 0 : i32
    return %c0_i32, %c0_i32_0 : i32, i32
  }
  func.func @transform_4(%arg0: i32) -> (i32, i32) {
    %c0_i32 = arith.constant 0 : i32
    %c0_i32_0 = arith.constant 0 : i32
    %c0_i32_1 = arith.constant 0 : i32
    return %c0_i32, %c0_i32_0 : i32, i32
  }
  func.func @transform_5(%arg0: i32) -> (i32, i32) {
    %c0_i32 = arith.constant 0 : i32
    %c0_i32_0 = arith.constant 0 : i32
    %c0_i32_1 = arith.constant 0 : i32
    return %c0_i32, %c0_i32_0 : i32, i32
  }
  func.func @transform_6(%arg0: i32) -> (i32, i32) {
    %c0_i32 = arith.constant 0 : i32
    %c0_i32_0 = arith.constant 0 : i32
    %c0_i32_1 = arith.constant 0 : i32
    return %c0_i32, %c0_i32_0 : i32, i32
  }
  func.func @transform_7(%arg0: i32) -> (i32, i32) {
    %c0_i32 = arith.constant 0 : i32
    %c0_i32_0 = arith.constant 0 : i32
    return %arg0, %c0_i32 : i32, i32
  }
  func.func @transform_8(%arg0: i32) -> (i32, i32) {
    %c0_i32 = arith.constant 0 : i32
    %c0_i32_0 = arith.constant 0 : i32
    %c0_i32_1 = arith.constant 0 : i32
    return %c0_i32, %c0_i32_0 : i32, i32
  }
  func.func @transform_9(%arg0: i32) -> (i32, i32) {
    %c0_i32 = arith.constant 0 : i32
    %c0_i32_0 = arith.constant 0 : i32
    return %arg0, %c0_i32 : i32, i32
  }
}

</mosaic_0001>

<sc_bundles>
// kernel: kernel.11.cloned.1.call-start
scs
__scs_entry_jumppad:
0x0: {  	(pc) =	sbr.rel $0x88, $3  }
0x1: {  	(tag) =	ssettag $0x0;
	lr =	simm.s32 $0x1  }
0x2: {  	[smem:$0x3F91] =	sst lr;
	_ =	strace $0xD0000000  }
0x3: {  	_ = 	snop  }
0x4: {  	_ = 	snop  }
0x5: {  	_ = 	snop  }
0x6: {  	_ = 	snop  }
0x7: {  	_ = 	snop  }
__scs_overlays_trampoline_lowered:
0x8: {  	[smem:$0x3FA0] =	sst s0  }
0x9: {  	[smem:$0x3FA1] =	sst s1  }
0xa: {  	[smem:$0x3FA2] =	sst s2  }
0xb: {  	[smem:$0x3FA3] =	sst s3  }
0xc: {  	[smem:$0x3FA4] =	sst s4  }
0xd: {  	[smem:$0x3FA5] =	sst s5  }
0xe: {  	[smem:$0x3FA6] =	sst s6  }
0xf: {  	[smem:$0x3FA7] =	sst s7  }
0x10: {  	[smem:$0x3FA8] =	sst s8  }
0x11: {  	[smem:$0x3FA9] =	sst s9;
	s0 =	simm.s32 @!p0 $0x0  }
0x12: {  	s1 =	sld [smem:$0x3F8F];
	s0 =	simm.s32 @p0 $0x1  }
0x13: {  	[smem:$0x3FAA] =	sst s0;
	s0 =	simm.s32 @!p1 $0x0  }
0x14: {  	s2 =	sld [smem:$0x3F8E];
	s0 =	simm.s32 @p1 $0x1  }
0x15: {  	[smem:$0x3FAB] =	sst s0;
	s0 =	simm.s32 @!p2 $0x0  }
0x16: {  	s3 =	sld [smem:$0x3FDB];
	s0 =	simm.s32 @p2 $0x1  }
0x17: {  	s4 =	simm.s32 $0x1BF5;
	[smem:$0x3FAD] =	sst s0  }
0x18: {  	s0 =	sld [smem:$0x3F90];
	_ =	swait.ge [sflag:s4], $0x0  }
0x19: {  	s7 =	sld [smem:$0x3F91]  }
0x1a: {  	s8 =	sadd.s32 $0xFFFFE003, lr  }
0x1b: {  	s9 =	sadd.s32 $0xFFFFFEF7, lr;
	s5 =	simm.s32 $0xFFFFFFFF;
	p2 =	slt.u32 s8, $0xFFFFF086  }
0x1c: {  	p1 =	slt.u32 s9, $0xF7A;
	s5 =	simm.s32 @!p2 $0x0  }
0x1d: {  	s5 =	simm.s32 @p1 $0x1;
	p0 =	seq.s32 s7, s2  }
0x1e: {  	s7 =	smul.u32 @!p0 $0xF7A, s2;
	p2 =	seq.s32 @!p0 s5, $0x0  }
0x1f: {  	s9 =	smul.u32 $0xF7A, s1;
	s8 =	simm.s32 @!p0 $0x1BF5;
	p2 =	por !p2, p0  }
0x20: {  	[sflag:s8] =	ssyncset.s32 @!p0 $0xFFFFF086;
	s6 =	sadd.s32 @!p0 s3, s7;
	s7 =	simm.s32 @!p0 $0x108  }
0x21: {  	s3 =	sadd.s32 s3, s9;
	s6 =	sadd.s32 @!p0 $0x88, s6;
	s7 =	simm.s32 @p2 $0x1082  }
0x22: {  	[simem:s7], [sflag:s8] =	dma.local @!p0 [hbm:s6], $0xF7A  }
0x23: {  	s9 =	sor.u32 $0xD0000000, s2;
	s6 =	simm.s32 $0x108;
	_ =	swait.ge @!p0 [sflag:s8], $0x0  }
0x24: {  	s3 =	sadd.s32 $0x88, s3;
	s6 =	simm.s32 @!p1 $0x1082;
	[sflag:s4] =	ssyncset.s32 $0xFFFFF086  }
0x25: {  	[simem:s6], [sflag:s4] =	dma.local [hbm:s3], $0xF7A  }
0x26: {  	[smem:$0x3F91] =	sst s1;
	(tag) =	ssettag s2;
	_ =	strace s9  }
0x27: {  	s1 =	sld [smem:$0x3FA1]  }
0x28: {  	s2 =	sld [smem:$0x3FA2]  }
0x29: {  	s4 =	sld [smem:$0x3FA4]  }
0x2a: {  	p0 =	seq.s32 s5, $0x0;
	s5 =	sld [smem:$0x3FA5]  }
0x2b: {  	s6 =	sld [smem:$0x3FA6]  }
0x2c: {  	s7 =	sld [smem:$0x3FA7]  }
0x2d: {  	s3 =	simm.s32 $0x108;
	s8 =	sld [smem:$0x3FA8]  }
0x2e: {  	s3 =	simm.s32 @!p0 $0x1082;
	s9 =	sld [smem:$0x3FA9]  }
0x2f: {  	lr =	sadd.s32 s0, s3;
	s0 =	sld [smem:$0x3FA0]  }
0x30: {  	s3 =	sld [smem:$0x3FA3]  }
0x31: {  	[smem:$0x3FAC] =	sst s10  }
0x32: {  	s10 =	sld [smem:$0x3FAA];
	_ =	sdelay $0x3  }
0x33: {  	p0 =	seq.s32 s10, $0x1;
	s10 =	sld [smem:$0x3FAC];
	_ =	sdelay $0x3  }
0x34: {  	[smem:$0x3FAC] =	sst s10  }
0x35: {  	s10 =	sld [smem:$0x3FAB];
	_ =	sdelay $0x3  }
0x36: {  	p1 =	seq.s32 s10, $0x1;
	s10 =	sld [smem:$0x3FAC];
	_ =	sdelay $0x3  }
0x37: {  	[smem:$0x3FAC] =	sst s10  }
0x38: {  	s10 =	sld [smem:$0x3FAD]  }
0x39: {  	_ = 	snop;
	(pc) =	sbr.ind lr, $3  }
0x3a: {  	_ = 	snop  }
0x3b: {  	_ = 	snop  }
0x3c: {  	p2 =	seq.s32 s10, $0x1;
	s10 =	sld [smem:$0x3FAC]  }
0x3d: {  	_ =	shalt  }
0x3e: {  	_ =	shalt  }
0x3f: {  	_ =	shalt  }
0x40: {  	_ =	shalt  }
0x41: {  	_ =	shalt  }
0x42: {  	_ =	shalt  }
0x43: {  	_ =	shalt  }
0x44: {  	_ =	shalt  }
0x45: {  	_ =	shalt  }
0x46: {  	_ =	shalt  }
0x47: {  	_ =	shalt  }
0x48: {  	_ =	shalt  }
0x49: {  	_ =	shalt  }
0x4a: {  	_ =	shalt  }
0x4b: {  	_ =	shalt  }
0x4c: {  	_ =	shalt  }
0x4d: {  	_ =	shalt  }
0x4e: {  	_ =	shalt  }
0x4f: {  	_ =	shalt  }
0x50: {  	_ =	shalt  }
0x51: {  	_ =	shalt  }
0x52: {  	_ =	shalt  }
0x53: {  	_ =	shalt  }
0x54: {  	_ =	shalt  }
0x55: {  	_ =	shalt  }
0x56: {  	_ =	shalt  }
0x57: {  	_ =	shalt  }
0x58: {  	_ =	shalt  }
0x59: {  	_ =	shalt  }
0x5a: {  	_ =	shalt  }
0x5b: {  	_ =	shalt  }
0x5c: {  	_ =	shalt  }
0x5d: {  	_ =	shalt  }
0x5e: {  	_ =	shalt  }
0x5f: {  	_ =	shalt  }
0x60: {  	_ =	shalt  }
0x61: {  	_ =	shalt  }
0x62: {  	_ =	shalt  }
0x63: {  	_ =	shalt  }
0x64: {  	_ =	shalt  }
0x65: {  	_ =	shalt  }
0x66: {  	_ =	shalt  }
0x67: {  	_ =	shalt  }
0x68: {  	_ =	shalt  }
0x69: {  	_ =	shalt  }
0x6a: {  	_ =	shalt  }
0x6b: {  	_ =	shalt  }
0x6c: {  	_ =	shalt  }
0x6d: {  	_ =	shalt  }
0x6e: {  	_ =	shalt  }
0x6f: {  	_ =	shalt  }
0x70: {  	_ =	shalt  }
0x71: {  	_ =	shalt  }
0x72: {  	_ =	shalt  }
0x73: {  	_ =	shalt  }
0x74: {  	_ =	shalt  }
0x75: {  	_ =	shalt  }
0x76: {  	_ =	shalt  }
0x77: {  	_ =	shalt  }
0x78: {  	_ =	shalt  }
0x79: {  	_ =	shalt  }
0x7a: {  	_ =	shalt  }
0x7b: {  	_ =	shalt  }
0x7c: {  	_ =	shalt  }
0x7d: {  	_ =	shalt  }
0x7e: {  	_ =	shalt  }
0x7f: {  	_ =	shalt  }
0x80: {  	_ =	shalt  }
0x81: {  	_ =	shalt  }
0x82: {  	_ =	shalt  }
0x83: {  	_ =	shalt  }
0x84: {  	_ =	shalt  }
0x85: {  	_ =	shalt  }
0x86: {  	_ =	shalt  }
0x87: {  	_ =	shalt  }
.Lfunc_end0:
.L_simem_size_0:
called_computation.1_lowered:
.L_overlay_start_0:
0x88: {  	s2 =	sld [smem:$0x3FD9]  }
0x89: {  	s3 =	sld [smem:$0x3FFE];
	_ =	sdelay $0x1  }
0x8a: {  	s1 =	srdreg.scid  }
0x8b: {  	s0 =	sand.u32 $0x1, s1  }
0x8c: {  	s16 =	sshll.u32 s0, $0xA;
	s2 =	sadd.s32 s3, s2  }
0x8d: {  	s2 =	sadd.s32 s2, s16  }
0x8e: {  	[smem:$0x3FB8] =	sst s2  }
0x8f: {  	_ = 	snop  }
0x90: {  	(tm) =	ssettm $0x1  }
0x91: {  	s17 =	sld [smem:$0x3FFB];
	_ =	sdelay $0x3  }
0x92: {  	_ =	strace s17  }
0x93: {  	s2 =	sld [smem:$0x3FFC];
	_ =	sdelay $0x3  }
0x94: {  	_ =	strace s2  }
0x95: {  	s2 =	sld [smem:$0x3FFD];
	_ =	sdelay $0x3  }
0x96: {  	_ =	strace s2  }
0x97: {  	_ =	strace $0x8FFFFFFF  }
0x98: {  	s18 =	sld [smem:$0x3FDB];
	_ =	sdelay $0x1  }
0x99: {  	s19 =	simm.s32 $_scs_section_size  }
0x9a: {  	s4 =	simm.s32 $_size__tile_overlayer_lowered;
	s5 =	simm.s32 $_tile_overlayer_lowered  }
0x9b: {  	s22 =	simm.s32 $0x1BFF;
	s21 =	sshll.u32 s5, $0x1;
	s2 =	sadd.s32 s19, s18  }
0x9c: {  	s6 =	simm.s32 $0x0;
	s20 =	sshll.u32 s4, $0x1;
	s4 =	sadd.s32 s21, s2  }
0x9d: {  	[timem:s6], [sflag:s22] =	dma.local [hbm:s4], s20  }
0x9e: {  	_ =	swait.ge [sflag:s22], s20  }
0x9f: {  	s3 =	ssub.s32 $0x0, s20;
	[sflag:s22] =	ssyncset.done $0x0  }
0xa0: {  	[sflag:s22] =	ssyncadd.s32 s3;
	_ =	sdelay $0x1  }
0xa1: {  	s23 =	simm.s32 $0x1B8B  }
0xa2: {  	_ =	swait.ge [sflag:s23], $0x1  }
0xa3: {  	[sflag:s23] =	ssyncset.done $0x0  }
0xa4: {  	s25 =	simm.s32 $0x1B8E;
	s24 =	sld [smem:$0x3FFE];
	[sflag:s23] =	ssyncadd.s32 $0xFFFFFFFF  }
0xa5: {  	s26 =	simm.s32 $execute0_lowered;
	[smem:$0x3FD2] =	sst s25  }
0xa6: {  	s4 =	sshll.u32 s26, $0x1;
	_ =	strace $0x80000049;
	[dreg:$0x1] =	wrdreg $0xFFFFFFFF  }
0xa7: {  	s28 =	simm.s32 $_size_execute0_lowered;
	s2 =	sadd.s32 s2, s4;
	[dreg:$0x0] =	wrdreg $0x0  }
0xa8: {  	s4 =	sshll.u32 s28, $0x1;
	[dreg:$0x2] =	wrdreg s2  }
0xa9: {  	[dreg:$0x3] =	wrdreg s4  }
0xaa: {  	[dreg:$0x4] =	wrdreg $0xC0  }
0xab: {  	_ =	task [dreg:s6], $0x5FFFF  }
0xac: {  	[dreg:$0x1] =	wrdreg $0xFFFFFFFF  }
0xad: {  	[dreg:$0x0] =	wrdreg $0x60  }
0xae: {  	[dreg:$0x2] =	wrdreg s24  }
0xaf: {  	[dreg:$0x3] =	wrdreg $0x11DC00  }
0xb0: {  	[dreg:$0x4] =	wrdreg $0x9  }
0xb1: {  	_ =	task.clear_ibuf [dreg:s6], $0x5FFFF;
	_ =	strace $0x90000049  }
0xb2: {  	s29 =	simm.s32 $0x9;
	_ =	strace $0x8000004B  }
0xb3: {  	_ =	swait.ge [sflag:s29], $0x1  }
0xb4: {  	[sflag:s29] =	ssyncadd.s32 $0xFFFFFFFF  }
0xb5: {  	_ =	strace $0x9000004B  }
0xb6: {  	_ =	sfence  }
0xb7: {  	s30 =	sld [smem:$0x0];
	_ =	sdelay $0x2  }
0xb8: {  	s31 =	sshll.u32 s1, $0xD;
	s1 =	sshrl.u32 s1, $0x2  }
0xb9: {  	s3 =	sand.u32 $0x4000, s31;
	s1 =	sadd.s32 s1, s30  }
0xba: {  	s0 =	sor.u32 s3, s0;
	s1 =	sshll.u32 s1, $0x11  }
0xbb: {  	s0 =	sor.u32 s1, s0  }
0xbc: {  	s0 =	sadd.s32 $0x8F2B, s0  }
0xbd: {  	[sflag:s0] =	ssyncadd.remote.s32 $0x1  }
0xbe: {  	_ =	sfence.sel $0xFFFF  }
0xbf: {  	[dreg:$0x0] =	wrdreg $0xFFFFFFFF;
	(pc) =	sbr.abs _section_cstart, $3  }
0xc0: {  	[dreg:$0x1] =	wrdreg $0xFFFFFFFF  }
0xc1: {  	_ =	task.clear_ibuf [dreg:s6], $0x2FFFF;
	_ =	strace $0x9FFFFFFF  }
0xc2: {  	(tm) =	ssettm $0x7FFFFFFF  }
0xc3: {  	_ =	shalt  }
tec
execute0_lowered:
.L_overlay_start_1:
0x0: {  	(tag) =	ssettag $0x1  }
0x1: {  	s0 =	srdreg.scid  }
0x2: {  	s1 =	rddreg [dreg:$0x0];
	s8 =	stileid.u32  }
0x3: {  	s2 =	rddreg [dreg:$0x1];
	s3 =	simm.s32 $0x0;
	s14 =	simm.s32 $0xFDC0  }
0x4: {  	s15 =	simm.s32 $0x5;
	s16 =	simm.s32 $0x5000;
	s5 =	smul.u32 $0x5000, s8  }
0x5: {  	s17 =	simm.s32 $0x7D;
	s18 =	simm.s32 $0xA000;
	s6 =	smul.u32 $0xA000, s8  }
0x6: {  	s28 =	simm.s32 $0x180;
	s0 =	sand.u32 $0x1, s0;
	s22 =	smul.u32 $0x28000, s8  }
0x7: {  	s29 =	simm.s32 $0x3;
	s30 =	simm.s32 $0x5100;
	s4 =	smul.u32 $0x13880, s0  }
0x8: {  	s31 =	simm.s32 $0x200;
	[smem:$0x7FF] =	sst s3;
	s7 =	smul.u32 $0xA0000, s0  }
0x9: {  	_ =	strace $0x8000004A;
	s0 =	ssub.s32 $0x2, s0;
	s20 =	sshrl.u32 s5, $0x3  }
0xa: {  	s24 =	sshrl.u32 s0, $0x1;
	s25 =	sshrl.u32 s22, $0x2;
	s11 =	sadd.s32 s4, s1  }
0xb: {  	s21 =	sadd.s32 s6, s7;
	s10 =	sadd.s32 s20, s1;
	s0 =	ssub.s32 s0, s24  }
0xc: {  	s4 =	sadd.s32 s6, s2;
	s26 =	sadd.s32 s25, s2;
	s20 =	simm.s32 $0xBF40  }
0xd: {  	s24 =	simm.s32 $0x2;
	s25 =	simm.s32 $0x4;
	s23 =	sshrl.u32 s21, $0x3  }
.Ltmp0:
0xe: {  	s5 =	sadd.s32 $0x2000, s26;
	s6 =	sadd.s32 $0x4000, s26;
	(pc) =	sbr.rel .LBB2_1-.Ltmp0, $4  }
0xf: {  	s7 =	sadd.s32 $0x6000, s26;
	s8 =	sadd.s32 $0x8000, s26;
	s9 =	sadd.s32 $0x78200, s10  }
0x10: {  	s10 =	sadd.s32 $0x82200, s10;
	s11 =	sadd.s32 $0x51000, s11;
	s13 =	smax.u32 s0, $0x1  }
0x11: {  	s21 =	simm.s32 $0x1;
	s26 =	simm.s32 $0x5080;
	s1 =	sadd.s32 s23, s1  }
0x12: {  	v0 =	vimm.f32 $0.0e+00;
	s23 =	simm.s32 $0xDE80;
	s12 =	sadd.s32 $0x8C200, s1;
	s1 =	simm.s32 $0x9F80  }
.LBB2_6:
0x13: {  	_ =	swait.ge [sflag:s21], $0x1F40  }
0x14: {  	[sflag:s21] =	ssyncset.done $0x0  }
0x15: {  	[sflag:s21] =	ssyncadd.s32 $0xFFFFE0C0  }
0x16: {  	_ =	swait.ge [sflag:s25], $0x1F40  }
0x17: {  	[sflag:s25] =	ssyncset.done $0x0  }
0x18: {  	[sflag:s25] =	ssyncadd.s32 $0xFFFFE0C0  }
0x19: {  	[spmem:s2] =	stream.indirect.scatter.add.f32 [tilespmem:s18], [sflag:$0x4], $0x40, s1, s17, $0xb8;
	[tilespmem:$0x1BDC0] =	vst v63  }
0x1a: {  	s0 =	stileid.u32;
	_ =	swait.ge [sflag:s25], $0x1F40  }
0x1b: {  	s19 =	sshrl.u32 s4, $0x3;
	s3 =	sadd.s32 $0x1, s3;
	[sflag:s25] =	ssyncset.done $0x0  }
0x1c: {  	s0 =	sshll.u32 s0, $0x6;
	p0 =	sne.s32 s3, s13;
	[sflag:s25] =	ssyncadd.s32 $0xFFFFE0C0  }
.Ltmp1:
0x1d: {  	s0 =	sor.u32 $0x1C05, s0;
	[bflag:$0x0] =	sbarrier.arrive $0xFFFF;
	(pc) =	sbr.rel @!p0 .LBB2_7-.Ltmp1, $4  }
0x1e: {  	[hbm:s12], [sflag:s0] =	dma.local [spmem:s19], $0x1400  }
0x1f: {  	_ =	swait.ge [sflag:s15], $0x1400  }
0x20: {  	[sflag:s15] =	ssyncset.done $0x0  }
0x21: {  	[sflag:s15] =	ssyncadd.s32 $0xFFFFEC00  }
.LBB2_1:
0x22: {  	s19 =	simm.s32 $0x100;
	s0 =	simm.s32 $0x0  }
.LBB2_2:
0x23: {  	p0 =	sne.s32 s19, $0x7F00;
	[tilespmem:s0+$0xFDF0] =	vst v0;
	s22 =	smov.u32 s19;
	s19 =	sadd.s32 $0x100, s19  }
.Ltmp2:
0x24: {  	[tilespmem:s0+$0xFDE0] =	vst v0;
	(pc) =	sbr.rel @p0 .LBB2_2-.Ltmp2, $3  }
0x25: {  	[tilespmem:s0+$0xFDC0] =	vst v0  }
0x26: {  	[tilespmem:s0+$0xFDD0] =	vst v0;
	_ =	sdelay $0x1  }
0x27: {  	s0 =	sshra.s32 s22, $0x2  }
0x28: {  	[tilespmem:s0+$0xFDF0] =	vst v0  }
0x29: {  	[tilespmem:s0+$0xFDE0] =	vst v0  }
0x2a: {  	[tilespmem:s0+$0xFDC0] =	vst v0  }
0x2b: {  	[tilespmem:s0+$0xFDD0] =	vst v0  }
0x2c: {  	[spmem:s4] =	stream.linear.scatter [tilespmem:s14], [sflag:$0x5], $0x2000, $0x38;
	[tilespmem:$0x1BDC0] =	vst v63  }
0x2d: {  	_ =	swait.ge [sflag:s15], $0x2000  }
0x2e: {  	[sflag:s15] =	ssyncset.done $0x0  }
0x2f: {  	[sflag:s15] =	ssyncadd.s32 $0xFFFFE000  }
0x30: {  	[spmem:s5] =	stream.linear.scatter [tilespmem:s14], [sflag:$0x5], $0x2000, $0x38;
	[tilespmem:$0x1BDC0] =	vst v63  }
0x31: {  	_ =	swait.ge [sflag:s15], $0x2000  }
0x32: {  	[sflag:s15] =	ssyncset.done $0x0  }
0x33: {  	[sflag:s15] =	ssyncadd.s32 $0xFFFFE000  }
0x34: {  	[spmem:s6] =	stream.linear.scatter [tilespmem:s14], [sflag:$0x5], $0x2000, $0x38;
	[tilespmem:$0x1BDC0] =	vst v63  }
0x35: {  	_ =	swait.ge [sflag:s15], $0x2000  }
0x36: {  	[sflag:s15] =	ssyncset.done $0x0  }
0x37: {  	[sflag:s15] =	ssyncadd.s32 $0xFFFFE000  }
0x38: {  	[spmem:s7] =	stream.linear.scatter [tilespmem:s14], [sflag:$0x5], $0x2000, $0x38;
	[tilespmem:$0x1BDC0] =	vst v63  }
0x39: {  	_ =	swait.ge [sflag:s15], $0x2000  }
0x3a: {  	[sflag:s15] =	ssyncset.done $0x0  }
0x3b: {  	[sflag:s15] =	ssyncadd.s32 $0xFFFFE000  }
0x3c: {  	[spmem:s8] =	stream.linear.scatter [tilespmem:s14], [sflag:$0x5], $0x2000, $0x38;
	[tilespmem:$0x1BDC0] =	vst v63  }
0x3d: {  	_ =	swait.ge [sflag:s15], $0x2000  }
0x3e: {  	[sflag:s15] =	ssyncset.done $0x0  }
0x3f: {  	[sflag:s15] =	ssyncadd.s32 $0xFFFFE000  }
0x40: {  	s0 =	simm.s32 $0x0;
	[bflag:$0x0] =	sbarrier.arrive $0xFFFF  }
0x41: {  	[tilespmem:s0], [sflag:$0x5] =	stream.linear.gather [hbm4b:s9+s0], $0x5000, $0x38;
	[tilespmem:$0x1BDC0] =	vst v63  }
0x42: {  	_ =	swait.ge [sflag:s15], $0x5000  }
0x43: {  	[sflag:s15] =	ssyncset.done $0x0  }
0x44: {  	[sflag:s15] =	ssyncadd.s32 $0xFFFFB000  }
0x45: {  	[tilespmem:s16], [sflag:$0x5] =	stream.linear.gather [hbm4b:s10+s0], $0x5000, $0x38;
	[tilespmem:$0x1BDC0] =	vst v63  }
0x46: {  	_ =	swait.ge [sflag:s15], $0x5000  }
0x47: {  	[sflag:s15] =	ssyncset.done $0x0  }
0x48: {  	[sflag:s15] =	ssyncadd.s32 $0xFFFFB000  }
0x49: {  	[tilespmem:s18], [sflag:$0x1] =	stream.indirect.gather [hbm4b:s11+s17], $0x40, s0, s17, $0xb8;
	[tilespmem:$0x1BDC0] =	vst v63  }
0x4a: {  	s19 =	simm.s32 $0x80  }
0x4b: {  	[tilespmem:s20], [sflag:$0x2] =	stream.indirect.gather [hbm4b:s11+s17], $0x40, s19, s17, $0xb8;
	[tilespmem:$0x1BDC0] =	vst v63  }
0x4c: {  	_ =	swait.ge [sflag:s21], $0x1F40  }
0x4d: {  	[sflag:s21] =	ssyncset.done $0x0  }
0x4e: {  	[sflag:s21] =	ssyncadd.s32 $0xFFFFE0C0  }
0x4f: {  	[spmem:s2] =	stream.indirect.scatter.add.f32 [tilespmem:s18], [sflag:$0x4], $0x40, s16, s17, $0xb8;
	[tilespmem:$0x1BDC0] =	vst v63  }
0x50: {  	s22 =	simm.s32 $0x100  }
0x51: {  	[tilespmem:s23], [sflag:$0x3] =	stream.indirect.gather [hbm4b:s11+s17], $0x40, s22, s17, $0xb8;
	[tilespmem:$0x1BDC0] =	vst v63  }
0x52: {  	_ =	swait.ge [sflag:s24], $0x1F40  }
0x53: {  	[sflag:s24] =	ssyncset.done $0x0  }
0x54: {  	[sflag:s24] =	ssyncadd.s32 $0xFFFFE0C0  }
0x55: {  	_ =	swait.ge [sflag:s25], $0x1F40  }
0x56: {  	[sflag:s25] =	ssyncset.done $0x0  }
0x57: {  	[sflag:s25] =	ssyncadd.s32 $0xFFFFE0C0  }
0x58: {  	[spmem:s2] =	stream.indirect.scatter.add.f32 [tilespmem:s20], [sflag:$0x4], $0x40, s26, s17, $0xb8;
	[tilespmem:$0x1BDC0] =	vst v63  }
0x59: {  	_ = 	snop  }
0x5a: {  	[tilespmem:s18], [sflag:$0x1] =	stream.indirect.gather [hbm4b:s11+s17], $0x40, s28, s17, $0xb8;
	[tilespmem:$0x1BDC0] =	vst v63  }
0x5b: {  	_ =	swait.ge [sflag:s29], $0x1F40  }
0x5c: {  	[sflag:s29] =	ssyncset.done $0x0  }
0x5d: {  	[sflag:s29] =	ssyncadd.s32 $0xFFFFE0C0  }
0x5e: {  	_ =	swait.ge [sflag:s25], $0x1F40  }
0x5f: {  	[sflag:s25] =	ssyncset.done $0x0  }
0x60: {  	[sflag:s25] =	ssyncadd.s32 $0xFFFFE0C0  }
0x61: {  	[spmem:s2] =	stream.indirect.scatter.add.f32 [tilespmem:s23], [sflag:$0x4], $0x40, s30, s17, $0xb8;
	[tilespmem:$0x1BDC0] =	vst v63  }
0x62: {  	_ = 	snop  }
0x63: {  	[tilespmem:s20], [sflag:$0x2] =	stream.indirect.gather [hbm4b:s11+s17], $0x40, s31, s17, $0xb8;
	[tilespmem:$0x1BDC0] =	vst v63  }
.LBB2_4:
0x64: {  	_ =	swait.ge [sflag:s21], $0x1F40  }
0x65: {  	[sflag:s21] =	ssyncset.done $0x0  }
0x66: {  	[sflag:s21] =	ssyncadd.s32 $0xFFFFE0C0  }
0x67: {  	_ =	swait.ge [sflag:s25], $0x1F40  }
0x68: {  	s19 =	sshra.s32 s0, $0x2;
	[sflag:s25] =	ssyncset.done $0x0  }
0x69: {  	s22 =	sadd.s32 $0x5180, s19;
	[sflag:s25] =	ssyncadd.s32 $0xFFFFE0C0  }
0x6a: {  	[spmem:s2] =	stream.indirect.scatter.add.f32 [tilespmem:s18], [sflag:$0x4], $0x40, s22, s17, $0xb8;
	[tilespmem:$0x1BDC0] =	vst v63  }
0x6b: {  	s22 =	sadd.s32 $0x280, s19  }
0x6c: {  	[tilespmem:s23], [sflag:$0x3] =	stream.indirect.gather [hbm4b:s11+s17], $0x40, s22, s17, $0xb8;
	[tilespmem:$0x1BDC0] =	vst v63  }
0x6d: {  	_ =	swait.ge [sflag:s24], $0x1F40  }
0x6e: {  	[sflag:s24] =	ssyncset.done $0x0  }
0x6f: {  	[sflag:s24] =	ssyncadd.s32 $0xFFFFE0C0  }
0x70: {  	_ =	swait.ge [sflag:s25], $0x1F40  }
0x71: {  	[sflag:s25] =	ssyncset.done $0x0  }
0x72: {  	s22 =	sadd.s32 $0x5200, s19;
	[sflag:s25] =	ssyncadd.s32 $0xFFFFE0C0  }
0x73: {  	[spmem:s2] =	stream.indirect.scatter.add.f32 [tilespmem:s20], [sflag:$0x4], $0x40, s22, s17, $0xb8;
	[tilespmem:$0x1BDC0] =	vst v63  }
0x74: {  	s22 =	sadd.s32 $0x300, s19  }
0x75: {  	[tilespmem:s18], [sflag:$0x1] =	stream.indirect.gather [hbm4b:s11+s17], $0x40, s22, s17, $0xb8;
	[tilespmem:$0x1BDC0] =	vst v63  }
0x76: {  	_ =	swait.ge [sflag:s29], $0x1F40  }
0x77: {  	p0 =	seq.s32 s0, $0x13200;
	[sflag:s29] =	ssyncset.done $0x0  }
.Ltmp3:
0x78: {  	[sflag:s29] =	ssyncadd.s32 $0xFFFFE0C0;
	(pc) =	sbr.rel @p0 .LBB2_6-.Ltmp3, $4  }
0x79: {  	_ =	swait.ge [sflag:s25], $0x1F40  }
0x7a: {  	[sflag:s25] =	ssyncset.done $0x0  }
0x7b: {  	s22 =	sadd.s32 $0x5280, s19;
	[sflag:s25] =	ssyncadd.s32 $0xFFFFE0C0  }
0x7c: {  	[spmem:s2] =	stream.indirect.scatter.add.f32 [tilespmem:s23], [sflag:$0x4], $0x40, s22, s17, $0xb8;
	[tilespmem:$0x1BDC0] =	vst v63  }
.Ltmp4:
0x7d: {  	(pc) =	sbr.rel .LBB2_4-.Ltmp4, $3  }
0x7e: {  	_ =	sdelay $0x1  }
0x7f: {  	s19 =	sadd.s32 $0x380, s19;
	s0 =	sadd.s32 $0x600, s0  }
0x80: {  	[tilespmem:s20], [sflag:$0x2] =	stream.indirect.gather [hbm4b:s11+s17], $0x40, s19, s17, $0xb8;
	[tilespmem:$0x1BDC0] =	vst v63  }
.LBB2_7:
0x81: {  	_ =	sfence.sel $0x180000  }
0x82: {  	[bflag:$0x0] =	sbarrier.arrive $0xFFFF  }
0x83: {  	_ =	strace $0x9000004A  }
0x84: {  	s0 =	stileid.u32;
	[bflag:$0x2] =	sbarrier.arrive $0xFFFF  }
0x85: {  	p0 =	sne.s32 s0, $0x0;
	s0 =	rddreg [dreg:$0x2]  }
0x86: {  	s0 =	sadd.s32 @!p0 $0x100000, s0  }
0x87: {  	[sflag:s0] =	ssyncadd.tile.s32 @!p0 $0x1;
	_ =	shalt  }
.Lfunc_end2:
_tile_overlayer_lowered:
.L_overlay_start_2:
0x88: {  	(tag) =	ssettag $0x2  }
0x89: {  	s0 =	rddreg [dreg:$0x0];
	s2 =	stileid.u32  }
0x8a: {  	s1 =	rddreg [dreg:$0x1];
	p0 =	sne.s32 s2, $0x0  }
0x8b: {  	s3 =	rddreg [dreg:$0x2];
	[bflag:$0x3] =	sbarrier.arrive $0xFFFF;
	s2 =	simm.s32 @!p0 $0x1C05  }
0x8c: {  	[timem:s3], [sflag:s2] =	dma.local @!p0 [hbm:s0], s1  }
0x8d: {  	s0 =	simm.s32 @!p0 $0x5  }
0x8e: {  	_ =	swait.ge @!p0 [sflag:s0], s1  }
0x8f: {  	s1 =	ssub.s32 @!p0 $0x0, s1;
	[sflag:s0] =	ssyncset.done @!p0 $0x0  }
0x90: {  	[sflag:s0] =	ssyncadd.s32 @!p0 s1  }
0x91: {  	[bflag:$0x3] =	sbarrier.arrive $0xFFFF  }
0x92: {  	_ =	shalt  }

// kernel: kernel.14.cloned.1.call-start
scs
__scs_entry_jumppad:
0x0: {  	(pc) =	sbr.rel $0x88, $3  }
0x1: {  	(tag) =	ssettag $0x0;
	lr =	simm.s32 $0x1  }
0x2: {  	[smem:$0x3F91] =	sst lr;
	_ =	strace $0xD0000000  }
0x3: {  	_ = 	snop  }
0x4: {  	_ = 	snop  }
0x5: {  	_ = 	snop  }
0x6: {  	_ = 	snop  }
0x7: {  	_ = 	snop  }
__scs_overlays_trampoline_lowered:
0x8: {  	[smem:$0x3FA0] =	sst s0  }
0x9: {  	[smem:$0x3FA1] =	sst s1  }
0xa: {  	[smem:$0x3FA2] =	sst s2  }
0xb: {  	[smem:$0x3FA3] =	sst s3  }
0xc: {  	[smem:$0x3FA4] =	sst s4  }
0xd: {  	[smem:$0x3FA5] =	sst s5  }
0xe: {  	[smem:$0x3FA6] =	sst s6  }
0xf: {  	[smem:$0x3FA7] =	sst s7  }
0x10: {  	[smem:$0x3FA8] =	sst s8  }
0x11: {  	[smem:$0x3FA9] =	sst s9;
	s0 =	simm.s32 @!p0 $0x0  }
0x12: {  	s1 =	sld [smem:$0x3F8F];
	s0 =	simm.s32 @p0 $0x1  }
0x13: {  	[smem:$0x3FAA] =	sst s0;
	s0 =	simm.s32 @!p1 $0x0  }
0x14: {  	s2 =	sld [smem:$0x3F8E];
	s0 =	simm.s32 @p1 $0x1  }
0x15: {  	[smem:$0x3FAB] =	sst s0;
	s0 =	simm.s32 @!p2 $0x0  }
0x16: {  	s3 =	sld [smem:$0x3FDB];
	s0 =	simm.s32 @p2 $0x1  }
0x17: {  	s4 =	simm.s32 $0x1BF5;
	[smem:$0x3FAD] =	sst s0  }
0x18: {  	s0 =	sld [smem:$0x3F90];
	_ =	swait.ge [sflag:s4], $0x0  }
0x19: {  	s7 =	sld [smem:$0x3F91]  }
0x1a: {  	s8 =	sadd.s32 $0xFFFFE003, lr  }
0x1b: {  	s9 =	sadd.s32 $0xFFFFFEF7, lr;
	s5 =	simm.s32 $0xFFFFFFFF;
	p2 =	slt.u32 s8, $0xFFFFF086  }
0x1c: {  	p1 =	slt.u32 s9, $0xF7A;
	s5 =	simm.s32 @!p2 $0x0  }
0x1d: {  	s5 =	simm.s32 @p1 $0x1;
	p0 =	seq.s32 s7, s2  }
0x1e: {  	s7 =	smul.u32 @!p0 $0xF7A, s2;
	p2 =	seq.s32 @!p0 s5, $0x0  }
0x1f: {  	s9 =	smul.u32 $0xF7A, s1;
	s8 =	simm.s32 @!p0 $0x1BF5;
	p2 =	por !p2, p0  }
0x20: {  	[sflag:s8] =	ssyncset.s32 @!p0 $0xFFFFF086;
	s6 =	sadd.s32 @!p0 s3, s7;
	s7 =	simm.s32 @!p0 $0x108  }
0x21: {  	s3 =	sadd.s32 s3, s9;
	s6 =	sadd.s32 @!p0 $0x88, s6;
	s7 =	simm.s32 @p2 $0x1082  }
0x22: {  	[simem:s7], [sflag:s8] =	dma.local @!p0 [hbm:s6], $0xF7A  }
0x23: {  	s9 =	sor.u32 $0xD0000000, s2;
	s6 =	simm.s32 $0x108;
	_ =	swait.ge @!p0 [sflag:s8], $0x0  }
0x24: {  	s3 =	sadd.s32 $0x88, s3;
	s6 =	simm.s32 @!p1 $0x1082;
	[sflag:s4] =	ssyncset.s32 $0xFFFFF086  }
0x25: {  	[simem:s6], [sflag:s4] =	dma.local [hbm:s3], $0xF7A  }
0x26: {  	[smem:$0x3F91] =	sst s1;
	(tag) =	ssettag s2;
	_ =	strace s9  }
0x27: {  	s1 =	sld [smem:$0x3FA1]  }
0x28: {  	s2 =	sld [smem:$0x3FA2]  }
0x29: {  	s4 =	sld [smem:$0x3FA4]  }
0x2a: {  	p0 =	seq.s32 s5, $0x0;
	s5 =	sld [smem:$0x3FA5]  }
0x2b: {  	s6 =	sld [smem:$0x3FA6]  }
0x2c: {  	s7 =	sld [smem:$0x3FA7]  }
0x2d: {  	s3 =	simm.s32 $0x108;
	s8 =	sld [smem:$0x3FA8]  }
0x2e: {  	s3 =	simm.s32 @!p0 $0x1082;
	s9 =	sld [smem:$0x3FA9]  }
0x2f: {  	lr =	sadd.s32 s0, s3;
	s0 =	sld [smem:$0x3FA0]  }
0x30: {  	s3 =	sld [smem:$0x3FA3]  }
0x31: {  	[smem:$0x3FAC] =	sst s10  }
0x32: {  	s10 =	sld [smem:$0x3FAA];
	_ =	sdelay $0x3  }
0x33: {  	p0 =	seq.s32 s10, $0x1;
	s10 =	sld [smem:$0x3FAC];
	_ =	sdelay $0x3  }
0x34: {  	[smem:$0x3FAC] =	sst s10  }
0x35: {  	s10 =	sld [smem:$0x3FAB];
	_ =	sdelay $0x3  }
0x36: {  	p1 =	seq.s32 s10, $0x1;
	s10 =	sld [smem:$0x3FAC];
	_ =	sdelay $0x3  }
0x37: {  	[smem:$0x3FAC] =	sst s10  }
0x38: {  	s10 =	sld [smem:$0x3FAD]  }
0x39: {  	_ = 	snop;
	(pc) =	sbr.ind lr, $3  }
0x3a: {  	_ = 	snop  }
0x3b: {  	_ = 	snop  }
0x3c: {  	p2 =	seq.s32 s10, $0x1;
	s10 =	sld [smem:$0x3FAC]  }
0x3d: {  	_ =	shalt  }
0x3e: {  	_ =	shalt  }
0x3f: {  	_ =	shalt  }
0x40: {  	_ =	shalt  }
0x41: {  	_ =	shalt  }
0x42: {  	_ =	shalt  }
0x43: {  	_ =	shalt  }
0x44: {  	_ =	shalt  }
0x45: {  	_ =	shalt  }
0x46: {  	_ =	shalt  }
0x47: {  	_ =	shalt  }
0x48: {  	_ =	shalt  }
0x49: {  	_ =	shalt  }
0x4a: {  	_ =	shalt  }
0x4b: {  	_ =	shalt  }
0x4c: {  	_ =	shalt  }
0x4d: {  	_ =	shalt  }
0x4e: {  	_ =	shalt  }
0x4f: {  	_ =	shalt  }
0x50: {  	_ =	shalt  }
0x51: {  	_ =	shalt  }
0x52: {  	_ =	shalt  }
0x53: {  	_ =	shalt  }
0x54: {  	_ =	shalt  }
0x55: {  	_ =	shalt  }
0x56: {  	_ =	shalt  }
0x57: {  	_ =	shalt  }
0x58: {  	_ =	shalt  }
0x59: {  	_ =	shalt  }
0x5a: {  	_ =	shalt  }
0x5b: {  	_ =	shalt  }
0x5c: {  	_ =	shalt  }
0x5d: {  	_ =	shalt  }
0x5e: {  	_ =	shalt  }
0x5f: {  	_ =	shalt  }
0x60: {  	_ =	shalt  }
0x61: {  	_ =	shalt  }
0x62: {  	_ =	shalt  }
0x63: {  	_ =	shalt  }
0x64: {  	_ =	shalt  }
0x65: {  	_ =	shalt  }
0x66: {  	_ =	shalt  }
0x67: {  	_ =	shalt  }
0x68: {  	_ =	shalt  }
0x69: {  	_ =	shalt  }
0x6a: {  	_ =	shalt  }
0x6b: {  	_ =	shalt  }
0x6c: {  	_ =	shalt  }
0x6d: {  	_ =	shalt  }
0x6e: {  	_ =	shalt  }
0x6f: {  	_ =	shalt  }
0x70: {  	_ =	shalt  }
0x71: {  	_ =	shalt  }
0x72: {  	_ =	shalt  }
0x73: {  	_ =	shalt  }
0x74: {  	_ =	shalt  }
0x75: {  	_ =	shalt  }
0x76: {  	_ =	shalt  }
0x77: {  	_ =	shalt  }
0x78: {  	_ =	shalt  }
0x79: {  	_ =	shalt  }
0x7a: {  	_ =	shalt  }
0x7b: {  	_ =	shalt  }
0x7c: {  	_ =	shalt  }
0x7d: {  	_ =	shalt  }
0x7e: {  	_ =	shalt  }
0x7f: {  	_ =	shalt  }
0x80: {  	_ =	shalt  }
0x81: {  	_ =	shalt  }
0x82: {  	_ =	shalt  }
0x83: {  	_ =	shalt  }
0x84: {  	_ =	shalt  }
0x85: {  	_ =	shalt  }
0x86: {  	_ =	shalt  }
0x87: {  	_ =	shalt  }
.Lfunc_end0:
.L_simem_size_0:
called_computation.2_lowered:
.L_overlay_start_0:
0x88: {  	s2 =	sld [smem:$0x3FD9]  }
0x89: {  	s3 =	sld [smem:$0x3FFE];
	_ =	sdelay $0x1  }
0x8a: {  	s1 =	srdreg.scid  }
0x8b: {  	s0 =	sand.u32 $0x1, s1  }
0x8c: {  	s16 =	sshll.u32 s0, $0xA;
	s2 =	sadd.s32 s3, s2  }
0x8d: {  	s2 =	sadd.s32 s2, s16  }
0x8e: {  	[smem:$0x3FB8] =	sst s2  }
0x8f: {  	_ = 	snop  }
0x90: {  	(tm) =	ssettm $0x1  }
0x91: {  	s17 =	sld [smem:$0x3FFB];
	_ =	sdelay $0x3  }
0x92: {  	_ =	strace s17  }
0x93: {  	s2 =	sld [smem:$0x3FFC];
	_ =	sdelay $0x3  }
0x94: {  	_ =	strace s2  }
0x95: {  	s2 =	sld [smem:$0x3FFD];
	_ =	sdelay $0x3  }
0x96: {  	_ =	strace s2  }
0x97: {  	_ =	strace $0x8FFFFFFF  }
0x98: {  	s18 =	sld [smem:$0x3FDB];
	_ =	sdelay $0x1  }
0x99: {  	s19 =	simm.s32 $_scs_section_size  }
0x9a: {  	s4 =	simm.s32 $_size__tile_overlayer_lowered;
	s5 =	simm.s32 $_tile_overlayer_lowered  }
0x9b: {  	s22 =	simm.s32 $0x1BFF;
	s21 =	sshll.u32 s5, $0x1;
	s2 =	sadd.s32 s19, s18  }
0x9c: {  	s6 =	simm.s32 $0x0;
	s20 =	sshll.u32 s4, $0x1;
	s4 =	sadd.s32 s21, s2  }
0x9d: {  	[timem:s6], [sflag:s22] =	dma.local [hbm:s4], s20  }
0x9e: {  	_ =	swait.ge [sflag:s22], s20  }
0x9f: {  	s3 =	ssub.s32 $0x0, s20;
	[sflag:s22] =	ssyncset.done $0x0  }
0xa0: {  	[sflag:s22] =	ssyncadd.s32 s3;
	_ =	sdelay $0x1  }
0xa1: {  	s23 =	simm.s32 $0x1B8B  }
0xa2: {  	_ =	swait.ge [sflag:s23], $0x1  }
0xa3: {  	[sflag:s23] =	ssyncset.done $0x0  }
0xa4: {  	s25 =	simm.s32 $0x1B8E;
	s24 =	sld [smem:$0x3FFE];
	[sflag:s23] =	ssyncadd.s32 $0xFFFFFFFF  }
0xa5: {  	s26 =	simm.s32 $execute0_lowered;
	[smem:$0x3FD2] =	sst s25  }
0xa6: {  	s4 =	sshll.u32 s26, $0x1;
	_ =	strace $0x8000004C;
	[dreg:$0x1] =	wrdreg $0xFFFFFFFF  }
0xa7: {  	s28 =	simm.s32 $_size_execute0_lowered;
	s2 =	sadd.s32 s2, s4;
	[dreg:$0x0] =	wrdreg $0x0  }
0xa8: {  	s4 =	sshll.u32 s28, $0x1;
	[dreg:$0x2] =	wrdreg s2  }
0xa9: {  	[dreg:$0x3] =	wrdreg s4  }
0xaa: {  	[dreg:$0x4] =	wrdreg $0xC0  }
0xab: {  	_ =	task [dreg:s6], $0x5FFFF  }
0xac: {  	[dreg:$0x1] =	wrdreg $0xFFFFFFFF  }
0xad: {  	[dreg:$0x0] =	wrdreg $0x60  }
0xae: {  	[dreg:$0x2] =	wrdreg s24  }
0xaf: {  	[dreg:$0x3] =	wrdreg $0x11DC00  }
0xb0: {  	[dreg:$0x4] =	wrdreg $0x9  }
0xb1: {  	_ =	task.clear_ibuf [dreg:s6], $0x5FFFF;
	_ =	strace $0x9000004C  }
0xb2: {  	s29 =	simm.s32 $0x9;
	_ =	strace $0x8000004E  }
0xb3: {  	_ =	swait.ge [sflag:s29], $0x1  }
0xb4: {  	[sflag:s29] =	ssyncadd.s32 $0xFFFFFFFF  }
0xb5: {  	_ =	strace $0x9000004E  }
0xb6: {  	_ =	sfence  }
0xb7: {  	s30 =	sld [smem:$0x0];
	_ =	sdelay $0x2  }
0xb8: {  	s31 =	sshll.u32 s1, $0xD;
	s1 =	sshrl.u32 s1, $0x2  }
0xb9: {  	s3 =	sand.u32 $0x4000, s31;
	s1 =	sadd.s32 s1, s30  }
0xba: {  	s0 =	sor.u32 s3, s0;
	s1 =	sshll.u32 s1, $0x11  }
0xbb: {  	s0 =	sor.u32 s1, s0  }
0xbc: {  	s0 =	sadd.s32 $0x8F2B, s0  }
0xbd: {  	[sflag:s0] =	ssyncadd.remote.s32 $0x1  }
0xbe: {  	_ =	sfence.sel $0xFFFF  }
0xbf: {  	[dreg:$0x0] =	wrdreg $0xFFFFFFFF;
	(pc) =	sbr.abs _section_cstart, $3  }
0xc0: {  	[dreg:$0x1] =	wrdreg $0xFFFFFFFF  }
0xc1: {  	_ =	task.clear_ibuf [dreg:s6], $0x2FFFF;
	_ =	strace $0x9FFFFFFF  }
0xc2: {  	(tm) =	ssettm $0x7FFFFFFF  }
0xc3: {  	_ =	shalt  }
tec
execute0_lowered:
.L_overlay_start_1:
0x0: {  	(tag) =	ssettag $0x1  }
0x1: {  	s0 =	srdreg.scid  }
0x2: {  	s1 =	rddreg [dreg:$0x0];
	s8 =	stileid.u32  }
0x3: {  	s2 =	rddreg [dreg:$0x1];
	s3 =	simm.s32 $0x0;
	s14 =	simm.s32 $0xFDC0  }
0x4: {  	s15 =	simm.s32 $0x5;
	s16 =	simm.s32 $0x5000;
	s5 =	smul.u32 $0x5000, s8  }
0x5: {  	s17 =	simm.s32 $0x7D;
	s18 =	simm.s32 $0xA000;
	s6 =	smul.u32 $0xA000, s8  }
0x6: {  	s28 =	simm.s32 $0x180;
	s0 =	sand.u32 $0x1, s0;
	s22 =	smul.u32 $0x28000, s8  }
0x7: {  	s29 =	simm.s32 $0x3;
	s30 =	simm.s32 $0x5100;
	s4 =	smul.u32 $0x13880, s0  }
0x8: {  	s31 =	simm.s32 $0x200;
	[smem:$0x7FF] =	sst s3;
	s7 =	smul.u32 $0xA0000, s0  }
0x9: {  	_ =	strace $0x8000004D;
	s0 =	ssub.s32 $0x2, s0;
	s20 =	sshrl.u32 s5, $0x3  }
0xa: {  	s24 =	sshrl.u32 s0, $0x1;
	s25 =	sshrl.u32 s22, $0x2;
	s11 =	sadd.s32 s4, s1  }
0xb: {  	s21 =	sadd.s32 s6, s7;
	s10 =	sadd.s32 s20, s1;
	s0 =	ssub.s32 s0, s24  }
0xc: {  	s4 =	sadd.s32 s6, s2;
	s26 =	sadd.s32 s25, s2;
	s20 =	simm.s32 $0xBF40  }
0xd: {  	s24 =	simm.s32 $0x2;
	s25 =	simm.s32 $0x4;
	s23 =	sshrl.u32 s21, $0x3  }
.Ltmp0:
0xe: {  	s5 =	sadd.s32 $0x2000, s26;
	s6 =	sadd.s32 $0x4000, s26;
	(pc) =	sbr.rel .LBB2_1-.Ltmp0, $4  }
0xf: {  	s7 =	sadd.s32 $0x6000, s26;
	s8 =	sadd.s32 $0x8000, s26;
	s9 =	sadd.s32 $0x78200, s10  }
0x10: {  	s10 =	sadd.s32 $0x82200, s10;
	s11 =	sadd.s32 $0x2E00, s11;
	s13 =	smax.u32 s0, $0x1  }
0x11: {  	s21 =	simm.s32 $0x1;
	s26 =	simm.s32 $0x5080;
	s1 =	sadd.s32 s23, s1  }
0x12: {  	v0 =	vimm.f32 $0.0e+00;
	s23 =	simm.s32 $0xDE80;
	s12 =	sadd.s32 $0x2A000, s1;
	s1 =	simm.s32 $0x9F80  }
.LBB2_6:
0x13: {  	_ =	swait.ge [sflag:s21], $0x1F40  }
0x14: {  	[sflag:s21] =	ssyncset.done $0x0  }
0x15: {  	[sflag:s21] =	ssyncadd.s32 $0xFFFFE0C0  }
0x16: {  	_ =	swait.ge [sflag:s25], $0x1F40  }
0x17: {  	[sflag:s25] =	ssyncset.done $0x0  }
0x18: {  	[sflag:s25] =	ssyncadd.s32 $0xFFFFE0C0  }
0x19: {  	[spmem:s2] =	stream.indirect.scatter.add.f32 [tilespmem:s18], [sflag:$0x4], $0x40, s1, s17, $0xb8;
	[tilespmem:$0x1BDC0] =	vst v63  }
0x1a: {  	s0 =	stileid.u32;
	_ =	swait.ge [sflag:s25], $0x1F40  }
0x1b: {  	s19 =	sshrl.u32 s4, $0x3;
	s3 =	sadd.s32 $0x1, s3;
	[sflag:s25] =	ssyncset.done $0x0  }
0x1c: {  	s0 =	sshll.u32 s0, $0x6;
	p0 =	sne.s32 s3, s13;
	[sflag:s25] =	ssyncadd.s32 $0xFFFFE0C0  }
.Ltmp1:
0x1d: {  	s0 =	sor.u32 $0x1C05, s0;
	[bflag:$0x0] =	sbarrier.arrive $0xFFFF;
	(pc) =	sbr.rel @!p0 .LBB2_7-.Ltmp1, $4  }
0x1e: {  	[hbm:s12], [sflag:s0] =	dma.local [spmem:s19], $0x1400  }
0x1f: {  	_ =	swait.ge [sflag:s15], $0x1400  }
0x20: {  	[sflag:s15] =	ssyncset.done $0x0  }
0x21: {  	[sflag:s15] =	ssyncadd.s32 $0xFFFFEC00  }
.LBB2_1:
0x22: {  	s19 =	simm.s32 $0x100;
	s0 =	simm.s32 $0x0  }
.LBB2_2:
0x23: {  	p0 =	sne.s32 s19, $0x7F00;
	[tilespmem:s0+$0xFDF0] =	vst v0;
	s22 =	smov.u32 s19;
	s19 =	sadd.s32 $0x100, s19  }
.Ltmp2:
0x24: {  	[tilespmem:s0+$0xFDE0] =	vst v0;
	(pc) =	sbr.rel @p0 .LBB2_2-.Ltmp2, $3  }
0x25: {  	[tilespmem:s0+$0xFDC0] =	vst v0  }
0x26: {  	[tilespmem:s0+$0xFDD0] =	vst v0;
	_ =	sdelay $0x1  }
0x27: {  	s0 =	sshra.s32 s22, $0x2  }
0x28: {  	[tilespmem:s0+$0xFDF0] =	vst v0  }
0x29: {  	[tilespmem:s0+$0xFDE0] =	vst v0  }
0x2a: {  	[tilespmem:s0+$0xFDC0] =	vst v0  }
0x2b: {  	[tilespmem:s0+$0xFDD0] =	vst v0  }
0x2c: {  	[spmem:s4] =	stream.linear.scatter [tilespmem:s14], [sflag:$0x5], $0x2000, $0x38;
	[tilespmem:$0x1BDC0] =	vst v63  }
0x2d: {  	_ =	swait.ge [sflag:s15], $0x2000  }
0x2e: {  	[sflag:s15] =	ssyncset.done $0x0  }
0x2f: {  	[sflag:s15] =	ssyncadd.s32 $0xFFFFE000  }
0x30: {  	[spmem:s5] =	stream.linear.scatter [tilespmem:s14], [sflag:$0x5], $0x2000, $0x38;
	[tilespmem:$0x1BDC0] =	vst v63  }
0x31: {  	_ =	swait.ge [sflag:s15], $0x2000  }
0x32: {  	[sflag:s15] =	ssyncset.done $0x0  }
0x33: {  	[sflag:s15] =	ssyncadd.s32 $0xFFFFE000  }
0x34: {  	[spmem:s6] =	stream.linear.scatter [tilespmem:s14], [sflag:$0x5], $0x2000, $0x38;
	[tilespmem:$0x1BDC0] =	vst v63  }
0x35: {  	_ =	swait.ge [sflag:s15], $0x2000  }
0x36: {  	[sflag:s15] =	ssyncset.done $0x0  }
0x37: {  	[sflag:s15] =	ssyncadd.s32 $0xFFFFE000  }
0x38: {  	[spmem:s7] =	stream.linear.scatter [tilespmem:s14], [sflag:$0x5], $0x2000, $0x38;
	[tilespmem:$0x1BDC0] =	vst v63  }
0x39: {  	_ =	swait.ge [sflag:s15], $0x2000  }
0x3a: {  	[sflag:s15] =	ssyncset.done $0x0  }
0x3b: {  	[sflag:s15] =	ssyncadd.s32 $0xFFFFE000  }
0x3c: {  	[spmem:s8] =	stream.linear.scatter [tilespmem:s14], [sflag:$0x5], $0x2000, $0x38;
	[tilespmem:$0x1BDC0] =	vst v63  }
0x3d: {  	_ =	swait.ge [sflag:s15], $0x2000  }
0x3e: {  	[sflag:s15] =	ssyncset.done $0x0  }
0x3f: {  	[sflag:s15] =	ssyncadd.s32 $0xFFFFE000  }
0x40: {  	s0 =	simm.s32 $0x0;
	[bflag:$0x0] =	sbarrier.arrive $0xFFFF  }
0x41: {  	[tilespmem:s0], [sflag:$0x5] =	stream.linear.gather [hbm4b:s9+s0], $0x5000, $0x38;
	[tilespmem:$0x1BDC0] =	vst v63  }
0x42: {  	_ =	swait.ge [sflag:s15], $0x5000  }
0x43: {  	[sflag:s15] =	ssyncset.done $0x0  }
0x44: {  	[sflag:s15] =	ssyncadd.s32 $0xFFFFB000  }
0x45: {  	[tilespmem:s16], [sflag:$0x5] =	stream.linear.gather [hbm4b:s10+s0], $0x5000, $0x38;
	[tilespmem:$0x1BDC0] =	vst v63  }
0x46: {  	_ =	swait.ge [sflag:s15], $0x5000  }
0x47: {  	[sflag:s15] =	ssyncset.done $0x0  }
0x48: {  	[sflag:s15] =	ssyncadd.s32 $0xFFFFB000  }
0x49: {  	[tilespmem:s18], [sflag:$0x1] =	stream.indirect.gather [hbm4b:s11+s17], $0x40, s0, s17, $0xb8;
	[tilespmem:$0x1BDC0] =	vst v63  }
0x4a: {  	s19 =	simm.s32 $0x80  }
0x4b: {  	[tilespmem:s20], [sflag:$0x2] =	stream.indirect.gather [hbm4b:s11+s17], $0x40, s19, s17, $0xb8;
	[tilespmem:$0x1BDC0] =	vst v63  }
0x4c: {  	_ =	swait.ge [sflag:s21], $0x1F40  }
0x4d: {  	[sflag:s21] =	ssyncset.done $0x0  }
0x4e: {  	[sflag:s21] =	ssyncadd.s32 $0xFFFFE0C0  }
0x4f: {  	[spmem:s2] =	stream.indirect.scatter.add.f32 [tilespmem:s18], [sflag:$0x4], $0x40, s16, s17, $0xb8;
	[tilespmem:$0x1BDC0] =	vst v63  }
0x50: {  	s22 =	simm.s32 $0x100  }
0x51: {  	[tilespmem:s23], [sflag:$0x3] =	stream.indirect.gather [hbm4b:s11+s17], $0x40, s22, s17, $0xb8;
	[tilespmem:$0x1BDC0] =	vst v63  }
0x52: {  	_ =	swait.ge [sflag:s24], $0x1F40  }
0x53: {  	[sflag:s24] =	ssyncset.done $0x0  }
0x54: {  	[sflag:s24] =	ssyncadd.s32 $0xFFFFE0C0  }
0x55: {  	_ =	swait.ge [sflag:s25], $0x1F40  }
0x56: {  	[sflag:s25] =	ssyncset.done $0x0  }
0x57: {  	[sflag:s25] =	ssyncadd.s32 $0xFFFFE0C0  }
0x58: {  	[spmem:s2] =	stream.indirect.scatter.add.f32 [tilespmem:s20], [sflag:$0x4], $0x40, s26, s17, $0xb8;
	[tilespmem:$0x1BDC0] =	vst v63  }
0x59: {  	_ = 	snop  }
0x5a: {  	[tilespmem:s18], [sflag:$0x1] =	stream.indirect.gather [hbm4b:s11+s17], $0x40, s28, s17, $0xb8;
	[tilespmem:$0x1BDC0] =	vst v63  }
0x5b: {  	_ =	swait.ge [sflag:s29], $0x1F40  }
0x5c: {  	[sflag:s29] =	ssyncset.done $0x0  }
0x5d: {  	[sflag:s29] =	ssyncadd.s32 $0xFFFFE0C0  }
0x5e: {  	_ =	swait.ge [sflag:s25], $0x1F40  }
0x5f: {  	[sflag:s25] =	ssyncset.done $0x0  }
0x60: {  	[sflag:s25] =	ssyncadd.s32 $0xFFFFE0C0  }
0x61: {  	[spmem:s2] =	stream.indirect.scatter.add.f32 [tilespmem:s23], [sflag:$0x4], $0x40, s30, s17, $0xb8;
	[tilespmem:$0x1BDC0] =	vst v63  }
0x62: {  	_ = 	snop  }
0x63: {  	[tilespmem:s20], [sflag:$0x2] =	stream.indirect.gather [hbm4b:s11+s17], $0x40, s31, s17, $0xb8;
	[tilespmem:$0x1BDC0] =	vst v63  }
.LBB2_4:
0x64: {  	_ =	swait.ge [sflag:s21], $0x1F40  }
0x65: {  	[sflag:s21] =	ssyncset.done $0x0  }
0x66: {  	[sflag:s21] =	ssyncadd.s32 $0xFFFFE0C0  }
0x67: {  	_ =	swait.ge [sflag:s25], $0x1F40  }
0x68: {  	s19 =	sshra.s32 s0, $0x2;
	[sflag:s25] =	ssyncset.done $0x0  }
0x69: {  	s22 =	sadd.s32 $0x5180, s19;
	[sflag:s25] =	ssyncadd.s32 $0xFFFFE0C0  }
0x6a: {  	[spmem:s2] =	stream.indirect.scatter.add.f32 [tilespmem:s18], [sflag:$0x4], $0x40, s22, s17, $0xb8;
	[tilespmem:$0x1BDC0] =	vst v63  }
0x6b: {  	s22 =	sadd.s32 $0x280, s19  }
0x6c: {  	[tilespmem:s23], [sflag:$0x3] =	stream.indirect.gather [hbm4b:s11+s17], $0x40, s22, s17, $0xb8;
	[tilespmem:$0x1BDC0] =	vst v63  }
0x6d: {  	_ =	swait.ge [sflag:s24], $0x1F40  }
0x6e: {  	[sflag:s24] =	ssyncset.done $0x0  }
0x6f: {  	[sflag:s24] =	ssyncadd.s32 $0xFFFFE0C0  }
0x70: {  	_ =	swait.ge [sflag:s25], $0x1F40  }
0x71: {  	[sflag:s25] =	ssyncset.done $0x0  }
0x72: {  	s22 =	sadd.s32 $0x5200, s19;
	[sflag:s25] =	ssyncadd.s32 $0xFFFFE0C0  }
0x73: {  	[spmem:s2] =	stream.indirect.scatter.add.f32 [tilespmem:s20], [sflag:$0x4], $0x40, s22, s17, $0xb8;
	[tilespmem:$0x1BDC0] =	vst v63  }
0x74: {  	s22 =	sadd.s32 $0x300, s19  }
0x75: {  	[tilespmem:s18], [sflag:$0x1] =	stream.indirect.gather [hbm4b:s11+s17], $0x40, s22, s17, $0xb8;
	[tilespmem:$0x1BDC0] =	vst v63  }
0x76: {  	_ =	swait.ge [sflag:s29], $0x1F40  }
0x77: {  	p0 =	seq.s32 s0, $0x13200;
	[sflag:s29] =	ssyncset.done $0x0  }
.Ltmp3:
0x78: {  	[sflag:s29] =	ssyncadd.s32 $0xFFFFE0C0;
	(pc) =	sbr.rel @p0 .LBB2_6-.Ltmp3, $4  }
0x79: {  	_ =	swait.ge [sflag:s25], $0x1F40  }
0x7a: {  	[sflag:s25] =	ssyncset.done $0x0  }
0x7b: {  	s22 =	sadd.s32 $0x5280, s19;
	[sflag:s25] =	ssyncadd.s32 $0xFFFFE0C0  }
0x7c: {  	[spmem:s2] =	stream.indirect.scatter.add.f32 [tilespmem:s23], [sflag:$0x4], $0x40, s22, s17, $0xb8;
	[tilespmem:$0x1BDC0] =	vst v63  }
.Ltmp4:
0x7d: {  	(pc) =	sbr.rel .LBB2_4-.Ltmp4, $3  }
0x7e: {  	_ =	sdelay $0x1  }
0x7f: {  	s19 =	sadd.s32 $0x380, s19;
	s0 =	sadd.s32 $0x600, s0  }
0x80: {  	[tilespmem:s20], [sflag:$0x2] =	stream.indirect.gather [hbm4b:s11+s17], $0x40, s19, s17, $0xb8;
	[tilespmem:$0x1BDC0] =	vst v63  }
.LBB2_7:
0x81: {  	_ =	sfence.sel $0x180000  }
0x82: {  	[bflag:$0x0] =	sbarrier.arrive $0xFFFF  }
0x83: {  	_ =	strace $0x9000004D  }
0x84: {  	s0 =	stileid.u32;
	[bflag:$0x2] =	sbarrier.arrive $0xFFFF  }
0x85: {  	p0 =	sne.s32 s0, $0x0;
	s0 =	rddreg [dreg:$0x2]  }
0x86: {  	s0 =	sadd.s32 @!p0 $0x100000, s0  }
0x87: {  	[sflag:s0] =	ssyncadd.tile.s32 @!p0 $0x1;
	_ =	shalt  }
.Lfunc_end2:
_tile_overlayer_lowered:
.L_overlay_start_2:
0x88: {  	(tag) =	ssettag $0x2  }
0x89: {  	s0 =	rddreg [dreg:$0x0];
	s2 =	stileid.u32  }
0x8a: {  	s1 =	rddreg [dreg:$0x1];
	p0 =	sne.s32 s2, $0x0  }
0x8b: {  	s3 =	rddreg [dreg:$0x2];
	[bflag:$0x3] =	sbarrier.arrive $0xFFFF;
	s2 =	simm.s32 @!p0 $0x1C05  }
0x8c: {  	[timem:s3], [sflag:s2] =	dma.local @!p0 [hbm:s0], s1  }
0x8d: {  	s0 =	simm.s32 @!p0 $0x5  }
0x8e: {  	_ =	swait.ge @!p0 [sflag:s0], s1  }
0x8f: {  	s1 =	ssub.s32 @!p0 $0x0, s1;
	[sflag:s0] =	ssyncset.done @!p0 $0x0  }
0x90: {  	[sflag:s0] =	ssyncadd.s32 @!p0 s1  }
0x91: {  	[bflag:$0x3] =	sbarrier.arrive $0xFFFF  }
0x92: {  	_ =	shalt  }

// kernel: kernel.8.cloned.1.call-start
scs
__scs_entry_jumppad:
0x0: {  	(pc) =	sbr.rel $0x88, $3  }
0x1: {  	(tag) =	ssettag $0x0;
	lr =	simm.s32 $0x1  }
0x2: {  	[smem:$0x3F91] =	sst lr;
	_ =	strace $0xD0000000  }
0x3: {  	_ = 	snop  }
0x4: {  	_ = 	snop  }
0x5: {  	_ = 	snop  }
0x6: {  	_ = 	snop  }
0x7: {  	_ = 	snop  }
__scs_overlays_trampoline_lowered:
0x8: {  	[smem:$0x3FA0] =	sst s0  }
0x9: {  	[smem:$0x3FA1] =	sst s1  }
0xa: {  	[smem:$0x3FA2] =	sst s2  }
0xb: {  	[smem:$0x3FA3] =	sst s3  }
0xc: {  	[smem:$0x3FA4] =	sst s4  }
0xd: {  	[smem:$0x3FA5] =	sst s5  }
0xe: {  	[smem:$0x3FA6] =	sst s6  }
0xf: {  	[smem:$0x3FA7] =	sst s7  }
0x10: {  	[smem:$0x3FA8] =	sst s8  }
0x11: {  	[smem:$0x3FA9] =	sst s9;
	s0 =	simm.s32 @!p0 $0x0  }
0x12: {  	s1 =	sld [smem:$0x3F8F];
	s0 =	simm.s32 @p0 $0x1  }
0x13: {  	[smem:$0x3FAA] =	sst s0;
	s0 =	simm.s32 @!p1 $0x0  }
0x14: {  	s2 =	sld [smem:$0x3F8E];
	s0 =	simm.s32 @p1 $0x1  }
0x15: {  	[smem:$0x3FAB] =	sst s0;
	s0 =	simm.s32 @!p2 $0x0  }
0x16: {  	s3 =	sld [smem:$0x3FDB];
	s0 =	simm.s32 @p2 $0x1  }
0x17: {  	s4 =	simm.s32 $0x1BF5;
	[smem:$0x3FAD] =	sst s0  }
0x18: {  	s0 =	sld [smem:$0x3F90];
	_ =	swait.ge [sflag:s4], $0x0  }
0x19: {  	s7 =	sld [smem:$0x3F91]  }
0x1a: {  	s8 =	sadd.s32 $0xFFFFE003, lr  }
0x1b: {  	s9 =	sadd.s32 $0xFFFFFEF7, lr;
	s5 =	simm.s32 $0xFFFFFFFF;
	p2 =	slt.u32 s8, $0xFFFFF086  }
0x1c: {  	p1 =	slt.u32 s9, $0xF7A;
	s5 =	simm.s32 @!p2 $0x0  }
0x1d: {  	s5 =	simm.s32 @p1 $0x1;
	p0 =	seq.s32 s7, s2  }
0x1e: {  	s7 =	smul.u32 @!p0 $0xF7A, s2;
	p2 =	seq.s32 @!p0 s5, $0x0  }
0x1f: {  	s9 =	smul.u32 $0xF7A, s1;
	s8 =	simm.s32 @!p0 $0x1BF5;
	p2 =	por !p2, p0  }
0x20: {  	[sflag:s8] =	ssyncset.s32 @!p0 $0xFFFFF086;
	s6 =	sadd.s32 @!p0 s3, s7;
	s7 =	simm.s32 @!p0 $0x108  }
0x21: {  	s3 =	sadd.s32 s3, s9;
	s6 =	sadd.s32 @!p0 $0x88, s6;
	s7 =	simm.s32 @p2 $0x1082  }
0x22: {  	[simem:s7], [sflag:s8] =	dma.local @!p0 [hbm:s6], $0xF7A  }
0x23: {  	s9 =	sor.u32 $0xD0000000, s2;
	s6 =	simm.s32 $0x108;
	_ =	swait.ge @!p0 [sflag:s8], $0x0  }
0x24: {  	s3 =	sadd.s32 $0x88, s3;
	s6 =	simm.s32 @!p1 $0x1082;
	[sflag:s4] =	ssyncset.s32 $0xFFFFF086  }
0x25: {  	[simem:s6], [sflag:s4] =	dma.local [hbm:s3], $0xF7A  }
0x26: {  	[smem:$0x3F91] =	sst s1;
	(tag) =	ssettag s2;
	_ =	strace s9  }
0x27: {  	s1 =	sld [smem:$0x3FA1]  }
0x28: {  	s2 =	sld [smem:$0x3FA2]  }
0x29: {  	s4 =	sld [smem:$0x3FA4]  }
0x2a: {  	p0 =	seq.s32 s5, $0x0;
	s5 =	sld [smem:$0x3FA5]  }
0x2b: {  	s6 =	sld [smem:$0x3FA6]  }
0x2c: {  	s7 =	sld [smem:$0x3FA7]  }
0x2d: {  	s3 =	simm.s32 $0x108;
	s8 =	sld [smem:$0x3FA8]  }
0x2e: {  	s3 =	simm.s32 @!p0 $0x1082;
	s9 =	sld [smem:$0x3FA9]  }
0x2f: {  	lr =	sadd.s32 s0, s3;
	s0 =	sld [smem:$0x3FA0]  }
0x30: {  	s3 =	sld [smem:$0x3FA3]  }
0x31: {  	[smem:$0x3FAC] =	sst s10  }
0x32: {  	s10 =	sld [smem:$0x3FAA];
	_ =	sdelay $0x3  }
0x33: {  	p0 =	seq.s32 s10, $0x1;
	s10 =	sld [smem:$0x3FAC];
	_ =	sdelay $0x3  }
0x34: {  	[smem:$0x3FAC] =	sst s10  }
0x35: {  	s10 =	sld [smem:$0x3FAB];
	_ =	sdelay $0x3  }
0x36: {  	p1 =	seq.s32 s10, $0x1;
	s10 =	sld [smem:$0x3FAC];
	_ =	sdelay $0x3  }
0x37: {  	[smem:$0x3FAC] =	sst s10  }
0x38: {  	s10 =	sld [smem:$0x3FAD]  }
0x39: {  	_ = 	snop;
	(pc) =	sbr.ind lr, $3  }
0x3a: {  	_ = 	snop  }
0x3b: {  	_ = 	snop  }
0x3c: {  	p2 =	seq.s32 s10, $0x1;
	s10 =	sld [smem:$0x3FAC]  }
0x3d: {  	_ =	shalt  }
0x3e: {  	_ =	shalt  }
0x3f: {  	_ =	shalt  }
0x40: {  	_ =	shalt  }
0x41: {  	_ =	shalt  }
0x42: {  	_ =	shalt  }
0x43: {  	_ =	shalt  }
0x44: {  	_ =	shalt  }
0x45: {  	_ =	shalt  }
0x46: {  	_ =	shalt  }
0x47: {  	_ =	shalt  }
0x48: {  	_ =	shalt  }
0x49: {  	_ =	shalt  }
0x4a: {  	_ =	shalt  }
0x4b: {  	_ =	shalt  }
0x4c: {  	_ =	shalt  }
0x4d: {  	_ =	shalt  }
0x4e: {  	_ =	shalt  }
0x4f: {  	_ =	shalt  }
0x50: {  	_ =	shalt  }
0x51: {  	_ =	shalt  }
0x52: {  	_ =	shalt  }
0x53: {  	_ =	shalt  }
0x54: {  	_ =	shalt  }
0x55: {  	_ =	shalt  }
0x56: {  	_ =	shalt  }
0x57: {  	_ =	shalt  }
0x58: {  	_ =	shalt  }
0x59: {  	_ =	shalt  }
0x5a: {  	_ =	shalt  }
0x5b: {  	_ =	shalt  }
0x5c: {  	_ =	shalt  }
0x5d: {  	_ =	shalt  }
0x5e: {  	_ =	shalt  }
0x5f: {  	_ =	shalt  }
0x60: {  	_ =	shalt  }
0x61: {  	_ =	shalt  }
0x62: {  	_ =	shalt  }
0x63: {  	_ =	shalt  }
0x64: {  	_ =	shalt  }
0x65: {  	_ =	shalt  }
0x66: {  	_ =	shalt  }
0x67: {  	_ =	shalt  }
0x68: {  	_ =	shalt  }
0x69: {  	_ =	shalt  }
0x6a: {  	_ =	shalt  }
0x6b: {  	_ =	shalt  }
0x6c: {  	_ =	shalt  }
0x6d: {  	_ =	shalt  }
0x6e: {  	_ =	shalt  }
0x6f: {  	_ =	shalt  }
0x70: {  	_ =	shalt  }
0x71: {  	_ =	shalt  }
0x72: {  	_ =	shalt  }
0x73: {  	_ =	shalt  }
0x74: {  	_ =	shalt  }
0x75: {  	_ =	shalt  }
0x76: {  	_ =	shalt  }
0x77: {  	_ =	shalt  }
0x78: {  	_ =	shalt  }
0x79: {  	_ =	shalt  }
0x7a: {  	_ =	shalt  }
0x7b: {  	_ =	shalt  }
0x7c: {  	_ =	shalt  }
0x7d: {  	_ =	shalt  }
0x7e: {  	_ =	shalt  }
0x7f: {  	_ =	shalt  }
0x80: {  	_ =	shalt  }
0x81: {  	_ =	shalt  }
0x82: {  	_ =	shalt  }
0x83: {  	_ =	shalt  }
0x84: {  	_ =	shalt  }
0x85: {  	_ =	shalt  }
0x86: {  	_ =	shalt  }
0x87: {  	_ =	shalt  }
.Lfunc_end0:
.L_simem_size_0:
called_computation_lowered:
.L_overlay_start_0:
0x88: {  	s2 =	sld [smem:$0x3FD9]  }
0x89: {  	s3 =	sld [smem:$0x3FFE];
	_ =	sdelay $0x1  }
0x8a: {  	s1 =	srdreg.scid  }
0x8b: {  	s0 =	sand.u32 $0x1, s1  }
0x8c: {  	s16 =	sshll.u32 s0, $0xA;
	s2 =	sadd.s32 s3, s2  }
0x8d: {  	s2 =	sadd.s32 s2, s16  }
0x8e: {  	[smem:$0x3FB8] =	sst s2  }
0x8f: {  	_ = 	snop  }
0x90: {  	(tm) =	ssettm $0x1  }
0x91: {  	s17 =	sld [smem:$0x3FFB];
	_ =	sdelay $0x3  }
0x92: {  	_ =	strace s17  }
0x93: {  	s2 =	sld [smem:$0x3FFC];
	_ =	sdelay $0x3  }
0x94: {  	_ =	strace s2  }
0x95: {  	s2 =	sld [smem:$0x3FFD];
	_ =	sdelay $0x3  }
0x96: {  	_ =	strace s2  }
0x97: {  	_ =	strace $0x8FFFFFFF  }
0x98: {  	s18 =	sld [smem:$0x3FDB];
	_ =	sdelay $0x1  }
0x99: {  	s19 =	simm.s32 $_scs_section_size  }
0x9a: {  	s4 =	simm.s32 $_size__tile_overlayer_lowered;
	s5 =	simm.s32 $_tile_overlayer_lowered  }
0x9b: {  	s22 =	simm.s32 $0x1BFF;
	s21 =	sshll.u32 s5, $0x1;
	s2 =	sadd.s32 s19, s18  }
0x9c: {  	s6 =	simm.s32 $0x0;
	s20 =	sshll.u32 s4, $0x1;
	s4 =	sadd.s32 s21, s2  }
0x9d: {  	[timem:s6], [sflag:s22] =	dma.local [hbm:s4], s20  }
0x9e: {  	_ =	swait.ge [sflag:s22], s20  }
0x9f: {  	s3 =	ssub.s32 $0x0, s20;
	[sflag:s22] =	ssyncset.done $0x0  }
0xa0: {  	[sflag:s22] =	ssyncadd.s32 s3;
	_ =	sdelay $0x1  }
0xa1: {  	s23 =	simm.s32 $0x1B8B  }
0xa2: {  	_ =	swait.ge [sflag:s23], $0x1  }
0xa3: {  	[sflag:s23] =	ssyncset.done $0x0  }
0xa4: {  	s25 =	simm.s32 $0x1B8E;
	s24 =	sld [smem:$0x3FFE];
	[sflag:s23] =	ssyncadd.s32 $0xFFFFFFFF  }
0xa5: {  	s26 =	simm.s32 $execute0_lowered;
	[smem:$0x3FD2] =	sst s25  }
0xa6: {  	s4 =	sshll.u32 s26, $0x1;
	_ =	strace $0x80000046;
	[dreg:$0x1] =	wrdreg $0xFFFFFFFF  }
0xa7: {  	s28 =	simm.s32 $_size_execute0_lowered;
	s2 =	sadd.s32 s2, s4;
	[dreg:$0x0] =	wrdreg $0x0  }
0xa8: {  	s4 =	sshll.u32 s28, $0x1;
	[dreg:$0x2] =	wrdreg s2  }
0xa9: {  	[dreg:$0x3] =	wrdreg s4  }
0xaa: {  	[dreg:$0x4] =	wrdreg $0xC0  }
0xab: {  	_ =	task [dreg:s6], $0x5FFFF  }
0xac: {  	[dreg:$0x1] =	wrdreg $0xFFFFFFFF  }
0xad: {  	[dreg:$0x0] =	wrdreg $0x60  }
0xae: {  	[dreg:$0x2] =	wrdreg s24  }
0xaf: {  	[dreg:$0x3] =	wrdreg $0x11DC00  }
0xb0: {  	[dreg:$0x4] =	wrdreg $0x9  }
0xb1: {  	_ =	task.clear_ibuf [dreg:s6], $0x5FFFF;
	_ =	strace $0x90000046  }
0xb2: {  	s29 =	simm.s32 $0x9;
	_ =	strace $0x80000048  }
0xb3: {  	_ =	swait.ge [sflag:s29], $0x1  }
0xb4: {  	[sflag:s29] =	ssyncadd.s32 $0xFFFFFFFF  }
0xb5: {  	_ =	strace $0x90000048  }
0xb6: {  	_ =	sfence  }
0xb7: {  	s30 =	sld [smem:$0x0];
	_ =	sdelay $0x2  }
0xb8: {  	s31 =	sshll.u32 s1, $0xD;
	s1 =	sshrl.u32 s1, $0x2  }
0xb9: {  	s3 =	sand.u32 $0x4000, s31;
	s1 =	sadd.s32 s1, s30  }
0xba: {  	s0 =	sor.u32 s3, s0;
	s1 =	sshll.u32 s1, $0x11  }
0xbb: {  	s0 =	sor.u32 s1, s0  }
0xbc: {  	s0 =	sadd.s32 $0x8F2B, s0  }
0xbd: {  	[sflag:s0] =	ssyncadd.remote.s32 $0x1  }
0xbe: {  	_ =	sfence.sel $0xFFFF  }
0xbf: {  	[dreg:$0x0] =	wrdreg $0xFFFFFFFF;
	(pc) =	sbr.abs _section_cstart, $3  }
0xc0: {  	[dreg:$0x1] =	wrdreg $0xFFFFFFFF  }
0xc1: {  	_ =	task.clear_ibuf [dreg:s6], $0x2FFFF;
	_ =	strace $0x9FFFFFFF  }
0xc2: {  	(tm) =	ssettm $0x7FFFFFFF  }
0xc3: {  	_ =	shalt  }
tec
execute0_lowered:
.L_overlay_start_1:
0x0: {  	(tag) =	ssettag $0x1  }
0x1: {  	s0 =	srdreg.scid  }
0x2: {  	s1 =	rddreg [dreg:$0x0];
	s8 =	stileid.u32  }
0x3: {  	s2 =	rddreg [dreg:$0x1];
	s3 =	simm.s32 $0x0;
	s14 =	simm.s32 $0xFDC0  }
0x4: {  	s15 =	simm.s32 $0x5;
	s16 =	simm.s32 $0x5000;
	s5 =	smul.u32 $0x5000, s8  }
0x5: {  	s17 =	simm.s32 $0x7D;
	s18 =	simm.s32 $0xA000;
	s6 =	smul.u32 $0xA000, s8  }
0x6: {  	s28 =	simm.s32 $0x180;
	s0 =	sand.u32 $0x1, s0;
	s22 =	smul.u32 $0x28000, s8  }
0x7: {  	s29 =	simm.s32 $0x3;
	s30 =	simm.s32 $0x5100;
	s4 =	smul.u32 $0x13880, s0  }
0x8: {  	s31 =	simm.s32 $0x200;
	[smem:$0x7FF] =	sst s3;
	s7 =	smul.u32 $0xA0000, s0  }
0x9: {  	_ =	strace $0x80000047;
	s0 =	ssub.s32 $0x2, s0;
	s20 =	sshrl.u32 s5, $0x3  }
0xa: {  	s24 =	sshrl.u32 s0, $0x1;
	s25 =	sshrl.u32 s22, $0x2;
	s11 =	sadd.s32 s4, s1  }
0xb: {  	s21 =	sadd.s32 s6, s7;
	s10 =	sadd.s32 s20, s1;
	s0 =	ssub.s32 s0, s24  }
0xc: {  	s4 =	sadd.s32 s6, s2;
	s26 =	sadd.s32 s25, s2;
	s20 =	simm.s32 $0xBF40  }
0xd: {  	s24 =	simm.s32 $0x2;
	s25 =	simm.s32 $0x4;
	s23 =	sshrl.u32 s21, $0x3  }
.Ltmp0:
0xe: {  	s5 =	sadd.s32 $0x2000, s26;
	s6 =	sadd.s32 $0x4000, s26;
	(pc) =	sbr.rel .LBB2_1-.Ltmp0, $4  }
0xf: {  	s7 =	sadd.s32 $0x6000, s26;
	s8 =	sadd.s32 $0x8000, s26;
	s9 =	sadd.s32 $0x78200, s10  }
0x10: {  	s10 =	sadd.s32 $0x82200, s10;
	s11 =	sadd.s32 $0x51000, s11;
	s13 =	smax.u32 s0, $0x1  }
0x11: {  	s21 =	simm.s32 $0x1;
	s26 =	simm.s32 $0x5080;
	s1 =	sadd.s32 s23, s1  }
0x12: {  	v0 =	vimm.f32 $0.0e+00;
	s23 =	simm.s32 $0xDE80;
	s12 =	sadd.s32 $0x8C200, s1;
	s1 =	simm.s32 $0x9F80  }
.LBB2_6:
0x13: {  	_ =	swait.ge [sflag:s21], $0x1F40  }
0x14: {  	[sflag:s21] =	ssyncset.done $0x0  }
0x15: {  	[sflag:s21] =	ssyncadd.s32 $0xFFFFE0C0  }
0x16: {  	_ =	swait.ge [sflag:s25], $0x1F40  }
0x17: {  	[sflag:s25] =	ssyncset.done $0x0  }
0x18: {  	[sflag:s25] =	ssyncadd.s32 $0xFFFFE0C0  }
0x19: {  	[spmem:s2] =	stream.indirect.scatter.add.f32 [tilespmem:s18], [sflag:$0x4], $0x40, s1, s17, $0xb8;
	[tilespmem:$0x1BDC0] =	vst v63  }
0x1a: {  	s0 =	stileid.u32;
	_ =	swait.ge [sflag:s25], $0x1F40  }
0x1b: {  	s19 =	sshrl.u32 s4, $0x3;
	s3 =	sadd.s32 $0x1, s3;
	[sflag:s25] =	ssyncset.done $0x0  }
0x1c: {  	s0 =	sshll.u32 s0, $0x6;
	p0 =	sne.s32 s3, s13;
	[sflag:s25] =	ssyncadd.s32 $0xFFFFE0C0  }
.Ltmp1:
0x1d: {  	s0 =	sor.u32 $0x1C05, s0;
	[bflag:$0x0] =	sbarrier.arrive $0xFFFF;
	(pc) =	sbr.rel @!p0 .LBB2_7-.Ltmp1, $4  }
0x1e: {  	[hbm:s12], [sflag:s0] =	dma.local [spmem:s19], $0x1400  }
0x1f: {  	_ =	swait.ge [sflag:s15], $0x1400  }
0x20: {  	[sflag:s15] =	ssyncset.done $0x0  }
0x21: {  	[sflag:s15] =	ssyncadd.s32 $0xFFFFEC00  }
.LBB2_1:
0x22: {  	s19 =	simm.s32 $0x100;
	s0 =	simm.s32 $0x0  }
.LBB2_2:
0x23: {  	p0 =	sne.s32 s19, $0x7F00;
	[tilespmem:s0+$0xFDF0] =	vst v0;
	s22 =	smov.u32 s19;
	s19 =	sadd.s32 $0x100, s19  }
.Ltmp2:
0x24: {  	[tilespmem:s0+$0xFDE0] =	vst v0;
	(pc) =	sbr.rel @p0 .LBB2_2-.Ltmp2, $3  }
0x25: {  	[tilespmem:s0+$0xFDC0] =	vst v0  }
0x26: {  	[tilespmem:s0+$0xFDD0] =	vst v0;
	_ =	sdelay $0x1  }
0x27: {  	s0 =	sshra.s32 s22, $0x2  }
0x28: {  	[tilespmem:s0+$0xFDF0] =	vst v0  }
0x29: {  	[tilespmem:s0+$0xFDE0] =	vst v0  }
0x2a: {  	[tilespmem:s0+$0xFDC0] =	vst v0  }
0x2b: {  	[tilespmem:s0+$0xFDD0] =	vst v0  }
0x2c: {  	[spmem:s4] =	stream.linear.scatter [tilespmem:s14], [sflag:$0x5], $0x2000, $0x38;
	[tilespmem:$0x1BDC0] =	vst v63  }
0x2d: {  	_ =	swait.ge [sflag:s15], $0x2000  }
0x2e: {  	[sflag:s15] =	ssyncset.done $0x0  }
0x2f: {  	[sflag:s15] =	ssyncadd.s32 $0xFFFFE000  }
0x30: {  	[spmem:s5] =	stream.linear.scatter [tilespmem:s14], [sflag:$0x5], $0x2000, $0x38;
	[tilespmem:$0x1BDC0] =	vst v63  }
0x31: {  	_ =	swait.ge [sflag:s15], $0x2000  }
0x32: {  	[sflag:s15] =	ssyncset.done $0x0  }
0x33: {  	[sflag:s15] =	ssyncadd.s32 $0xFFFFE000  }
0x34: {  	[spmem:s6] =	stream.linear.scatter [tilespmem:s14], [sflag:$0x5], $0x2000, $0x38;
	[tilespmem:$0x1BDC0] =	vst v63  }
0x35: {  	_ =	swait.ge [sflag:s15], $0x2000  }
0x36: {  	[sflag:s15] =	ssyncset.done $0x0  }
0x37: {  	[sflag:s15] =	ssyncadd.s32 $0xFFFFE000  }
0x38: {  	[spmem:s7] =	stream.linear.scatter [tilespmem:s14], [sflag:$0x5], $0x2000, $0x38;
	[tilespmem:$0x1BDC0] =	vst v63  }
0x39: {  	_ =	swait.ge [sflag:s15], $0x2000  }
0x3a: {  	[sflag:s15] =	ssyncset.done $0x0  }
0x3b: {  	[sflag:s15] =	ssyncadd.s32 $0xFFFFE000  }
0x3c: {  	[spmem:s8] =	stream.linear.scatter [tilespmem:s14], [sflag:$0x5], $0x2000, $0x38;
	[tilespmem:$0x1BDC0] =	vst v63  }
0x3d: {  	_ =	swait.ge [sflag:s15], $0x2000  }
0x3e: {  	[sflag:s15] =	ssyncset.done $0x0  }
0x3f: {  	[sflag:s15] =	ssyncadd.s32 $0xFFFFE000  }
0x40: {  	s0 =	simm.s32 $0x0;
	[bflag:$0x0] =	sbarrier.arrive $0xFFFF  }
0x41: {  	[tilespmem:s0], [sflag:$0x5] =	stream.linear.gather [hbm4b:s9+s0], $0x5000, $0x38;
	[tilespmem:$0x1BDC0] =	vst v63  }
0x42: {  	_ =	swait.ge [sflag:s15], $0x5000  }
0x43: {  	[sflag:s15] =	ssyncset.done $0x0  }
0x44: {  	[sflag:s15] =	ssyncadd.s32 $0xFFFFB000  }
0x45: {  	[tilespmem:s16], [sflag:$0x5] =	stream.linear.gather [hbm4b:s10+s0], $0x5000, $0x38;
	[tilespmem:$0x1BDC0] =	vst v63  }
0x46: {  	_ =	swait.ge [sflag:s15], $0x5000  }
0x47: {  	[sflag:s15] =	ssyncset.done $0x0  }
0x48: {  	[sflag:s15] =	ssyncadd.s32 $0xFFFFB000  }
0x49: {  	[tilespmem:s18], [sflag:$0x1] =	stream.indirect.gather [hbm4b:s11+s17], $0x40, s0, s17, $0xb8;
	[tilespmem:$0x1BDC0] =	vst v63  }
0x4a: {  	s19 =	simm.s32 $0x80  }
0x4b: {  	[tilespmem:s20], [sflag:$0x2] =	stream.indirect.gather [hbm4b:s11+s17], $0x40, s19, s17, $0xb8;
	[tilespmem:$0x1BDC0] =	vst v63  }
0x4c: {  	_ =	swait.ge [sflag:s21], $0x1F40  }
0x4d: {  	[sflag:s21] =	ssyncset.done $0x0  }
0x4e: {  	[sflag:s21] =	ssyncadd.s32 $0xFFFFE0C0  }
0x4f: {  	[spmem:s2] =	stream.indirect.scatter.add.f32 [tilespmem:s18], [sflag:$0x4], $0x40, s16, s17, $0xb8;
	[tilespmem:$0x1BDC0] =	vst v63  }
0x50: {  	s22 =	simm.s32 $0x100  }
0x51: {  	[tilespmem:s23], [sflag:$0x3] =	stream.indirect.gather [hbm4b:s11+s17], $0x40, s22, s17, $0xb8;
	[tilespmem:$0x1BDC0] =	vst v63  }
0x52: {  	_ =	swait.ge [sflag:s24], $0x1F40  }
0x53: {  	[sflag:s24] =	ssyncset.done $0x0  }
0x54: {  	[sflag:s24] =	ssyncadd.s32 $0xFFFFE0C0  }
0x55: {  	_ =	swait.ge [sflag:s25], $0x1F40  }
0x56: {  	[sflag:s25] =	ssyncset.done $0x0  }
0x57: {  	[sflag:s25] =	ssyncadd.s32 $0xFFFFE0C0  }
0x58: {  	[spmem:s2] =	stream.indirect.scatter.add.f32 [tilespmem:s20], [sflag:$0x4], $0x40, s26, s17, $0xb8;
	[tilespmem:$0x1BDC0] =	vst v63  }
0x59: {  	_ = 	snop  }
0x5a: {  	[tilespmem:s18], [sflag:$0x1] =	stream.indirect.gather [hbm4b:s11+s17], $0x40, s28, s17, $0xb8;
	[tilespmem:$0x1BDC0] =	vst v63  }
0x5b: {  	_ =	swait.ge [sflag:s29], $0x1F40  }
0x5c: {  	[sflag:s29] =	ssyncset.done $0x0  }
0x5d: {  	[sflag:s29] =	ssyncadd.s32 $0xFFFFE0C0  }
0x5e: {  	_ =	swait.ge [sflag:s25], $0x1F40  }
0x5f: {  	[sflag:s25] =	ssyncset.done $0x0  }
0x60: {  	[sflag:s25] =	ssyncadd.s32 $0xFFFFE0C0  }
0x61: {  	[spmem:s2] =	stream.indirect.scatter.add.f32 [tilespmem:s23], [sflag:$0x4], $0x40, s30, s17, $0xb8;
	[tilespmem:$0x1BDC0] =	vst v63  }
0x62: {  	_ = 	snop  }
0x63: {  	[tilespmem:s20], [sflag:$0x2] =	stream.indirect.gather [hbm4b:s11+s17], $0x40, s31, s17, $0xb8;
	[tilespmem:$0x1BDC0] =	vst v63  }
.LBB2_4:
0x64: {  	_ =	swait.ge [sflag:s21], $0x1F40  }
0x65: {  	[sflag:s21] =	ssyncset.done $0x0  }
0x66: {  	[sflag:s21] =	ssyncadd.s32 $0xFFFFE0C0  }
0x67: {  	_ =	swait.ge [sflag:s25], $0x1F40  }
0x68: {  	s19 =	sshra.s32 s0, $0x2;
	[sflag:s25] =	ssyncset.done $0x0  }
0x69: {  	s22 =	sadd.s32 $0x5180, s19;
	[sflag:s25] =	ssyncadd.s32 $0xFFFFE0C0  }
0x6a: {  	[spmem:s2] =	stream.indirect.scatter.add.f32 [tilespmem:s18], [sflag:$0x4], $0x40, s22, s17, $0xb8;
	[tilespmem:$0x1BDC0] =	vst v63  }
0x6b: {  	s22 =	sadd.s32 $0x280, s19  }
0x6c: {  	[tilespmem:s23], [sflag:$0x3] =	stream.indirect.gather [hbm4b:s11+s17], $0x40, s22, s17, $0xb8;
	[tilespmem:$0x1BDC0] =	vst v63  }
0x6d: {  	_ =	swait.ge [sflag:s24], $0x1F40  }
0x6e: {  	[sflag:s24] =	ssyncset.done $0x0  }
0x6f: {  	[sflag:s24] =	ssyncadd.s32 $0xFFFFE0C0  }
0x70: {  	_ =	swait.ge [sflag:s25], $0x1F40  }
0x71: {  	[sflag:s25] =	ssyncset.done $0x0  }
0x72: {  	s22 =	sadd.s32 $0x5200, s19;
	[sflag:s25] =	ssyncadd.s32 $0xFFFFE0C0  }
0x73: {  	[spmem:s2] =	stream.indirect.scatter.add.f32 [tilespmem:s20], [sflag:$0x4], $0x40, s22, s17, $0xb8;
	[tilespmem:$0x1BDC0] =	vst v63  }
0x74: {  	s22 =	sadd.s32 $0x300, s19  }
0x75: {  	[tilespmem:s18], [sflag:$0x1] =	stream.indirect.gather [hbm4b:s11+s17], $0x40, s22, s17, $0xb8;
	[tilespmem:$0x1BDC0] =	vst v63  }
0x76: {  	_ =	swait.ge [sflag:s29], $0x1F40  }
0x77: {  	p0 =	seq.s32 s0, $0x13200;
	[sflag:s29] =	ssyncset.done $0x0  }
.Ltmp3:
0x78: {  	[sflag:s29] =	ssyncadd.s32 $0xFFFFE0C0;
	(pc) =	sbr.rel @p0 .LBB2_6-.Ltmp3, $4  }
0x79: {  	_ =	swait.ge [sflag:s25], $0x1F40  }
0x7a: {  	[sflag:s25] =	ssyncset.done $0x0  }
0x7b: {  	s22 =	sadd.s32 $0x5280, s19;
	[sflag:s25] =	ssyncadd.s32 $0xFFFFE0C0  }
0x7c: {  	[spmem:s2] =	stream.indirect.scatter.add.f32 [tilespmem:s23], [sflag:$0x4], $0x40, s22, s17, $0xb8;
	[tilespmem:$0x1BDC0] =	vst v63  }
.Ltmp4:
0x7d: {  	(pc) =	sbr.rel .LBB2_4-.Ltmp4, $3  }
0x7e: {  	_ =	sdelay $0x1  }
0x7f: {  	s19 =	sadd.s32 $0x380, s19;
	s0 =	sadd.s32 $0x600, s0  }
0x80: {  	[tilespmem:s20], [sflag:$0x2] =	stream.indirect.gather [hbm4b:s11+s17], $0x40, s19, s17, $0xb8;
	[tilespmem:$0x1BDC0] =	vst v63  }
.LBB2_7:
0x81: {  	_ =	sfence.sel $0x180000  }
0x82: {  	[bflag:$0x0] =	sbarrier.arrive $0xFFFF  }
0x83: {  	_ =	strace $0x90000047  }
0x84: {  	s0 =	stileid.u32;
	[bflag:$0x2] =	sbarrier.arrive $0xFFFF  }
0x85: {  	p0 =	sne.s32 s0, $0x0;
	s0 =	rddreg [dreg:$0x2]  }
0x86: {  	s0 =	sadd.s32 @!p0 $0x100000, s0  }
0x87: {  	[sflag:s0] =	ssyncadd.tile.s32 @!p0 $0x1;
	_ =	shalt  }
.Lfunc_end2:
_tile_overlayer_lowered:
.L_overlay_start_2:
0x88: {  	(tag) =	ssettag $0x2  }
0x89: {  	s0 =	rddreg [dreg:$0x0];
	s2 =	stileid.u32  }
0x8a: {  	s1 =	rddreg [dreg:$0x1];
	p0 =	sne.s32 s2, $0x0  }
0x8b: {  	s3 =	rddreg [dreg:$0x2];
	[bflag:$0x3] =	sbarrier.arrive $0xFFFF;
	s2 =	simm.s32 @!p0 $0x1C05  }
0x8c: {  	[timem:s3], [sflag:s2] =	dma.local @!p0 [hbm:s0], s1  }
0x8d: {  	s0 =	simm.s32 @!p0 $0x5  }
0x8e: {  	_ =	swait.ge @!p0 [sflag:s0], s1  }
0x8f: {  	s1 =	ssub.s32 @!p0 $0x0, s1;
	[sflag:s0] =	ssyncset.done @!p0 $0x0  }
0x90: {  	[sflag:s0] =	ssyncadd.s32 @!p0 s1  }
0x91: {  	[bflag:$0x3] =	sbarrier.arrive $0xFFFF  }
0x92: {  	_ =	shalt  }

</sc_bundles>
